<compile_context>
chip_gen: v7x
topology: tpu7x:2x2x1
jax: 0.10.2.dev20260603
libtpu: 0.0.44.dev20260713+nightly
codegen_flags: <defaults>
</compile_context>

<pallas_src>
import functools

import jax
import jax.numpy as jnp
from jax import lax
from jax.experimental import pallas as pl
from jax.experimental.pallas import tpu as pltpu
from jax.experimental.pallas import tpu_sc as plsc

N_WORDS = 1_000_000
N_LABELS = 64
VBLK = 16_384
GRID = -(-N_WORDS // VBLK)

TOKENS = 4096 * 200
NUM_WORKERS = 32
PER_W = TOKENS // NUM_WORKERS
CHUNK = 128
NCHUNK = PER_W // CHUNK
LANES = 16


def _row_log_softmax(v):
    m = jnp.max(v, axis=-1, keepdims=True)
    return v - (m + jnp.log(jnp.sum(jnp.exp(v - m), axis=-1, keepdims=True)))


def _reduce_body(emits_t_ref, trans_ref, start_ref, end_ref,
                 lse_ref, pairs_ref, trans_out, start_out, end_out,
                 m_scr, s_scr):
    i = pl.program_id(0)

    @pl.when(i == 0)
    def _():
        m_scr[...] = jnp.full(m_scr.shape, -jnp.inf, m_scr.dtype)
        s_scr[...] = jnp.zeros(s_scr.shape, s_scr.dtype)

    x = emits_t_ref[...]
    lane = jax.lax.broadcasted_iota(jnp.int32, x.shape, 1) + i * VBLK
    valid = lane < N_WORDS
    xm = jnp.where(valid, x, -jnp.inf)
    bm = jnp.max(xm, axis=1, keepdims=True)
    m_old = m_scr[...]
    m_new = jnp.maximum(m_old, bm)
    e = jnp.where(valid, jnp.exp(x - m_new), 0.0)
    s_new = s_scr[...] * jnp.exp(m_old - m_new) + jnp.sum(e, axis=1,
                                                          keepdims=True)
    m_scr[...] = m_new
    s_scr[...] = s_new

    t = jnp.transpose(x)
    pairs_ref[...] = jnp.concatenate([t, jnp.zeros_like(t)], axis=1)

    @pl.when(i == GRID - 1)
    def _():
        lse_ref[...] = m_new + jnp.log(s_new)
        trans_out[...] = _row_log_softmax(trans_ref[...])
        start_out[...] = _row_log_softmax(start_ref[...])
        end_out[...] = _row_log_softmax(end_ref[...])


def _lse_table_and_small(emits_t, transitions, start, end):
    out_shapes = (
        jax.ShapeDtypeStruct((N_LABELS, 1), jnp.float32),
        jax.ShapeDtypeStruct((N_WORDS, 128), jnp.float32),
        jax.ShapeDtypeStruct((N_LABELS, N_LABELS), jnp.float32),
        jax.ShapeDtypeStruct((1, N_LABELS), jnp.float32),
        jax.ShapeDtypeStruct((1, N_LABELS), jnp.float32),
    )
    return pl.pallas_call(
        _reduce_body,
        grid=(GRID,),
        in_specs=[
            pl.BlockSpec((N_LABELS, VBLK), lambda i: (0, i)),
            pl.BlockSpec((N_LABELS, N_LABELS), lambda i: (0, 0)),
            pl.BlockSpec((1, N_LABELS), lambda i: (0, 0)),
            pl.BlockSpec((1, N_LABELS), lambda i: (0, 0)),
        ],
        out_specs=(
            pl.BlockSpec((N_LABELS, 1), lambda i: (0, 0)),
            pl.BlockSpec((VBLK, 128), lambda i: (i, 0)),
            pl.BlockSpec((N_LABELS, N_LABELS), lambda i: (0, 0)),
            pl.BlockSpec((1, N_LABELS), lambda i: (0, 0)),
            pl.BlockSpec((1, N_LABELS), lambda i: (0, 0)),
        ),
        out_shape=out_shapes,
        scratch_shapes=[
            pltpu.VMEM((N_LABELS, 1), jnp.float32),
            pltpu.VMEM((N_LABELS, 1), jnp.float32),
        ],
    )(emits_t, transitions, start.reshape(1, N_LABELS),
      end.reshape(1, N_LABELS))


def _make_gather():
    mesh = plsc.VectorSubcoreMesh(core_axis_name="c", subcore_axis_name="s")

    @functools.partial(
        pl.kernel,
        mesh=mesh,
        compiler_params=pltpu.CompilerParams(use_tc_tiling_on_sc=False),
        out_type=jax.ShapeDtypeStruct((TOKENS, 128), jnp.float32),
        scratch_types=[
            pltpu.VMEM((NCHUNK, CHUNK), jnp.int32),
            pltpu.VMEM((CHUNK, N_LABELS), jnp.float32),
            pltpu.VMEM((CHUNK, N_LABELS), jnp.float32),
            pltpu.VMEM((CHUNK, N_LABELS), jnp.float32),
            pltpu.VMEM((CHUNK, N_LABELS), jnp.float32),
            pltpu.VMEM((N_LABELS,), jnp.float32),
            pltpu.SemaphoreType.DMA,
            pltpu.SemaphoreType.DMA,
            pltpu.SemaphoreType.DMA,
            pltpu.SemaphoreType.DMA,
            pltpu.SemaphoreType.DMA,
            pltpu.SemaphoreType.DMA,
            pltpu.SemaphoreType.DMA,
            pltpu.SemaphoreType.DMA,
        ],
    )
    def gather_kernel(words_hbm, emits_hbm, lse_hbm, out_hbm,
                      idx_v, r0, r1, r2, r3, lse_v,
                      g0, g1, g2, g3, o0, o1, o2, o3):
        wid = lax.axis_index("s") * 2 + lax.axis_index("c")
        pltpu.sync_copy(words_hbm.at[pl.ds(wid * NCHUNK, NCHUNK)], idx_v)
        pltpu.sync_copy(lse_hbm, lse_v)
        base = wid * PER_W
        bufs = (r0, r1, r2, r3)
        gsems = (g0, g1, g2, g3)
        osems = (o0, o1, o2, o3)
        NB = 4

        def out_slice(g):
            return out_hbm.at[pl.ds(base + g * CHUNK, CHUNK),
                              pl.ds(0, N_LABELS)]

        lse_regs = [lse_v[pl.ds(c * LANES, LANES)]
                    for c in range(N_LABELS // LANES)]

        def fix_rows(rows):
            def row_body(r, c2):
                for c in range(N_LABELS // LANES):
                    sl = pl.ds(c * LANES, LANES)
                    rows[r, sl] = rows[r, sl] - lse_regs[c]
                return c2
            lax.fori_loop(0, CHUNK, row_body, 0, unroll=8)

        pltpu.async_copy(emits_hbm.at[idx_v.at[0]], bufs[0], gsems[0])
        pltpu.async_copy(emits_hbm.at[idx_v.at[1]], bufs[1], gsems[1])

        def chunk_quad(p, carry):
            for b in range(NB):
                g = p * NB + b
                nb = (b + 2) % NB

                @pl.when(g - 2 >= 0)
                def _():
                    pltpu.make_async_copy(
                        bufs[nb], out_slice(g - 2), osems[nb]).wait()

                @pl.when(g + 2 < NCHUNK)
                def _():
                    pltpu.async_copy(
                        emits_hbm.at[idx_v.at[g + 2]], bufs[nb], gsems[nb])

                pltpu.make_async_copy(
                    emits_hbm.at[idx_v.at[g]], bufs[b], gsems[b]).wait()
                fix_rows(bufs[b])
                pltpu.async_copy(bufs[b], out_slice(g), osems[b])
            return carry

        lax.fori_loop(0, NCHUNK // NB, chunk_quad, 0)

        pltpu.make_async_copy(
            bufs[(NCHUNK - 2) % NB], out_slice(NCHUNK - 2),
            osems[(NCHUNK - 2) % NB]).wait()
        pltpu.make_async_copy(
            bufs[(NCHUNK - 1) % NB], out_slice(NCHUNK - 1),
            osems[(NCHUNK - 1) % NB]).wait()

    return gather_kernel


def kernel(words, mask, emits, transitions, start, end):
    lse2, table128, trans_ls, start_ls2, end_ls2 = _lse_table_and_small(
        emits.T, transitions, start, end)
    table2 = table128.reshape(2 * N_WORDS, N_LABELS)
    words2d = (words * 2).reshape(TOKENS // CHUNK, CHUNK)
    out = _make_gather()(words2d, table2, lse2.reshape(N_LABELS))
    emit_scores = out.reshape(words.shape[0], words.shape[1], 128)[:, :, :N_LABELS]
    return (emit_scores, trans_ls, start_ls2.reshape(N_LABELS),
            end_ls2.reshape(N_LABELS))

# --- scband reference (transcript-rebuilt; emitter-appended) ---
"""Pipeline reference for scband-vanilla-hmm-24592982737118 (READ-ONLY COPY).

The authoritative reference and input builder live on the scoring server;
editing this copy changes nothing except your own understanding.
"""

import jax, jax.numpy as jnp
import numpy as np

N_WORDS = 1000000
N_LABELS = 64
BATCH = 4096
SEQ = 200


def setup_inputs(seed: int = 0) -> dict:
    key = jax.random.key(seed)
    k1, k2, k3, k4, k5 = jax.random.split(key, 5)
    words = jax.random.randint(k1, (BATCH, SEQ), 0, N_WORDS)
    mask = jnp.ones((BATCH, SEQ), dtype=bool)
    emits = jax.random.normal(k2, (N_WORDS, N_LABELS), dtype=jnp.float32)
    transitions = jax.random.normal(k3, (N_LABELS, N_LABELS), dtype=jnp.float32)
    start = jax.random.normal(k4, (N_LABELS,), dtype=jnp.float32)
    end = jax.random.normal(k5, (N_LABELS,), dtype=jnp.float32)
    return {"words": words, "mask": mask, "emits": emits,
            "transitions": transitions, "start": start, "end": end}


def reference(words, mask, emits, transitions, start, end):
    # compute_emits: F.embedding(words, log_softmax(emits, dim=0))
    # torch log_softmax over dim=0 -> normalize over the vocab axis
    log_emit_table = jax.nn.log_softmax(emits, axis=0)
    emit_scores = jnp.take(log_emit_table, words, axis=0)  # [B, S, n_labels]
    start_ls = jax.nn.log_softmax(start, axis=-1)
    end_ls = jax.nn.log_softmax(end, axis=-1)
    trans_ls = jax.nn.log_softmax(transitions, axis=-1)
    return (emit_scores, trans_ls, start_ls, end_ls)

if __name__ == "__main__":
    import jax
    _d = setup_inputs()
    print(jax.jit(kernel)(*tuple(_d.values())))

</pallas_src>

<mosaic_0001>
#map = affine_map<(d0, d1) -> (0, 0)>
#map1 = affine_map<(d0, d1) -> (0)>
module attributes {stable_mosaic.version = 14 : i64} {
  func.func @gather_kernel(%arg0: i32, %arg1: i32, %arg2: memref<6400x128xi32, #tpu.memory_space<hbm>>, %arg3: memref<2000000x64xf32, #tpu.memory_space<hbm>>, %arg4: memref<64xf32, #tpu.memory_space<hbm>>, %arg5: memref<819200x128xf32, #tpu.memory_space<hbm>>, %arg6: memref<200x128xi32, #tpu.memory_space<vmem>>, %arg7: memref<128x64xf32, #tpu.memory_space<vmem>>, %arg8: memref<128x64xf32, #tpu.memory_space<vmem>>, %arg9: memref<128x64xf32, #tpu.memory_space<vmem>>, %arg10: memref<128x64xf32, #tpu.memory_space<vmem>>, %arg11: memref<64xf32, #tpu.memory_space<vmem>>, %arg12: memref<!tpu.dma_semaphore, #tpu.memory_space<semaphore_mem>>, %arg13: memref<!tpu.dma_semaphore, #tpu.memory_space<semaphore_mem>>, %arg14: memref<!tpu.dma_semaphore, #tpu.memory_space<semaphore_mem>>, %arg15: memref<!tpu.dma_semaphore, #tpu.memory_space<semaphore_mem>>, %arg16: memref<!tpu.dma_semaphore, #tpu.memory_space<semaphore_mem>>, %arg17: memref<!tpu.dma_semaphore, #tpu.memory_space<semaphore_mem>>, %arg18: memref<!tpu.dma_semaphore, #tpu.memory_space<semaphore_mem>>, %arg19: memref<!tpu.dma_semaphore, #tpu.memory_space<semaphore_mem>>) attributes {dimension_semantics = [#tpu.dimension_semantics<core_parallel>, #tpu.dimension_semantics<subcore_parallel>], iteration_bounds = array<i64: 2, 16>, scalar_prefetch = 0 : i64, scratch_operands = 14 : i64, tpu.core_type = #tpu.core_type<sc_vector_subcore>, window_params = [{transform_indices = #map}, {transform_indices = #map}, {transform_indices = #map1}, {transform_indices = #map}]} {
    %mul3A = arith.constant 2 : i32
    %mul3A_0 = arith.muli %arg1, %mul3A : i32
    %add3A = arith.addi %mul3A_0, %arg0 : i32
    %mul3A_1 = arith.constant 200 : i32
    %mul3A_2 = arith.muli %add3A, %mul3A_1 : i32
    "tpu.region"() ({
      %run_scoped3A = tpu.sem_alloc : memref<!tpu.dma_semaphore, #tpu.memory_space<semaphore_mem>>
      %dma_start3A_45 = arith.constant 0 : i32
      %dma_start3A_46 = tpu.memref_slice %arg2[%mul3A_2, %dma_start3A_45] : memref<6400x128xi32, #tpu.memory_space<hbm>> -> memref<200x128xi32, #tpu.memory_space<hbm>>
      %dma_start3A_47 = arith.constant 0 : i32
      %dma_start3A_48 = tpu.memref_slice %arg2[%mul3A_2, %dma_start3A_47] : memref<6400x128xi32, #tpu.memory_space<hbm>> -> memref<200x128xi32, #tpu.memory_space<hbm>>
      tpu.enqueue_dma source(%dma_start3A_48 : memref<200x128xi32, #tpu.memory_space<hbm>>) target(%arg6 : memref<200x128xi32, #tpu.memory_space<vmem>>) target_semaphore(%run_scoped3A : memref<!tpu.dma_semaphore, #tpu.memory_space<semaphore_mem>>)
      %dma_wait3A_49 = arith.constant 0 : i32
      %dma_wait3A_50 = tpu.memref_slice %arg2[%mul3A_2, %dma_wait3A_49] : memref<6400x128xi32, #tpu.memory_space<hbm>> -> memref<200x128xi32, #tpu.memory_space<hbm>>
      %dma_wait3A_51 = arith.constant 0 : i32
      %dma_wait3A_52 = tpu.memref_slice %arg2[%mul3A_2, %dma_wait3A_51] : memref<6400x128xi32, #tpu.memory_space<hbm>> -> memref<200x128xi32, #tpu.memory_space<hbm>>
      tpu.wait_dma2 semaphore(%run_scoped3A : memref<!tpu.dma_semaphore, #tpu.memory_space<semaphore_mem>>) src(%dma_wait3A_52 : memref<200x128xi32, #tpu.memory_space<hbm>>) dst(%arg6 : memref<200x128xi32, #tpu.memory_space<vmem>>)
      tpu.yield
    }) : () -> ()
    "tpu.region"() ({
      %run_scoped3A = tpu.sem_alloc : memref<!tpu.dma_semaphore, #tpu.memory_space<semaphore_mem>>
      tpu.enqueue_dma source(%arg4 : memref<64xf32, #tpu.memory_space<hbm>>) target(%arg11 : memref<64xf32, #tpu.memory_space<vmem>>) target_semaphore(%run_scoped3A : memref<!tpu.dma_semaphore, #tpu.memory_space<semaphore_mem>>)
      tpu.wait_dma2 semaphore(%run_scoped3A : memref<!tpu.dma_semaphore, #tpu.memory_space<semaphore_mem>>) src(%arg4 : memref<64xf32, #tpu.memory_space<hbm>>) dst(%arg11 : memref<64xf32, #tpu.memory_space<vmem>>)
      tpu.yield
    }) : () -> ()
    %mul3A_3 = arith.constant 25600 : i32
    %mul3A_4 = arith.muli %add3A, %mul3A_3 : i32
    %get3A = arith.constant 0 : index
    %get3A_5 = tpu.vector_load %arg11[%get3A] {strides = array<i32>} : memref<64xf32, #tpu.memory_space<vmem>>, vector<16xf32>,
    %get3A_6 = vector.shape_cast %get3A_5 : vector<16xf32> to vector<16xf32>
    %get3A_7 = arith.constant 16 : index
    %get3A_8 = tpu.vector_load %arg11[%get3A_7] {strides = array<i32>} : memref<64xf32, #tpu.memory_space<vmem>>, vector<16xf32>,
    %get3A_9 = vector.shape_cast %get3A_8 : vector<16xf32> to vector<16xf32>
    %get3A_10 = arith.constant 32 : index
    %get3A_11 = tpu.vector_load %arg11[%get3A_10] {strides = array<i32>} : memref<64xf32, #tpu.memory_space<vmem>>, vector<16xf32>,
    %get3A_12 = vector.shape_cast %get3A_11 : vector<16xf32> to vector<16xf32>
    %get3A_13 = arith.constant 48 : index
    %get3A_14 = tpu.vector_load %arg11[%get3A_13] {strides = array<i32>} : memref<64xf32, #tpu.memory_space<vmem>>, vector<16xf32>,
    %get3A_15 = vector.shape_cast %get3A_14 : vector<16xf32> to vector<16xf32>
    %dma_start3A = arith.constant 0 : i32
    %dma_start3A_16 = arith.constant 0 : i32
    %dma_start3A_17 = tpu.memref_slice %arg6[%dma_start3A, %dma_start3A_16] : memref<200x128xi32, #tpu.memory_space<vmem>> -> memref<1x128xi32, #tpu.memory_space<vmem>>
    %dma_start3A_18 = tpu.memref_squeeze %dma_start3A_17 : memref<1x128xi32, #tpu.memory_space<vmem>> -> memref<128xi32, #tpu.memory_space<vmem>>
    %dma_start3A_19 = arith.constant 0 : i32
    %dma_start3A_20 = arith.constant 0 : i32
    %dma_start3A_21 = tpu.memref_slice %arg3[%dma_start3A_19, %dma_start3A_20] : memref<2000000x64xf32, #tpu.memory_space<hbm>> -> memref<2000000x64xf32, #tpu.memory_space<hbm>>
    tpu.enqueue_indirect_dma source(%dma_start3A_21 : memref<2000000x64xf32, #tpu.memory_space<hbm>>) target(%arg7 : memref<128x64xf32, #tpu.memory_space<vmem>>) offsets(%dma_start3A_18 : memref<128xi32, #tpu.memory_space<vmem>>) semaphore(%arg12 : memref<!tpu.dma_semaphore, #tpu.memory_space<semaphore_mem>>)
    %dma_start3A_22 = arith.constant 1 : i32
    %dma_start3A_23 = arith.constant 0 : i32
    %dma_start3A_24 = tpu.memref_slice %arg6[%dma_start3A_22, %dma_start3A_23] : memref<200x128xi32, #tpu.memory_space<vmem>> -> memref<1x128xi32, #tpu.memory_space<vmem>>
    %dma_start3A_25 = tpu.memref_squeeze %dma_start3A_24 : memref<1x128xi32, #tpu.memory_space<vmem>> -> memref<128xi32, #tpu.memory_space<vmem>>
    %dma_start3A_26 = arith.constant 0 : i32
    %dma_start3A_27 = arith.constant 0 : i32
    %dma_start3A_28 = tpu.memref_slice %arg3[%dma_start3A_26, %dma_start3A_27] : memref<2000000x64xf32, #tpu.memory_space<hbm>> -> memref<2000000x64xf32, #tpu.memory_space<hbm>>
    tpu.enqueue_indirect_dma source(%dma_start3A_28 : memref<2000000x64xf32, #tpu.memory_space<hbm>>) target(%arg8 : memref<128x64xf32, #tpu.memory_space<vmem>>) offsets(%dma_start3A_25 : memref<128xi32, #tpu.memory_space<vmem>>) semaphore(%arg13 : memref<!tpu.dma_semaphore, #tpu.memory_space<semaphore_mem>>)
    %scan3A = arith.constant 0 : i32
    %scan3A_29 = arith.constant 0 : i32
    %scan3A_30 = arith.constant 50 : i32
    %scan3A_31 = arith.addi %scan3A_29, %scan3A_30 : i32
    %scan3A_32 = arith.constant 1 : i32
    scf.for %scan3A_45 = %scan3A_29 to %scan3A_31 step %scan3A_32  : i32 {
      %mul3A_46 = arith.constant 4 : i32
      %mul3A_47 = arith.muli %scan3A_45, %mul3A_46 : i32
      %add3A_48 = arith.constant 0 : i32
      %add3A_49 = arith.addi %mul3A_47, %add3A_48 : i32
      %sub3A = arith.constant 2 : i32
      %sub3A_50 = arith.subi %add3A_49, %sub3A : i32
      %ge3A = arith.constant 0 : i32
      %ge3A_51 = arith.cmpi sge, %sub3A_50, %ge3A : i32
      %convert_element_type3A = arith.extui %ge3A_51 : i1 to i32
      %cond3A = arith.constant 0 : i32
      %cond3A_52 = arith.cmpi ne, %convert_element_type3A, %cond3A : i32
      scf.if %cond3A_52 {
        %sub3A_189 = arith.constant 2 : i32
        %sub3A_190 = arith.subi %add3A_49, %sub3A_189 : i32
        %mul3A_191 = arith.constant 128 : i32
        %mul3A_192 = arith.muli %sub3A_190, %mul3A_191 : i32
        %add3A_193 = arith.addi %mul3A_4, %mul3A_192 : i32
        %dma_wait3A_194 = arith.constant 0 : i32
        %dma_wait3A_195 = tpu.memref_slice %arg5[%add3A_193, %dma_wait3A_194] : memref<819200x128xf32, #tpu.memory_space<hbm>> -> memref<128x64xf32, #tpu.memory_space<hbm>>
        %dma_wait3A_196 = arith.constant 0 : i32
        %dma_wait3A_197 = tpu.memref_slice %arg5[%add3A_193, %dma_wait3A_196] : memref<819200x128xf32, #tpu.memory_space<hbm>> -> memref<128x64xf32, #tpu.memory_space<hbm>>
        tpu.wait_dma2 semaphore(%arg18 : memref<!tpu.dma_semaphore, #tpu.memory_space<semaphore_mem>>) src(%arg9 : memref<128x64xf32, #tpu.memory_space<vmem>>) dst(%dma_wait3A_197 : memref<128x64xf32, #tpu.memory_space<hbm>>)
      } else {
      }
      %add3A_53 = arith.constant 2 : i32
      %add3A_54 = arith.addi %add3A_49, %add3A_53 : i32
      %lt3A = arith.constant 200 : i32
      %lt3A_55 = arith.cmpi slt, %add3A_54, %lt3A : i32
      %convert_element_type3A_56 = arith.extui %lt3A_55 : i1 to i32
      %cond3A_57 = arith.constant 0 : i32
      %cond3A_58 = arith.cmpi ne, %convert_element_type3A_56, %cond3A_57 : i32
      scf.if %cond3A_58 {
        %add3A_189 = arith.constant 2 : i32
        %add3A_190 = arith.addi %add3A_49, %add3A_189 : i32
        %dma_start3A_191 = arith.constant 0 : i32
        %dma_start3A_192 = tpu.memref_slice %arg6[%add3A_190, %dma_start3A_191] : memref<200x128xi32, #tpu.memory_space<vmem>> -> memref<1x128xi32, #tpu.memory_space<vmem>>
        %dma_start3A_193 = tpu.memref_squeeze %dma_start3A_192 : memref<1x128xi32, #tpu.memory_space<vmem>> -> memref<128xi32, #tpu.memory_space<vmem>>
        %dma_start3A_194 = arith.constant 0 : i32
        %dma_start3A_195 = arith.constant 0 : i32
        %dma_start3A_196 = tpu.memref_slice %arg3[%dma_start3A_194, %dma_start3A_195] : memref<2000000x64xf32, #tpu.memory_space<hbm>> -> memref<2000000x64xf32, #tpu.memory_space<hbm>>
        tpu.enqueue_indirect_dma source(%dma_start3A_196 : memref<2000000x64xf32, #tpu.memory_space<hbm>>) target(%arg9 : memref<128x64xf32, #tpu.memory_space<vmem>>) offsets(%dma_start3A_193 : memref<128xi32, #tpu.memory_space<vmem>>) semaphore(%arg14 : memref<!tpu.dma_semaphore, #tpu.memory_space<semaphore_mem>>)
      } else {
      }
      %dma_wait3A_59 = arith.constant 0 : i32
      %dma_wait3A_60 = tpu.memref_slice %arg6[%add3A_49, %dma_wait3A_59] : memref<200x128xi32, #tpu.memory_space<vmem>> -> memref<1x128xi32, #tpu.memory_space<vmem>>
      %dma_wait3A_61 = tpu.memref_squeeze %dma_wait3A_60 : memref<1x128xi32, #tpu.memory_space<vmem>> -> memref<128xi32, #tpu.memory_space<vmem>>
      %dma_wait3A_62 = arith.constant 0 : i32
      %dma_wait3A_63 = arith.constant 0 : i32
      %dma_wait3A_64 = tpu.memref_slice %arg3[%dma_wait3A_62, %dma_wait3A_63] : memref<2000000x64xf32, #tpu.memory_space<hbm>> -> memref<2000000x64xf32, #tpu.memory_space<hbm>>
      tpu.wait_indirect_dma semaphore(%arg12 : memref<!tpu.dma_semaphore, #tpu.memory_space<semaphore_mem>>) src(%dma_wait3A_64 : memref<2000000x64xf32, #tpu.memory_space<hbm>>) dst(%arg7 : memref<128x64xf32, #tpu.memory_space<vmem>>)
      %scan3A_65 = arith.constant 0 : i32
      %scan3A_66 = arith.constant 0 : i32
      %scan3A_67 = arith.constant 128 : i32
      %scan3A_68 = arith.addi %scan3A_66, %scan3A_67 : i32
      %scan3A_69 = arith.constant 8 : i32
      scf.for %scan3A_189 = %scan3A_66 to %scan3A_68 step %scan3A_69  : i32 {
        %get3A_190 = arith.index_cast %scan3A_189 : i32 to index
        %get3A_191 = arith.constant 0 : index
        %get3A_192 = tpu.vector_load %arg7[%get3A_190, %get3A_191] {strides = array<i32>} : memref<128x64xf32, #tpu.memory_space<vmem>>, vector<1x16xf32>,
        %get3A_193 = vector.shape_cast %get3A_192 : vector<1x16xf32> to vector<16xf32>
        %sub3A_194 = arith.subf %get3A_193, %get3A_6 : vector<16xf32>
        %swap3A = arith.index_cast %scan3A_189 : i32 to index
        %swap3A_195 = arith.constant 0 : index
        %swap3A_196 = tpu.vector_load %arg7[%swap3A, %swap3A_195] {strides = array<i32>} : memref<128x64xf32, #tpu.memory_space<vmem>>, vector<1x16xf32>,
        %swap3A_197 = vector.shape_cast %swap3A_196 : vector<1x16xf32> to vector<16xf32>
        %swap3A_198 = vector.shape_cast %sub3A_194 : vector<16xf32> to vector<1x16xf32>
        tpu.vector_store %arg7[%swap3A, %swap3A_195], %swap3A_198 {strides = array<i32>} : memref<128x64xf32, #tpu.memory_space<vmem>>, vector<1x16xf32>,
        %get3A_199 = arith.index_cast %scan3A_189 : i32 to index
        %get3A_200 = arith.constant 16 : index
        %get3A_201 = tpu.vector_load %arg7[%get3A_199, %get3A_200] {strides = array<i32>} : memref<128x64xf32, #tpu.memory_space<vmem>>, vector<1x16xf32>,
        %get3A_202 = vector.shape_cast %get3A_201 : vector<1x16xf32> to vector<16xf32>
        %sub3A_203 = arith.subf %get3A_202, %get3A_9 : vector<16xf32>
        %swap3A_204 = arith.index_cast %scan3A_189 : i32 to index
        %swap3A_205 = arith.constant 16 : index
        %swap3A_206 = tpu.vector_load %arg7[%swap3A_204, %swap3A_205] {strides = array<i32>} : memref<128x64xf32, #tpu.memory_space<vmem>>, vector<1x16xf32>,
        %swap3A_207 = vector.shape_cast %swap3A_206 : vector<1x16xf32> to vector<16xf32>
        %swap3A_208 = vector.shape_cast %sub3A_203 : vector<16xf32> to vector<1x16xf32>
        tpu.vector_store %arg7[%swap3A_204, %swap3A_205], %swap3A_208 {strides = array<i32>} : memref<128x64xf32, #tpu.memory_space<vmem>>, vector<1x16xf32>,
        %get3A_209 = arith.index_cast %scan3A_189 : i32 to index
        %get3A_210 = arith.constant 32 : index
        %get3A_211 = tpu.vector_load %arg7[%get3A_209, %get3A_210] {strides = array<i32>} : memref<128x64xf32, #tpu.memory_space<vmem>>, vector<1x16xf32>,
        %get3A_212 = vector.shape_cast %get3A_211 : vector<1x16xf32> to vector<16xf32>
        %sub3A_213 = arith.subf %get3A_212, %get3A_12 : vector<16xf32>
        %swap3A_214 = arith.index_cast %scan3A_189 : i32 to index
        %swap3A_215 = arith.constant 32 : index
        %swap3A_216 = tpu.vector_load %arg7[%swap3A_214, %swap3A_215] {strides = array<i32>} : memref<128x64xf32, #tpu.memory_space<vmem>>, vector<1x16xf32>,
        %swap3A_217 = vector.shape_cast %swap3A_216 : vector<1x16xf32> to vector<16xf32>
        %swap3A_218 = vector.shape_cast %sub3A_213 : vector<16xf32> to vector<1x16xf32>
        tpu.vector_store %arg7[%swap3A_214, %swap3A_215], %swap3A_218 {strides = array<i32>} : memref<128x64xf32, #tpu.memory_space<vmem>>, vector<1x16xf32>,
        %get3A_219 = arith.index_cast %scan3A_189 : i32 to index
        %get3A_220 = arith.constant 48 : index
        %get3A_221 = tpu.vector_load %arg7[%get3A_219, %get3A_220] {strides = array<i32>} : memref<128x64xf32, #tpu.memory_space<vmem>>, vector<1x16xf32>,
        %get3A_222 = vector.shape_cast %get3A_221 : vector<1x16xf32> to vector<16xf32>
        %sub3A_223 = arith.subf %get3A_222, %get3A_15 : vector<16xf32>
        %swap3A_224 = arith.index_cast %scan3A_189 : i32 to index
        %swap3A_225 = arith.constant 48 : index
        %swap3A_226 = tpu.vector_load %arg7[%swap3A_224, %swap3A_225] {strides = array<i32>} : memref<128x64xf32, #tpu.memory_space<vmem>>, vector<1x16xf32>,
        %swap3A_227 = vector.shape_cast %swap3A_226 : vector<1x16xf32> to vector<16xf32>
        %swap3A_228 = vector.shape_cast %sub3A_223 : vector<16xf32> to vector<1x16xf32>
        tpu.vector_store %arg7[%swap3A_224, %swap3A_225], %swap3A_228 {strides = array<i32>} : memref<128x64xf32, #tpu.memory_space<vmem>>, vector<1x16xf32>,
        %scan3A_229 = arith.constant 1 : i32
        %scan3A_230 = arith.addi %scan3A_189, %scan3A_229 : i32
        %get3A_231 = arith.index_cast %scan3A_230 : i32 to index
        %get3A_232 = arith.constant 0 : index
        %get3A_233 = tpu.vector_load %arg7[%get3A_231, %get3A_232] {strides = array<i32>} : memref<128x64xf32, #tpu.memory_space<vmem>>, vector<1x16xf32>,
        %get3A_234 = vector.shape_cast %get3A_233 : vector<1x16xf32> to vector<16xf32>
        %sub3A_235 = arith.subf %get3A_234, %get3A_6 : vector<16xf32>
        %swap3A_236 = arith.index_cast %scan3A_230 : i32 to index
        %swap3A_237 = arith.constant 0 : index
        %swap3A_238 = tpu.vector_load %arg7[%swap3A_236, %swap3A_237] {strides = array<i32>} : memref<128x64xf32, #tpu.memory_space<vmem>>, vector<1x16xf32>,
        %swap3A_239 = vector.shape_cast %swap3A_238 : vector<1x16xf32> to vector<16xf32>
        %swap3A_240 = vector.shape_cast %sub3A_235 : vector<16xf32> to vector<1x16xf32>
        tpu.vector_store %arg7[%swap3A_236, %swap3A_237], %swap3A_240 {strides = array<i32>} : memref<128x64xf32, #tpu.memory_space<vmem>>, vector<1x16xf32>,
        %get3A_241 = arith.index_cast %scan3A_230 : i32 to index
        %get3A_242 = arith.constant 16 : index
        %get3A_243 = tpu.vector_load %arg7[%get3A_241, %get3A_242] {strides = array<i32>} : memref<128x64xf32, #tpu.memory_space<vmem>>, vector<1x16xf32>,
        %get3A_244 = vector.shape_cast %get3A_243 : vector<1x16xf32> to vector<16xf32>
        %sub3A_245 = arith.subf %get3A_244, %get3A_9 : vector<16xf32>
        %swap3A_246 = arith.index_cast %scan3A_230 : i32 to index
        %swap3A_247 = arith.constant 16 : index
        %swap3A_248 = tpu.vector_load %arg7[%swap3A_246, %swap3A_247] {strides = array<i32>} : memref<128x64xf32, #tpu.memory_space<vmem>>, vector<1x16xf32>,
        %swap3A_249 = vector.shape_cast %swap3A_248 : vector<1x16xf32> to vector<16xf32>
        %swap3A_250 = vector.shape_cast %sub3A_245 : vector<16xf32> to vector<1x16xf32>
        tpu.vector_store %arg7[%swap3A_246, %swap3A_247], %swap3A_250 {strides = array<i32>} : memref<128x64xf32, #tpu.memory_space<vmem>>, vector<1x16xf32>,
        %get3A_251 = arith.index_cast %scan3A_230 : i32 to index
        %get3A_252 = arith.constant 32 : index
        %get3A_253 = tpu.vector_load %arg7[%get3A_251, %get3A_252] {strides = array<i32>} : memref<128x64xf32, #tpu.memory_space<vmem>>, vector<1x16xf32>,
        %get3A_254 = vector.shape_cast %get3A_253 : vector<1x16xf32> to vector<16xf32>
        %sub3A_255 = arith.subf %get3A_254, %get3A_12 : vector<16xf32>
        %swap3A_256 = arith.index_cast %scan3A_230 : i32 to index
        %swap3A_257 = arith.constant 32 : index
        %swap3A_258 = tpu.vector_load %arg7[%swap3A_256, %swap3A_257] {strides = array<i32>} : memref<128x64xf32, #tpu.memory_space<vmem>>, vector<1x16xf32>,
        %swap3A_259 = vector.shape_cast %swap3A_258 : vector<1x16xf32> to vector<16xf32>
        %swap3A_260 = vector.shape_cast %sub3A_255 : vector<16xf32> to vector<1x16xf32>
        tpu.vector_store %arg7[%swap3A_256, %swap3A_257], %swap3A_260 {strides = array<i32>} : memref<128x64xf32, #tpu.memory_space<vmem>>, vector<1x16xf32>,
        %get3A_261 = arith.index_cast %scan3A_230 : i32 to index
        %get3A_262 = arith.constant 48 : index
        %get3A_263 = tpu.vector_load %arg7[%get3A_261, %get3A_262] {strides = array<i32>} : memref<128x64xf32, #tpu.memory_space<vmem>>, vector<1x16xf32>,
        %get3A_264 = vector.shape_cast %get3A_263 : vector<1x16xf32> to vector<16xf32>
        %sub3A_265 = arith.subf %get3A_264, %get3A_15 : vector<16xf32>
        %swap3A_266 = arith.index_cast %scan3A_230 : i32 to index
        %swap3A_267 = arith.constant 48 : index
        %swap3A_268 = tpu.vector_load %arg7[%swap3A_266, %swap3A_267] {strides = array<i32>} : memref<128x64xf32, #tpu.memory_space<vmem>>, vector<1x16xf32>,
        %swap3A_269 = vector.shape_cast %swap3A_268 : vector<1x16xf32> to vector<16xf32>
        %swap3A_270 = vector.shape_cast %sub3A_265 : vector<16xf32> to vector<1x16xf32>
        tpu.vector_store %arg7[%swap3A_266, %swap3A_267], %swap3A_270 {strides = array<i32>} : memref<128x64xf32, #tpu.memory_space<vmem>>, vector<1x16xf32>,
        %scan3A_271 = arith.constant 2 : i32
        %scan3A_272 = arith.addi %scan3A_189, %scan3A_271 : i32
        %get3A_273 = arith.index_cast %scan3A_272 : i32 to index
        %get3A_274 = arith.constant 0 : index
        %get3A_275 = tpu.vector_load %arg7[%get3A_273, %get3A_274] {strides = array<i32>} : memref<128x64xf32, #tpu.memory_space<vmem>>, vector<1x16xf32>,
        %get3A_276 = vector.shape_cast %get3A_275 : vector<1x16xf32> to vector<16xf32>
        %sub3A_277 = arith.subf %get3A_276, %get3A_6 : vector<16xf32>
        %swap3A_278 = arith.index_cast %scan3A_272 : i32 to index
        %swap3A_279 = arith.constant 0 : index
        %swap3A_280 = tpu.vector_load %arg7[%swap3A_278, %swap3A_279] {strides = array<i32>} : memref<128x64xf32, #tpu.memory_space<vmem>>, vector<1x16xf32>,
        %swap3A_281 = vector.shape_cast %swap3A_280 : vector<1x16xf32> to vector<16xf32>
        %swap3A_282 = vector.shape_cast %sub3A_277 : vector<16xf32> to vector<1x16xf32>
        tpu.vector_store %arg7[%swap3A_278, %swap3A_279], %swap3A_282 {strides = array<i32>} : memref<128x64xf32, #tpu.memory_space<vmem>>, vector<1x16xf32>,
        %get3A_283 = arith.index_cast %scan3A_272 : i32 to index
        %get3A_284 = arith.constant 16 : index
        %get3A_285 = tpu.vector_load %arg7[%get3A_283, %get3A_284] {strides = array<i32>} : memref<128x64xf32, #tpu.memory_space<vmem>>, vector<1x16xf32>,
        %get3A_286 = vector.shape_cast %get3A_285 : vector<1x16xf32> to vector<16xf32>
        %sub3A_287 = arith.subf %get3A_286, %get3A_9 : vector<16xf32>
        %swap3A_288 = arith.index_cast %scan3A_272 : i32 to index
        %swap3A_289 = arith.constant 16 : index
        %swap3A_290 = tpu.vector_load %arg7[%swap3A_288, %swap3A_289] {strides = array<i32>} : memref<128x64xf32, #tpu.memory_space<vmem>>, vector<1x16xf32>,
        %swap3A_291 = vector.shape_cast %swap3A_290 : vector<1x16xf32> to vector<16xf32>
        %swap3A_292 = vector.shape_cast %sub3A_287 : vector<16xf32> to vector<1x16xf32>
        tpu.vector_store %arg7[%swap3A_288, %swap3A_289], %swap3A_292 {strides = array<i32>} : memref<128x64xf32, #tpu.memory_space<vmem>>, vector<1x16xf32>,
        %get3A_293 = arith.index_cast %scan3A_272 : i32 to index
        %get3A_294 = arith.constant 32 : index
        %get3A_295 = tpu.vector_load %arg7[%get3A_293, %get3A_294] {strides = array<i32>} : memref<128x64xf32, #tpu.memory_space<vmem>>, vector<1x16xf32>,
        %get3A_296 = vector.shape_cast %get3A_295 : vector<1x16xf32> to vector<16xf32>
        %sub3A_297 = arith.subf %get3A_296, %get3A_12 : vector<16xf32>
        %swap3A_298 = arith.index_cast %scan3A_272 : i32 to index
        %swap3A_299 = arith.constant 32 : index
        %swap3A_300 = tpu.vector_load %arg7[%swap3A_298, %swap3A_299] {strides = array<i32>} : memref<128x64xf32, #tpu.memory_space<vmem>>, vector<1x16xf32>,
        %swap3A_301 = vector.shape_cast %swap3A_300 : vector<1x16xf32> to vector<16xf32>
        %swap3A_302 = vector.shape_cast %sub3A_297 : vector<16xf32> to vector<1x16xf32>
        tpu.vector_store %arg7[%swap3A_298, %swap3A_299], %swap3A_302 {strides = array<i32>} : memref<128x64xf32, #tpu.memory_space<vmem>>, vector<1x16xf32>,
        %get3A_303 = arith.index_cast %scan3A_272 : i32 to index
        %get3A_304 = arith.constant 48 : index
        %get3A_305 = tpu.vector_load %arg7[%get3A_303, %get3A_304] {strides = array<i32>} : memref<128x64xf32, #tpu.memory_space<vmem>>, vector<1x16xf32>,
        %get3A_306 = vector.shape_cast %get3A_305 : vector<1x16xf32> to vector<16xf32>
        %sub3A_307 = arith.subf %get3A_306, %get3A_15 : vector<16xf32>
        %swap3A_308 = arith.index_cast %scan3A_272 : i32 to index
        %swap3A_309 = arith.constant 48 : index
        %swap3A_310 = tpu.vector_load %arg7[%swap3A_308, %swap3A_309] {strides = array<i32>} : memref<128x64xf32, #tpu.memory_space<vmem>>, vector<1x16xf32>,
        %swap3A_311 = vector.shape_cast %swap3A_310 : vector<1x16xf32> to vector<16xf32>
        %swap3A_312 = vector.shape_cast %sub3A_307 : vector<16xf32> to vector<1x16xf32>
        tpu.vector_store %arg7[%swap3A_308, %swap3A_309], %swap3A_312 {strides = array<i32>} : memref<128x64xf32, #tpu.memory_space<vmem>>, vector<1x16xf32>,
        %scan3A_313 = arith.constant 3 : i32
        %scan3A_314 = arith.addi %scan3A_189, %scan3A_313 : i32
        %get3A_315 = arith.index_cast %scan3A_314 : i32 to index
        %get3A_316 = arith.constant 0 : index
        %get3A_317 = tpu.vector_load %arg7[%get3A_315, %get3A_316] {strides = array<i32>} : memref<128x64xf32, #tpu.memory_space<vmem>>, vector<1x16xf32>,
        %get3A_318 = vector.shape_cast %get3A_317 : vector<1x16xf32> to vector<16xf32>
        %sub3A_319 = arith.subf %get3A_318, %get3A_6 : vector<16xf32>
        %swap3A_320 = arith.index_cast %scan3A_314 : i32 to index
        %swap3A_321 = arith.constant 0 : index
        %swap3A_322 = tpu.vector_load %arg7[%swap3A_320, %swap3A_321] {strides = array<i32>} : memref<128x64xf32, #tpu.memory_space<vmem>>, vector<1x16xf32>,
        %swap3A_323 = vector.shape_cast %swap3A_322 : vector<1x16xf32> to vector<16xf32>
        %swap3A_324 = vector.shape_cast %sub3A_319 : vector<16xf32> to vector<1x16xf32>
        tpu.vector_store %arg7[%swap3A_320, %swap3A_321], %swap3A_324 {strides = array<i32>} : memref<128x64xf32, #tpu.memory_space<vmem>>, vector<1x16xf32>,
        %get3A_325 = arith.index_cast %scan3A_314 : i32 to index
        %get3A_326 = arith.constant 16 : index
        %get3A_327 = tpu.vector_load %arg7[%get3A_325, %get3A_326] {strides = array<i32>} : memref<128x64xf32, #tpu.memory_space<vmem>>, vector<1x16xf32>,
        %get3A_328 = vector.shape_cast %get3A_327 : vector<1x16xf32> to vector<16xf32>
        %sub3A_329 = arith.subf %get3A_328, %get3A_9 : vector<16xf32>
        %swap3A_330 = arith.index_cast %scan3A_314 : i32 to index
        %swap3A_331 = arith.constant 16 : index
        %swap3A_332 = tpu.vector_load %arg7[%swap3A_330, %swap3A_331] {strides = array<i32>} : memref<128x64xf32, #tpu.memory_space<vmem>>, vector<1x16xf32>,
        %swap3A_333 = vector.shape_cast %swap3A_332 : vector<1x16xf32> to vector<16xf32>
        %swap3A_334 = vector.shape_cast %sub3A_329 : vector<16xf32> to vector<1x16xf32>
        tpu.vector_store %arg7[%swap3A_330, %swap3A_331], %swap3A_334 {strides = array<i32>} : memref<128x64xf32, #tpu.memory_space<vmem>>, vector<1x16xf32>,
        %get3A_335 = arith.index_cast %scan3A_314 : i32 to index
        %get3A_336 = arith.constant 32 : index
        %get3A_337 = tpu.vector_load %arg7[%get3A_335, %get3A_336] {strides = array<i32>} : memref<128x64xf32, #tpu.memory_space<vmem>>, vector<1x16xf32>,
        %get3A_338 = vector.shape_cast %get3A_337 : vector<1x16xf32> to vector<16xf32>
        %sub3A_339 = arith.subf %get3A_338, %get3A_12 : vector<16xf32>
        %swap3A_340 = arith.index_cast %scan3A_314 : i32 to index
        %swap3A_341 = arith.constant 32 : index
        %swap3A_342 = tpu.vector_load %arg7[%swap3A_340, %swap3A_341] {strides = array<i32>} : memref<128x64xf32, #tpu.memory_space<vmem>>, vector<1x16xf32>,
        %swap3A_343 = vector.shape_cast %swap3A_342 : vector<1x16xf32> to vector<16xf32>
        %swap3A_344 = vector.shape_cast %sub3A_339 : vector<16xf32> to vector<1x16xf32>
        tpu.vector_store %arg7[%swap3A_340, %swap3A_341], %swap3A_344 {strides = array<i32>} : memref<128x64xf32, #tpu.memory_space<vmem>>, vector<1x16xf32>,
        %get3A_345 = arith.index_cast %scan3A_314 : i32 to index
        %get3A_346 = arith.constant 48 : index
        %get3A_347 = tpu.vector_load %arg7[%get3A_345, %get3A_346] {strides = array<i32>} : memref<128x64xf32, #tpu.memory_space<vmem>>, vector<1x16xf32>,
        %get3A_348 = vector.shape_cast %get3A_347 : vector<1x16xf32> to vector<16xf32>
        %sub3A_349 = arith.subf %get3A_348, %get3A_15 : vector<16xf32>
        %swap3A_350 = arith.index_cast %scan3A_314 : i32 to index
        %swap3A_351 = arith.constant 48 : index
        %swap3A_352 = tpu.vector_load %arg7[%swap3A_350, %swap3A_351] {strides = array<i32>} : memref<128x64xf32, #tpu.memory_space<vmem>>, vector<1x16xf32>,
        %swap3A_353 = vector.shape_cast %swap3A_352 : vector<1x16xf32> to vector<16xf32>
        %swap3A_354 = vector.shape_cast %sub3A_349 : vector<16xf32> to vector<1x16xf32>
        tpu.vector_store %arg7[%swap3A_350, %swap3A_351], %swap3A_354 {strides = array<i32>} : memref<128x64xf32, #tpu.memory_space<vmem>>, vector<1x16xf32>,
        %scan3A_355 = arith.constant 4 : i32
        %scan3A_356 = arith.addi %scan3A_189, %scan3A_355 : i32
        %get3A_357 = arith.index_cast %scan3A_356 : i32 to index
        %get3A_358 = arith.constant 0 : index
        %get3A_359 = tpu.vector_load %arg7[%get3A_357, %get3A_358] {strides = array<i32>} : memref<128x64xf32, #tpu.memory_space<vmem>>, vector<1x16xf32>,
        %get3A_360 = vector.shape_cast %get3A_359 : vector<1x16xf32> to vector<16xf32>
        %sub3A_361 = arith.subf %get3A_360, %get3A_6 : vector<16xf32>
        %swap3A_362 = arith.index_cast %scan3A_356 : i32 to index
        %swap3A_363 = arith.constant 0 : index
        %swap3A_364 = tpu.vector_load %arg7[%swap3A_362, %swap3A_363] {strides = array<i32>} : memref<128x64xf32, #tpu.memory_space<vmem>>, vector<1x16xf32>,
        %swap3A_365 = vector.shape_cast %swap3A_364 : vector<1x16xf32> to vector<16xf32>
        %swap3A_366 = vector.shape_cast %sub3A_361 : vector<16xf32> to vector<1x16xf32>
        tpu.vector_store %arg7[%swap3A_362, %swap3A_363], %swap3A_366 {strides = array<i32>} : memref<128x64xf32, #tpu.memory_space<vmem>>, vector<1x16xf32>,
        %get3A_367 = arith.index_cast %scan3A_356 : i32 to index
        %get3A_368 = arith.constant 16 : index
        %get3A_369 = tpu.vector_load %arg7[%get3A_367, %get3A_368] {strides = array<i32>} : memref<128x64xf32, #tpu.memory_space<vmem>>, vector<1x16xf32>,
        %get3A_370 = vector.shape_cast %get3A_369 : vector<1x16xf32> to vector<16xf32>
        %sub3A_371 = arith.subf %get3A_370, %get3A_9 : vector<16xf32>
        %swap3A_372 = arith.index_cast %scan3A_356 : i32 to index
        %swap3A_373 = arith.constant 16 : index
        %swap3A_374 = tpu.vector_load %arg7[%swap3A_372, %swap3A_373] {strides = array<i32>} : memref<128x64xf32, #tpu.memory_space<vmem>>, vector<1x16xf32>,
        %swap3A_375 = vector.shape_cast %swap3A_374 : vector<1x16xf32> to vector<16xf32>
        %swap3A_376 = vector.shape_cast %sub3A_371 : vector<16xf32> to vector<1x16xf32>
        tpu.vector_store %arg7[%swap3A_372, %swap3A_373], %swap3A_376 {strides = array<i32>} : memref<128x64xf32, #tpu.memory_space<vmem>>, vector<1x16xf32>,
        %get3A_377 = arith.index_cast %scan3A_356 : i32 to index
        %get3A_378 = arith.constant 32 : index
        %get3A_379 = tpu.vector_load %arg7[%get3A_377, %get3A_378] {strides = array<i32>} : memref<128x64xf32, #tpu.memory_space<vmem>>, vector<1x16xf32>,
        %get3A_380 = vector.shape_cast %get3A_379 : vector<1x16xf32> to vector<16xf32>
        %sub3A_381 = arith.subf %get3A_380, %get3A_12 : vector<16xf32>
        %swap3A_382 = arith.index_cast %scan3A_356 : i32 to index
        %swap3A_383 = arith.constant 32 : index
        %swap3A_384 = tpu.vector_load %arg7[%swap3A_382, %swap3A_383] {strides = array<i32>} : memref<128x64xf32, #tpu.memory_space<vmem>>, vector<1x16xf32>,
        %swap3A_385 = vector.shape_cast %swap3A_384 : vector<1x16xf32> to vector<16xf32>
        %swap3A_386 = vector.shape_cast %sub3A_381 : vector<16xf32> to vector<1x16xf32>
        tpu.vector_store %arg7[%swap3A_382, %swap3A_383], %swap3A_386 {strides = array<i32>} : memref<128x64xf32, #tpu.memory_space<vmem>>, vector<1x16xf32>,
        %get3A_387 = arith.index_cast %scan3A_356 : i32 to index
        %get3A_388 = arith.constant 48 : index
        %get3A_389 = tpu.vector_load %arg7[%get3A_387, %get3A_388] {strides = array<i32>} : memref<128x64xf32, #tpu.memory_space<vmem>>, vector<1x16xf32>,
        %get3A_390 = vector.shape_cast %get3A_389 : vector<1x16xf32> to vector<16xf32>
        %sub3A_391 = arith.subf %get3A_390, %get3A_15 : vector<16xf32>
        %swap3A_392 = arith.index_cast %scan3A_356 : i32 to index
        %swap3A_393 = arith.constant 48 : index
        %swap3A_394 = tpu.vector_load %arg7[%swap3A_392, %swap3A_393] {strides = array<i32>} : memref<128x64xf32, #tpu.memory_space<vmem>>, vector<1x16xf32>,
        %swap3A_395 = vector.shape_cast %swap3A_394 : vector<1x16xf32> to vector<16xf32>
        %swap3A_396 = vector.shape_cast %sub3A_391 : vector<16xf32> to vector<1x16xf32>
        tpu.vector_store %arg7[%swap3A_392, %swap3A_393], %swap3A_396 {strides = array<i32>} : memref<128x64xf32, #tpu.memory_space<vmem>>, vector<1x16xf32>,
        %scan3A_397 = arith.constant 5 : i32
        %scan3A_398 = arith.addi %scan3A_189, %scan3A_397 : i32
        %get3A_399 = arith.index_cast %scan3A_398 : i32 to index
        %get3A_400 = arith.constant 0 : index
        %get3A_401 = tpu.vector_load %arg7[%get3A_399, %get3A_400] {strides = array<i32>} : memref<128x64xf32, #tpu.memory_space<vmem>>, vector<1x16xf32>,
        %get3A_402 = vector.shape_cast %get3A_401 : vector<1x16xf32> to vector<16xf32>
        %sub3A_403 = arith.subf %get3A_402, %get3A_6 : vector<16xf32>
        %swap3A_404 = arith.index_cast %scan3A_398 : i32 to index
        %swap3A_405 = arith.constant 0 : index
        %swap3A_406 = tpu.vector_load %arg7[%swap3A_404, %swap3A_405] {strides = array<i32>} : memref<128x64xf32, #tpu.memory_space<vmem>>, vector<1x16xf32>,
        %swap3A_407 = vector.shape_cast %swap3A_406 : vector<1x16xf32> to vector<16xf32>
        %swap3A_408 = vector.shape_cast %sub3A_403 : vector<16xf32> to vector<1x16xf32>
        tpu.vector_store %arg7[%swap3A_404, %swap3A_405], %swap3A_408 {strides = array<i32>} : memref<128x64xf32, #tpu.memory_space<vmem>>, vector<1x16xf32>,
        %get3A_409 = arith.index_cast %scan3A_398 : i32 to index
        %get3A_410 = arith.constant 16 : index
        %get3A_411 = tpu.vector_load %arg7[%get3A_409, %get3A_410] {strides = array<i32>} : memref<128x64xf32, #tpu.memory_space<vmem>>, vector<1x16xf32>,
        %get3A_412 = vector.shape_cast %get3A_411 : vector<1x16xf32> to vector<16xf32>
        %sub3A_413 = arith.subf %get3A_412, %get3A_9 : vector<16xf32>
        %swap3A_414 = arith.index_cast %scan3A_398 : i32 to index
        %swap3A_415 = arith.constant 16 : index
        %swap3A_416 = tpu.vector_load %arg7[%swap3A_414, %swap3A_415] {strides = array<i32>} : memref<128x64xf32, #tpu.memory_space<vmem>>, vector<1x16xf32>,
        %swap3A_417 = vector.shape_cast %swap3A_416 : vector<1x16xf32> to vector<16xf32>
        %swap3A_418 = vector.shape_cast %sub3A_413 : vector<16xf32> to vector<1x16xf32>
        tpu.vector_store %arg7[%swap3A_414, %swap3A_415], %swap3A_418 {strides = array<i32>} : memref<128x64xf32, #tpu.memory_space<vmem>>, vector<1x16xf32>,
        %get3A_419 = arith.index_cast %scan3A_398 : i32 to index
        %get3A_420 = arith.constant 32 : index
        %get3A_421 = tpu.vector_load %arg7[%get3A_419, %get3A_420] {strides = array<i32>} : memref<128x64xf32, #tpu.memory_space<vmem>>, vector<1x16xf32>,
        %get3A_422 = vector.shape_cast %get3A_421 : vector<1x16xf32> to vector<16xf32>
        %sub3A_423 = arith.subf %get3A_422, %get3A_12 : vector<16xf32>
        %swap3A_424 = arith.index_cast %scan3A_398 : i32 to index
        %swap3A_425 = arith.constant 32 : index
        %swap3A_426 = tpu.vector_load %arg7[%swap3A_424, %swap3A_425] {strides = array<i32>} : memref<128x64xf32, #tpu.memory_space<vmem>>, vector<1x16xf32>,
        %swap3A_427 = vector.shape_cast %swap3A_426 : vector<1x16xf32> to vector<16xf32>
        %swap3A_428 = vector.shape_cast %sub3A_423 : vector<16xf32> to vector<1x16xf32>
        tpu.vector_store %arg7[%swap3A_424, %swap3A_425], %swap3A_428 {strides = array<i32>} : memref<128x64xf32, #tpu.memory_space<vmem>>, vector<1x16xf32>,
        %get3A_429 = arith.index_cast %scan3A_398 : i32 to index
        %get3A_430 = arith.constant 48 : index
        %get3A_431 = tpu.vector_load %arg7[%get3A_429, %get3A_430] {strides = array<i32>} : memref<128x64xf32, #tpu.memory_space<vmem>>, vector<1x16xf32>,
        %get3A_432 = vector.shape_cast %get3A_431 : vector<1x16xf32> to vector<16xf32>
        %sub3A_433 = arith.subf %get3A_432, %get3A_15 : vector<16xf32>
        %swap3A_434 = arith.index_cast %scan3A_398 : i32 to index
        %swap3A_435 = arith.constant 48 : index
        %swap3A_436 = tpu.vector_load %arg7[%swap3A_434, %swap3A_435] {strides = array<i32>} : memref<128x64xf32, #tpu.memory_space<vmem>>, vector<1x16xf32>,
        %swap3A_437 = vector.shape_cast %swap3A_436 : vector<1x16xf32> to vector<16xf32>
        %swap3A_438 = vector.shape_cast %sub3A_433 : vector<16xf32> to vector<1x16xf32>
        tpu.vector_store %arg7[%swap3A_434, %swap3A_435], %swap3A_438 {strides = array<i32>} : memref<128x64xf32, #tpu.memory_space<vmem>>, vector<1x16xf32>,
        %scan3A_439 = arith.constant 6 : i32
        %scan3A_440 = arith.addi %scan3A_189, %scan3A_439 : i32
        %get3A_441 = arith.index_cast %scan3A_440 : i32 to index
        %get3A_442 = arith.constant 0 : index
        %get3A_443 = tpu.vector_load %arg7[%get3A_441, %get3A_442] {strides = array<i32>} : memref<128x64xf32, #tpu.memory_space<vmem>>, vector<1x16xf32>,
        %get3A_444 = vector.shape_cast %get3A_443 : vector<1x16xf32> to vector<16xf32>
        %sub3A_445 = arith.subf %get3A_444, %get3A_6 : vector<16xf32>
        %swap3A_446 = arith.index_cast %scan3A_440 : i32 to index
        %swap3A_447 = arith.constant 0 : index
        %swap3A_448 = tpu.vector_load %arg7[%swap3A_446, %swap3A_447] {strides = array<i32>} : memref<128x64xf32, #tpu.memory_space<vmem>>, vector<1x16xf32>,
        %swap3A_449 = vector.shape_cast %swap3A_448 : vector<1x16xf32> to vector<16xf32>
        %swap3A_450 = vector.shape_cast %sub3A_445 : vector<16xf32> to vector<1x16xf32>
        tpu.vector_store %arg7[%swap3A_446, %swap3A_447], %swap3A_450 {strides = array<i32>} : memref<128x64xf32, #tpu.memory_space<vmem>>, vector<1x16xf32>,
        %get3A_451 = arith.index_cast %scan3A_440 : i32 to index
        %get3A_452 = arith.constant 16 : index
        %get3A_453 = tpu.vector_load %arg7[%get3A_451, %get3A_452] {strides = array<i32>} : memref<128x64xf32, #tpu.memory_space<vmem>>, vector<1x16xf32>,
        %get3A_454 = vector.shape_cast %get3A_453 : vector<1x16xf32> to vector<16xf32>
        %sub3A_455 = arith.subf %get3A_454, %get3A_9 : vector<16xf32>
        %swap3A_456 = arith.index_cast %scan3A_440 : i32 to index
        %swap3A_457 = arith.constant 16 : index
        %swap3A_458 = tpu.vector_load %arg7[%swap3A_456, %swap3A_457] {strides = array<i32>} : memref<128x64xf32, #tpu.memory_space<vmem>>, vector<1x16xf32>,
        %swap3A_459 = vector.shape_cast %swap3A_458 : vector<1x16xf32> to vector<16xf32>
        %swap3A_460 = vector.shape_cast %sub3A_455 : vector<16xf32> to vector<1x16xf32>
        tpu.vector_store %arg7[%swap3A_456, %swap3A_457], %swap3A_460 {strides = array<i32>} : memref<128x64xf32, #tpu.memory_space<vmem>>, vector<1x16xf32>,
        %get3A_461 = arith.index_cast %scan3A_440 : i32 to index
        %get3A_462 = arith.constant 32 : index
        %get3A_463 = tpu.vector_load %arg7[%get3A_461, %get3A_462] {strides = array<i32>} : memref<128x64xf32, #tpu.memory_space<vmem>>, vector<1x16xf32>,
        %get3A_464 = vector.shape_cast %get3A_463 : vector<1x16xf32> to vector<16xf32>
        %sub3A_465 = arith.subf %get3A_464, %get3A_12 : vector<16xf32>
        %swap3A_466 = arith.index_cast %scan3A_440 : i32 to index
        %swap3A_467 = arith.constant 32 : index
        %swap3A_468 = tpu.vector_load %arg7[%swap3A_466, %swap3A_467] {strides = array<i32>} : memref<128x64xf32, #tpu.memory_space<vmem>>, vector<1x16xf32>,
        %swap3A_469 = vector.shape_cast %swap3A_468 : vector<1x16xf32> to vector<16xf32>
        %swap3A_470 = vector.shape_cast %sub3A_465 : vector<16xf32> to vector<1x16xf32>
        tpu.vector_store %arg7[%swap3A_466, %swap3A_467], %swap3A_470 {strides = array<i32>} : memref<128x64xf32, #tpu.memory_space<vmem>>, vector<1x16xf32>,
        %get3A_471 = arith.index_cast %scan3A_440 : i32 to index
        %get3A_472 = arith.constant 48 : index
        %get3A_473 = tpu.vector_load %arg7[%get3A_471, %get3A_472] {strides = array<i32>} : memref<128x64xf32, #tpu.memory_space<vmem>>, vector<1x16xf32>,
        %get3A_474 = vector.shape_cast %get3A_473 : vector<1x16xf32> to vector<16xf32>
        %sub3A_475 = arith.subf %get3A_474, %get3A_15 : vector<16xf32>
        %swap3A_476 = arith.index_cast %scan3A_440 : i32 to index
        %swap3A_477 = arith.constant 48 : index
        %swap3A_478 = tpu.vector_load %arg7[%swap3A_476, %swap3A_477] {strides = array<i32>} : memref<128x64xf32, #tpu.memory_space<vmem>>, vector<1x16xf32>,
        %swap3A_479 = vector.shape_cast %swap3A_478 : vector<1x16xf32> to vector<16xf32>
        %swap3A_480 = vector.shape_cast %sub3A_475 : vector<16xf32> to vector<1x16xf32>
        tpu.vector_store %arg7[%swap3A_476, %swap3A_477], %swap3A_480 {strides = array<i32>} : memref<128x64xf32, #tpu.memory_space<vmem>>, vector<1x16xf32>,
        %scan3A_481 = arith.constant 7 : i32
        %scan3A_482 = arith.addi %scan3A_189, %scan3A_481 : i32
        %get3A_483 = arith.index_cast %scan3A_482 : i32 to index
        %get3A_484 = arith.constant 0 : index
        %get3A_485 = tpu.vector_load %arg7[%get3A_483, %get3A_484] {strides = array<i32>} : memref<128x64xf32, #tpu.memory_space<vmem>>, vector<1x16xf32>,
        %get3A_486 = vector.shape_cast %get3A_485 : vector<1x16xf32> to vector<16xf32>
        %sub3A_487 = arith.subf %get3A_486, %get3A_6 : vector<16xf32>
        %swap3A_488 = arith.index_cast %scan3A_482 : i32 to index
        %swap3A_489 = arith.constant 0 : index
        %swap3A_490 = tpu.vector_load %arg7[%swap3A_488, %swap3A_489] {strides = array<i32>} : memref<128x64xf32, #tpu.memory_space<vmem>>, vector<1x16xf32>,
        %swap3A_491 = vector.shape_cast %swap3A_490 : vector<1x16xf32> to vector<16xf32>
        %swap3A_492 = vector.shape_cast %sub3A_487 : vector<16xf32> to vector<1x16xf32>
        tpu.vector_store %arg7[%swap3A_488, %swap3A_489], %swap3A_492 {strides = array<i32>} : memref<128x64xf32, #tpu.memory_space<vmem>>, vector<1x16xf32>,
        %get3A_493 = arith.index_cast %scan3A_482 : i32 to index
        %get3A_494 = arith.constant 16 : index
        %get3A_495 = tpu.vector_load %arg7[%get3A_493, %get3A_494] {strides = array<i32>} : memref<128x64xf32, #tpu.memory_space<vmem>>, vector<1x16xf32>,
        %get3A_496 = vector.shape_cast %get3A_495 : vector<1x16xf32> to vector<16xf32>
        %sub3A_497 = arith.subf %get3A_496, %get3A_9 : vector<16xf32>
        %swap3A_498 = arith.index_cast %scan3A_482 : i32 to index
        %swap3A_499 = arith.constant 16 : index
        %swap3A_500 = tpu.vector_load %arg7[%swap3A_498, %swap3A_499] {strides = array<i32>} : memref<128x64xf32, #tpu.memory_space<vmem>>, vector<1x16xf32>,
        %swap3A_501 = vector.shape_cast %swap3A_500 : vector<1x16xf32> to vector<16xf32>
        %swap3A_502 = vector.shape_cast %sub3A_497 : vector<16xf32> to vector<1x16xf32>
        tpu.vector_store %arg7[%swap3A_498, %swap3A_499], %swap3A_502 {strides = array<i32>} : memref<128x64xf32, #tpu.memory_space<vmem>>, vector<1x16xf32>,
        %get3A_503 = arith.index_cast %scan3A_482 : i32 to index
        %get3A_504 = arith.constant 32 : index
        %get3A_505 = tpu.vector_load %arg7[%get3A_503, %get3A_504] {strides = array<i32>} : memref<128x64xf32, #tpu.memory_space<vmem>>, vector<1x16xf32>,
        %get3A_506 = vector.shape_cast %get3A_505 : vector<1x16xf32> to vector<16xf32>
        %sub3A_507 = arith.subf %get3A_506, %get3A_12 : vector<16xf32>
        %swap3A_508 = arith.index_cast %scan3A_482 : i32 to index
        %swap3A_509 = arith.constant 32 : index
        %swap3A_510 = tpu.vector_load %arg7[%swap3A_508, %swap3A_509] {strides = array<i32>} : memref<128x64xf32, #tpu.memory_space<vmem>>, vector<1x16xf32>,
        %swap3A_511 = vector.shape_cast %swap3A_510 : vector<1x16xf32> to vector<16xf32>
        %swap3A_512 = vector.shape_cast %sub3A_507 : vector<16xf32> to vector<1x16xf32>
        tpu.vector_store %arg7[%swap3A_508, %swap3A_509], %swap3A_512 {strides = array<i32>} : memref<128x64xf32, #tpu.memory_space<vmem>>, vector<1x16xf32>,
        %get3A_513 = arith.index_cast %scan3A_482 : i32 to index
        %get3A_514 = arith.constant 48 : index
        %get3A_515 = tpu.vector_load %arg7[%get3A_513, %get3A_514] {strides = array<i32>} : memref<128x64xf32, #tpu.memory_space<vmem>>, vector<1x16xf32>,
        %get3A_516 = vector.shape_cast %get3A_515 : vector<1x16xf32> to vector<16xf32>
        %sub3A_517 = arith.subf %get3A_516, %get3A_15 : vector<16xf32>
        %swap3A_518 = arith.index_cast %scan3A_482 : i32 to index
        %swap3A_519 = arith.constant 48 : index
        %swap3A_520 = tpu.vector_load %arg7[%swap3A_518, %swap3A_519] {strides = array<i32>} : memref<128x64xf32, #tpu.memory_space<vmem>>, vector<1x16xf32>,
        %swap3A_521 = vector.shape_cast %swap3A_520 : vector<1x16xf32> to vector<16xf32>
        %swap3A_522 = vector.shape_cast %sub3A_517 : vector<16xf32> to vector<1x16xf32>
        tpu.vector_store %arg7[%swap3A_518, %swap3A_519], %swap3A_522 {strides = array<i32>} : memref<128x64xf32, #tpu.memory_space<vmem>>, vector<1x16xf32>,
      }
      %scan3A_70 = arith.constant 128 : i32
      %mul3A_71 = arith.constant 128 : i32
      %mul3A_72 = arith.muli %add3A_49, %mul3A_71 : i32
      %add3A_73 = arith.addi %mul3A_4, %mul3A_72 : i32
      %dma_start3A_74 = arith.constant 0 : i32
      %dma_start3A_75 = tpu.memref_slice %arg5[%add3A_73, %dma_start3A_74] : memref<819200x128xf32, #tpu.memory_space<hbm>> -> memref<128x64xf32, #tpu.memory_space<hbm>>
      %dma_start3A_76 = arith.constant 0 : i32
      %dma_start3A_77 = tpu.memref_slice %arg5[%add3A_73, %dma_start3A_76] : memref<819200x128xf32, #tpu.memory_space<hbm>> -> memref<128x64xf32, #tpu.memory_space<hbm>>
      tpu.enqueue_dma source(%arg7 : memref<128x64xf32, #tpu.memory_space<vmem>>) target(%dma_start3A_77 : memref<128x64xf32, #tpu.memory_space<hbm>>) target_semaphore(%arg16 : memref<!tpu.dma_semaphore, #tpu.memory_space<semaphore_mem>>)
      %mul3A_78 = arith.constant 4 : i32
      %mul3A_79 = arith.muli %scan3A_45, %mul3A_78 : i32
      %add3A_80 = arith.constant 1 : i32
      %add3A_81 = arith.addi %mul3A_79, %add3A_80 : i32
      %sub3A_82 = arith.constant 2 : i32
      %sub3A_83 = arith.subi %add3A_81, %sub3A_82 : i32
      %ge3A_84 = arith.constant 0 : i32
      %ge3A_85 = arith.cmpi sge, %sub3A_83, %ge3A_84 : i32
      %convert_element_type3A_86 = arith.extui %ge3A_85 : i1 to i32
      %cond3A_87 = arith.constant 0 : i32
      %cond3A_88 = arith.cmpi ne, %convert_element_type3A_86, %cond3A_87 : i32
      scf.if %cond3A_88 {
        %sub3A_189 = arith.constant 2 : i32
        %sub3A_190 = arith.subi %add3A_81, %sub3A_189 : i32
        %mul3A_191 = arith.constant 128 : i32
        %mul3A_192 = arith.muli %sub3A_190, %mul3A_191 : i32
        %add3A_193 = arith.addi %mul3A_4, %mul3A_192 : i32
        %dma_wait3A_194 = arith.constant 0 : i32
        %dma_wait3A_195 = tpu.memref_slice %arg5[%add3A_193, %dma_wait3A_194] : memref<819200x128xf32, #tpu.memory_space<hbm>> -> memref<128x64xf32, #tpu.memory_space<hbm>>
        %dma_wait3A_196 = arith.constant 0 : i32
        %dma_wait3A_197 = tpu.memref_slice %arg5[%add3A_193, %dma_wait3A_196] : memref<819200x128xf32, #tpu.memory_space<hbm>> -> memref<128x64xf32, #tpu.memory_space<hbm>>
        tpu.wait_dma2 semaphore(%arg19 : memref<!tpu.dma_semaphore, #tpu.memory_space<semaphore_mem>>) src(%arg10 : memref<128x64xf32, #tpu.memory_space<vmem>>) dst(%dma_wait3A_197 : memref<128x64xf32, #tpu.memory_space<hbm>>)
      } else {
      }
      %add3A_89 = arith.constant 2 : i32
      %add3A_90 = arith.addi %add3A_81, %add3A_89 : i32
      %lt3A_91 = arith.constant 200 : i32
      %lt3A_92 = arith.cmpi slt, %add3A_90, %lt3A_91 : i32
      %convert_element_type3A_93 = arith.extui %lt3A_92 : i1 to i32
      %cond3A_94 = arith.constant 0 : i32
      %cond3A_95 = arith.cmpi ne, %convert_element_type3A_93, %cond3A_94 : i32
      scf.if %cond3A_95 {
        %add3A_189 = arith.constant 2 : i32
        %add3A_190 = arith.addi %add3A_81, %add3A_189 : i32
        %dma_start3A_191 = arith.constant 0 : i32
        %dma_start3A_192 = tpu.memref_slice %arg6[%add3A_190, %dma_start3A_191] : memref<200x128xi32, #tpu.memory_space<vmem>> -> memref<1x128xi32, #tpu.memory_space<vmem>>
        %dma_start3A_193 = tpu.memref_squeeze %dma_start3A_192 : memref<1x128xi32, #tpu.memory_space<vmem>> -> memref<128xi32, #tpu.memory_space<vmem>>
        %dma_start3A_194 = arith.constant 0 : i32
        %dma_start3A_195 = arith.constant 0 : i32
        %dma_start3A_196 = tpu.memref_slice %arg3[%dma_start3A_194, %dma_start3A_195] : memref<2000000x64xf32, #tpu.memory_space<hbm>> -> memref<2000000x64xf32, #tpu.memory_space<hbm>>
        tpu.enqueue_indirect_dma source(%dma_start3A_196 : memref<2000000x64xf32, #tpu.memory_space<hbm>>) target(%arg10 : memref<128x64xf32, #tpu.memory_space<vmem>>) offsets(%dma_start3A_193 : memref<128xi32, #tpu.memory_space<vmem>>) semaphore(%arg15 : memref<!tpu.dma_semaphore, #tpu.memory_space<semaphore_mem>>)
      } else {
      }
      %dma_wait3A_96 = arith.constant 0 : i32
      %dma_wait3A_97 = tpu.memref_slice %arg6[%add3A_81, %dma_wait3A_96] : memref<200x128xi32, #tpu.memory_space<vmem>> -> memref<1x128xi32, #tpu.memory_space<vmem>>
      %dma_wait3A_98 = tpu.memref_squeeze %dma_wait3A_97 : memref<1x128xi32, #tpu.memory_space<vmem>> -> memref<128xi32, #tpu.memory_space<vmem>>
      %dma_wait3A_99 = arith.constant 0 : i32
      %dma_wait3A_100 = arith.constant 0 : i32
      %dma_wait3A_101 = tpu.memref_slice %arg3[%dma_wait3A_99, %dma_wait3A_100] : memref<2000000x64xf32, #tpu.memory_space<hbm>> -> memref<2000000x64xf32, #tpu.memory_space<hbm>>
      tpu.wait_indirect_dma semaphore(%arg13 : memref<!tpu.dma_semaphore, #tpu.memory_space<semaphore_mem>>) src(%dma_wait3A_101 : memref<2000000x64xf32, #tpu.memory_space<hbm>>) dst(%arg8 : memref<128x64xf32, #tpu.memory_space<vmem>>)
      %scan3A_102 = arith.constant 0 : i32
      %scan3A_103 = arith.constant 0 : i32
      %scan3A_104 = arith.constant 128 : i32
      %scan3A_105 = arith.addi %scan3A_103, %scan3A_104 : i32
      %scan3A_106 = arith.constant 8 : i32
      scf.for %scan3A_189 = %scan3A_103 to %scan3A_105 step %scan3A_106  : i32 {
        %get3A_190 = arith.index_cast %scan3A_189 : i32 to index
        %get3A_191 = arith.constant 0 : index
        %get3A_192 = tpu.vector_load %arg8[%get3A_190, %get3A_191] {strides = array<i32>} : memref<128x64xf32, #tpu.memory_space<vmem>>, vector<1x16xf32>,
        %get3A_193 = vector.shape_cast %get3A_192 : vector<1x16xf32> to vector<16xf32>
        %sub3A_194 = arith.subf %get3A_193, %get3A_6 : vector<16xf32>
        %swap3A = arith.index_cast %scan3A_189 : i32 to index
        %swap3A_195 = arith.constant 0 : index
        %swap3A_196 = tpu.vector_load %arg8[%swap3A, %swap3A_195] {strides = array<i32>} : memref<128x64xf32, #tpu.memory_space<vmem>>, vector<1x16xf32>,
        %swap3A_197 = vector.shape_cast %swap3A_196 : vector<1x16xf32> to vector<16xf32>
        %swap3A_198 = vector.shape_cast %sub3A_194 : vector<16xf32> to vector<1x16xf32>
        tpu.vector_store %arg8[%swap3A, %swap3A_195], %swap3A_198 {strides = array<i32>} : memref<128x64xf32, #tpu.memory_space<vmem>>, vector<1x16xf32>,
        %get3A_199 = arith.index_cast %scan3A_189 : i32 to index
        %get3A_200 = arith.constant 16 : index
        %get3A_201 = tpu.vector_load %arg8[%get3A_199, %get3A_200] {strides = array<i32>} : memref<128x64xf32, #tpu.memory_space<vmem>>, vector<1x16xf32>,
        %get3A_202 = vector.shape_cast %get3A_201 : vector<1x16xf32> to vector<16xf32>
        %sub3A_203 = arith.subf %get3A_202, %get3A_9 : vector<16xf32>
        %swap3A_204 = arith.index_cast %scan3A_189 : i32 to index
        %swap3A_205 = arith.constant 16 : index
        %swap3A_206 = tpu.vector_load %arg8[%swap3A_204, %swap3A_205] {strides = array<i32>} : memref<128x64xf32, #tpu.memory_space<vmem>>, vector<1x16xf32>,
        %swap3A_207 = vector.shape_cast %swap3A_206 : vector<1x16xf32> to vector<16xf32>
        %swap3A_208 = vector.shape_cast %sub3A_203 : vector<16xf32> to vector<1x16xf32>
        tpu.vector_store %arg8[%swap3A_204, %swap3A_205], %swap3A_208 {strides = array<i32>} : memref<128x64xf32, #tpu.memory_space<vmem>>, vector<1x16xf32>,
        %get3A_209 = arith.index_cast %scan3A_189 : i32 to index
        %get3A_210 = arith.constant 32 : index
        %get3A_211 = tpu.vector_load %arg8[%get3A_209, %get3A_210] {strides = array<i32>} : memref<128x64xf32, #tpu.memory_space<vmem>>, vector<1x16xf32>,
        %get3A_212 = vector.shape_cast %get3A_211 : vector<1x16xf32> to vector<16xf32>
        %sub3A_213 = arith.subf %get3A_212, %get3A_12 : vector<16xf32>
        %swap3A_214 = arith.index_cast %scan3A_189 : i32 to index
        %swap3A_215 = arith.constant 32 : index
        %swap3A_216 = tpu.vector_load %arg8[%swap3A_214, %swap3A_215] {strides = array<i32>} : memref<128x64xf32, #tpu.memory_space<vmem>>, vector<1x16xf32>,
        %swap3A_217 = vector.shape_cast %swap3A_216 : vector<1x16xf32> to vector<16xf32>
        %swap3A_218 = vector.shape_cast %sub3A_213 : vector<16xf32> to vector<1x16xf32>
        tpu.vector_store %arg8[%swap3A_214, %swap3A_215], %swap3A_218 {strides = array<i32>} : memref<128x64xf32, #tpu.memory_space<vmem>>, vector<1x16xf32>,
        %get3A_219 = arith.index_cast %scan3A_189 : i32 to index
        %get3A_220 = arith.constant 48 : index
        %get3A_221 = tpu.vector_load %arg8[%get3A_219, %get3A_220] {strides = array<i32>} : memref<128x64xf32, #tpu.memory_space<vmem>>, vector<1x16xf32>,
        %get3A_222 = vector.shape_cast %get3A_221 : vector<1x16xf32> to vector<16xf32>
        %sub3A_223 = arith.subf %get3A_222, %get3A_15 : vector<16xf32>
        %swap3A_224 = arith.index_cast %scan3A_189 : i32 to index
        %swap3A_225 = arith.constant 48 : index
        %swap3A_226 = tpu.vector_load %arg8[%swap3A_224, %swap3A_225] {strides = array<i32>} : memref<128x64xf32, #tpu.memory_space<vmem>>, vector<1x16xf32>,
        %swap3A_227 = vector.shape_cast %swap3A_226 : vector<1x16xf32> to vector<16xf32>
        %swap3A_228 = vector.shape_cast %sub3A_223 : vector<16xf32> to vector<1x16xf32>
        tpu.vector_store %arg8[%swap3A_224, %swap3A_225], %swap3A_228 {strides = array<i32>} : memref<128x64xf32, #tpu.memory_space<vmem>>, vector<1x16xf32>,
        %scan3A_229 = arith.constant 1 : i32
        %scan3A_230 = arith.addi %scan3A_189, %scan3A_229 : i32
        %get3A_231 = arith.index_cast %scan3A_230 : i32 to index
        %get3A_232 = arith.constant 0 : index
        %get3A_233 = tpu.vector_load %arg8[%get3A_231, %get3A_232] {strides = array<i32>} : memref<128x64xf32, #tpu.memory_space<vmem>>, vector<1x16xf32>,
        %get3A_234 = vector.shape_cast %get3A_233 : vector<1x16xf32> to vector<16xf32>
        %sub3A_235 = arith.subf %get3A_234, %get3A_6 : vector<16xf32>
        %swap3A_236 = arith.index_cast %scan3A_230 : i32 to index
        %swap3A_237 = arith.constant 0 : index
        %swap3A_238 = tpu.vector_load %arg8[%swap3A_236, %swap3A_237] {strides = array<i32>} : memref<128x64xf32, #tpu.memory_space<vmem>>, vector<1x16xf32>,
        %swap3A_239 = vector.shape_cast %swap3A_238 : vector<1x16xf32> to vector<16xf32>
        %swap3A_240 = vector.shape_cast %sub3A_235 : vector<16xf32> to vector<1x16xf32>
        tpu.vector_store %arg8[%swap3A_236, %swap3A_237], %swap3A_240 {strides = array<i32>} : memref<128x64xf32, #tpu.memory_space<vmem>>, vector<1x16xf32>,
        %get3A_241 = arith.index_cast %scan3A_230 : i32 to index
        %get3A_242 = arith.constant 16 : index
        %get3A_243 = tpu.vector_load %arg8[%get3A_241, %get3A_242] {strides = array<i32>} : memref<128x64xf32, #tpu.memory_space<vmem>>, vector<1x16xf32>,
        %get3A_244 = vector.shape_cast %get3A_243 : vector<1x16xf32> to vector<16xf32>
        %sub3A_245 = arith.subf %get3A_244, %get3A_9 : vector<16xf32>
        %swap3A_246 = arith.index_cast %scan3A_230 : i32 to index
        %swap3A_247 = arith.constant 16 : index
        %swap3A_248 = tpu.vector_load %arg8[%swap3A_246, %swap3A_247] {strides = array<i32>} : memref<128x64xf32, #tpu.memory_space<vmem>>, vector<1x16xf32>,
        %swap3A_249 = vector.shape_cast %swap3A_248 : vector<1x16xf32> to vector<16xf32>
        %swap3A_250 = vector.shape_cast %sub3A_245 : vector<16xf32> to vector<1x16xf32>
        tpu.vector_store %arg8[%swap3A_246, %swap3A_247], %swap3A_250 {strides = array<i32>} : memref<128x64xf32, #tpu.memory_space<vmem>>, vector<1x16xf32>,
        %get3A_251 = arith.index_cast %scan3A_230 : i32 to index
        %get3A_252 = arith.constant 32 : index
        %get3A_253 = tpu.vector_load %arg8[%get3A_251, %get3A_252] {strides = array<i32>} : memref<128x64xf32, #tpu.memory_space<vmem>>, vector<1x16xf32>,
        %get3A_254 = vector.shape_cast %get3A_253 : vector<1x16xf32> to vector<16xf32>
        %sub3A_255 = arith.subf %get3A_254, %get3A_12 : vector<16xf32>
        %swap3A_256 = arith.index_cast %scan3A_230 : i32 to index
        %swap3A_257 = arith.constant 32 : index
        %swap3A_258 = tpu.vector_load %arg8[%swap3A_256, %swap3A_257] {strides = array<i32>} : memref<128x64xf32, #tpu.memory_space<vmem>>, vector<1x16xf32>,
        %swap3A_259 = vector.shape_cast %swap3A_258 : vector<1x16xf32> to vector<16xf32>
        %swap3A_260 = vector.shape_cast %sub3A_255 : vector<16xf32> to vector<1x16xf32>
        tpu.vector_store %arg8[%swap3A_256, %swap3A_257], %swap3A_260 {strides = array<i32>} : memref<128x64xf32, #tpu.memory_space<vmem>>, vector<1x16xf32>,
        %get3A_261 = arith.index_cast %scan3A_230 : i32 to index
        %get3A_262 = arith.constant 48 : index
        %get3A_263 = tpu.vector_load %arg8[%get3A_261, %get3A_262] {strides = array<i32>} : memref<128x64xf32, #tpu.memory_space<vmem>>, vector<1x16xf32>,
        %get3A_264 = vector.shape_cast %get3A_263 : vector<1x16xf32> to vector<16xf32>
        %sub3A_265 = arith.subf %get3A_264, %get3A_15 : vector<16xf32>
        %swap3A_266 = arith.index_cast %scan3A_230 : i32 to index
        %swap3A_267 = arith.constant 48 : index
        %swap3A_268 = tpu.vector_load %arg8[%swap3A_266, %swap3A_267] {strides = array<i32>} : memref<128x64xf32, #tpu.memory_space<vmem>>, vector<1x16xf32>,
        %swap3A_269 = vector.shape_cast %swap3A_268 : vector<1x16xf32> to vector<16xf32>
        %swap3A_270 = vector.shape_cast %sub3A_265 : vector<16xf32> to vector<1x16xf32>
        tpu.vector_store %arg8[%swap3A_266, %swap3A_267], %swap3A_270 {strides = array<i32>} : memref<128x64xf32, #tpu.memory_space<vmem>>, vector<1x16xf32>,
        %scan3A_271 = arith.constant 2 : i32
        %scan3A_272 = arith.addi %scan3A_189, %scan3A_271 : i32
        %get3A_273 = arith.index_cast %scan3A_272 : i32 to index
        %get3A_274 = arith.constant 0 : index
        %get3A_275 = tpu.vector_load %arg8[%get3A_273, %get3A_274] {strides = array<i32>} : memref<128x64xf32, #tpu.memory_space<vmem>>, vector<1x16xf32>,
        %get3A_276 = vector.shape_cast %get3A_275 : vector<1x16xf32> to vector<16xf32>
        %sub3A_277 = arith.subf %get3A_276, %get3A_6 : vector<16xf32>
        %swap3A_278 = arith.index_cast %scan3A_272 : i32 to index
        %swap3A_279 = arith.constant 0 : index
        %swap3A_280 = tpu.vector_load %arg8[%swap3A_278, %swap3A_279] {strides = array<i32>} : memref<128x64xf32, #tpu.memory_space<vmem>>, vector<1x16xf32>,
        %swap3A_281 = vector.shape_cast %swap3A_280 : vector<1x16xf32> to vector<16xf32>
        %swap3A_282 = vector.shape_cast %sub3A_277 : vector<16xf32> to vector<1x16xf32>
        tpu.vector_store %arg8[%swap3A_278, %swap3A_279], %swap3A_282 {strides = array<i32>} : memref<128x64xf32, #tpu.memory_space<vmem>>, vector<1x16xf32>,
        %get3A_283 = arith.index_cast %scan3A_272 : i32 to index
        %get3A_284 = arith.constant 16 : index
        %get3A_285 = tpu.vector_load %arg8[%get3A_283, %get3A_284] {strides = array<i32>} : memref<128x64xf32, #tpu.memory_space<vmem>>, vector<1x16xf32>,
        %get3A_286 = vector.shape_cast %get3A_285 : vector<1x16xf32> to vector<16xf32>
        %sub3A_287 = arith.subf %get3A_286, %get3A_9 : vector<16xf32>
        %swap3A_288 = arith.index_cast %scan3A_272 : i32 to index
        %swap3A_289 = arith.constant 16 : index
        %swap3A_290 = tpu.vector_load %arg8[%swap3A_288, %swap3A_289] {strides = array<i32>} : memref<128x64xf32, #tpu.memory_space<vmem>>, vector<1x16xf32>,
        %swap3A_291 = vector.shape_cast %swap3A_290 : vector<1x16xf32> to vector<16xf32>
        %swap3A_292 = vector.shape_cast %sub3A_287 : vector<16xf32> to vector<1x16xf32>
        tpu.vector_store %arg8[%swap3A_288, %swap3A_289], %swap3A_292 {strides = array<i32>} : memref<128x64xf32, #tpu.memory_space<vmem>>, vector<1x16xf32>,
        %get3A_293 = arith.index_cast %scan3A_272 : i32 to index
        %get3A_294 = arith.constant 32 : index
        %get3A_295 = tpu.vector_load %arg8[%get3A_293, %get3A_294] {strides = array<i32>} : memref<128x64xf32, #tpu.memory_space<vmem>>, vector<1x16xf32>,
        %get3A_296 = vector.shape_cast %get3A_295 : vector<1x16xf32> to vector<16xf32>
        %sub3A_297 = arith.subf %get3A_296, %get3A_12 : vector<16xf32>
        %swap3A_298 = arith.index_cast %scan3A_272 : i32 to index
        %swap3A_299 = arith.constant 32 : index
        %swap3A_300 = tpu.vector_load %arg8[%swap3A_298, %swap3A_299] {strides = array<i32>} : memref<128x64xf32, #tpu.memory_space<vmem>>, vector<1x16xf32>,
        %swap3A_301 = vector.shape_cast %swap3A_300 : vector<1x16xf32> to vector<16xf32>
        %swap3A_302 = vector.shape_cast %sub3A_297 : vector<16xf32> to vector<1x16xf32>
        tpu.vector_store %arg8[%swap3A_298, %swap3A_299], %swap3A_302 {strides = array<i32>} : memref<128x64xf32, #tpu.memory_space<vmem>>, vector<1x16xf32>,
        %get3A_303 = arith.index_cast %scan3A_272 : i32 to index
        %get3A_304 = arith.constant 48 : index
        %get3A_305 = tpu.vector_load %arg8[%get3A_303, %get3A_304] {strides = array<i32>} : memref<128x64xf32, #tpu.memory_space<vmem>>, vector<1x16xf32>,
        %get3A_306 = vector.shape_cast %get3A_305 : vector<1x16xf32> to vector<16xf32>
        %sub3A_307 = arith.subf %get3A_306, %get3A_15 : vector<16xf32>
        %swap3A_308 = arith.index_cast %scan3A_272 : i32 to index
        %swap3A_309 = arith.constant 48 : index
        %swap3A_310 = tpu.vector_load %arg8[%swap3A_308, %swap3A_309] {strides = array<i32>} : memref<128x64xf32, #tpu.memory_space<vmem>>, vector<1x16xf32>,
        %swap3A_311 = vector.shape_cast %swap3A_310 : vector<1x16xf32> to vector<16xf32>
        %swap3A_312 = vector.shape_cast %sub3A_307 : vector<16xf32> to vector<1x16xf32>
        tpu.vector_store %arg8[%swap3A_308, %swap3A_309], %swap3A_312 {strides = array<i32>} : memref<128x64xf32, #tpu.memory_space<vmem>>, vector<1x16xf32>,
        %scan3A_313 = arith.constant 3 : i32
        %scan3A_314 = arith.addi %scan3A_189, %scan3A_313 : i32
        %get3A_315 = arith.index_cast %scan3A_314 : i32 to index
        %get3A_316 = arith.constant 0 : index
        %get3A_317 = tpu.vector_load %arg8[%get3A_315, %get3A_316] {strides = array<i32>} : memref<128x64xf32, #tpu.memory_space<vmem>>, vector<1x16xf32>,
        %get3A_318 = vector.shape_cast %get3A_317 : vector<1x16xf32> to vector<16xf32>
        %sub3A_319 = arith.subf %get3A_318, %get3A_6 : vector<16xf32>
        %swap3A_320 = arith.index_cast %scan3A_314 : i32 to index
        %swap3A_321 = arith.constant 0 : index
        %swap3A_322 = tpu.vector_load %arg8[%swap3A_320, %swap3A_321] {strides = array<i32>} : memref<128x64xf32, #tpu.memory_space<vmem>>, vector<1x16xf32>,
        %swap3A_323 = vector.shape_cast %swap3A_322 : vector<1x16xf32> to vector<16xf32>
        %swap3A_324 = vector.shape_cast %sub3A_319 : vector<16xf32> to vector<1x16xf32>
        tpu.vector_store %arg8[%swap3A_320, %swap3A_321], %swap3A_324 {strides = array<i32>} : memref<128x64xf32, #tpu.memory_space<vmem>>, vector<1x16xf32>,
        %get3A_325 = arith.index_cast %scan3A_314 : i32 to index
        %get3A_326 = arith.constant 16 : index
        %get3A_327 = tpu.vector_load %arg8[%get3A_325, %get3A_326] {strides = array<i32>} : memref<128x64xf32, #tpu.memory_space<vmem>>, vector<1x16xf32>,
        %get3A_328 = vector.shape_cast %get3A_327 : vector<1x16xf32> to vector<16xf32>
        %sub3A_329 = arith.subf %get3A_328, %get3A_9 : vector<16xf32>
        %swap3A_330 = arith.index_cast %scan3A_314 : i32 to index
        %swap3A_331 = arith.constant 16 : index
        %swap3A_332 = tpu.vector_load %arg8[%swap3A_330, %swap3A_331] {strides = array<i32>} : memref<128x64xf32, #tpu.memory_space<vmem>>, vector<1x16xf32>,
        %swap3A_333 = vector.shape_cast %swap3A_332 : vector<1x16xf32> to vector<16xf32>
        %swap3A_334 = vector.shape_cast %sub3A_329 : vector<16xf32> to vector<1x16xf32>
        tpu.vector_store %arg8[%swap3A_330, %swap3A_331], %swap3A_334 {strides = array<i32>} : memref<128x64xf32, #tpu.memory_space<vmem>>, vector<1x16xf32>,
        %get3A_335 = arith.index_cast %scan3A_314 : i32 to index
        %get3A_336 = arith.constant 32 : index
        %get3A_337 = tpu.vector_load %arg8[%get3A_335, %get3A_336] {strides = array<i32>} : memref<128x64xf32, #tpu.memory_space<vmem>>, vector<1x16xf32>,
        %get3A_338 = vector.shape_cast %get3A_337 : vector<1x16xf32> to vector<16xf32>
        %sub3A_339 = arith.subf %get3A_338, %get3A_12 : vector<16xf32>
        %swap3A_340 = arith.index_cast %scan3A_314 : i32 to index
        %swap3A_341 = arith.constant 32 : index
        %swap3A_342 = tpu.vector_load %arg8[%swap3A_340, %swap3A_341] {strides = array<i32>} : memref<128x64xf32, #tpu.memory_space<vmem>>, vector<1x16xf32>,
        %swap3A_343 = vector.shape_cast %swap3A_342 : vector<1x16xf32> to vector<16xf32>
        %swap3A_344 = vector.shape_cast %sub3A_339 : vector<16xf32> to vector<1x16xf32>
        tpu.vector_store %arg8[%swap3A_340, %swap3A_341], %swap3A_344 {strides = array<i32>} : memref<128x64xf32, #tpu.memory_space<vmem>>, vector<1x16xf32>,
        %get3A_345 = arith.index_cast %scan3A_314 : i32 to index
        %get3A_346 = arith.constant 48 : index
        %get3A_347 = tpu.vector_load %arg8[%get3A_345, %get3A_346] {strides = array<i32>} : memref<128x64xf32, #tpu.memory_space<vmem>>, vector<1x16xf32>,
        %get3A_348 = vector.shape_cast %get3A_347 : vector<1x16xf32> to vector<16xf32>
        %sub3A_349 = arith.subf %get3A_348, %get3A_15 : vector<16xf32>
        %swap3A_350 = arith.index_cast %scan3A_314 : i32 to index
        %swap3A_351 = arith.constant 48 : index
        %swap3A_352 = tpu.vector_load %arg8[%swap3A_350, %swap3A_351] {strides = array<i32>} : memref<128x64xf32, #tpu.memory_space<vmem>>, vector<1x16xf32>,
        %swap3A_353 = vector.shape_cast %swap3A_352 : vector<1x16xf32> to vector<16xf32>
        %swap3A_354 = vector.shape_cast %sub3A_349 : vector<16xf32> to vector<1x16xf32>
        tpu.vector_store %arg8[%swap3A_350, %swap3A_351], %swap3A_354 {strides = array<i32>} : memref<128x64xf32, #tpu.memory_space<vmem>>, vector<1x16xf32>,
        %scan3A_355 = arith.constant 4 : i32
        %scan3A_356 = arith.addi %scan3A_189, %scan3A_355 : i32
        %get3A_357 = arith.index_cast %scan3A_356 : i32 to index
        %get3A_358 = arith.constant 0 : index
        %get3A_359 = tpu.vector_load %arg8[%get3A_357, %get3A_358] {strides = array<i32>} : memref<128x64xf32, #tpu.memory_space<vmem>>, vector<1x16xf32>,
        %get3A_360 = vector.shape_cast %get3A_359 : vector<1x16xf32> to vector<16xf32>
        %sub3A_361 = arith.subf %get3A_360, %get3A_6 : vector<16xf32>
        %swap3A_362 = arith.index_cast %scan3A_356 : i32 to index
        %swap3A_363 = arith.constant 0 : index
        %swap3A_364 = tpu.vector_load %arg8[%swap3A_362, %swap3A_363] {strides = array<i32>} : memref<128x64xf32, #tpu.memory_space<vmem>>, vector<1x16xf32>,
        %swap3A_365 = vector.shape_cast %swap3A_364 : vector<1x16xf32> to vector<16xf32>
        %swap3A_366 = vector.shape_cast %sub3A_361 : vector<16xf32> to vector<1x16xf32>
        tpu.vector_store %arg8[%swap3A_362, %swap3A_363], %swap3A_366 {strides = array<i32>} : memref<128x64xf32, #tpu.memory_space<vmem>>, vector<1x16xf32>,
        %get3A_367 = arith.index_cast %scan3A_356 : i32 to index
        %get3A_368 = arith.constant 16 : index
        %get3A_369 = tpu.vector_load %arg8[%get3A_367, %get3A_368] {strides = array<i32>} : memref<128x64xf32, #tpu.memory_space<vmem>>, vector<1x16xf32>,
        %get3A_370 = vector.shape_cast %get3A_369 : vector<1x16xf32> to vector<16xf32>
        %sub3A_371 = arith.subf %get3A_370, %get3A_9 : vector<16xf32>
        %swap3A_372 = arith.index_cast %scan3A_356 : i32 to index
        %swap3A_373 = arith.constant 16 : index
        %swap3A_374 = tpu.vector_load %arg8[%swap3A_372, %swap3A_373] {strides = array<i32>} : memref<128x64xf32, #tpu.memory_space<vmem>>, vector<1x16xf32>,
        %swap3A_375 = vector.shape_cast %swap3A_374 : vector<1x16xf32> to vector<16xf32>
        %swap3A_376 = vector.shape_cast %sub3A_371 : vector<16xf32> to vector<1x16xf32>
        tpu.vector_store %arg8[%swap3A_372, %swap3A_373], %swap3A_376 {strides = array<i32>} : memref<128x64xf32, #tpu.memory_space<vmem>>, vector<1x16xf32>,
        %get3A_377 = arith.index_cast %scan3A_356 : i32 to index
        %get3A_378 = arith.constant 32 : index
        %get3A_379 = tpu.vector_load %arg8[%get3A_377, %get3A_378] {strides = array<i32>} : memref<128x64xf32, #tpu.memory_space<vmem>>, vector<1x16xf32>,
        %get3A_380 = vector.shape_cast %get3A_379 : vector<1x16xf32> to vector<16xf32>
        %sub3A_381 = arith.subf %get3A_380, %get3A_12 : vector<16xf32>
        %swap3A_382 = arith.index_cast %scan3A_356 : i32 to index
        %swap3A_383 = arith.constant 32 : index
        %swap3A_384 = tpu.vector_load %arg8[%swap3A_382, %swap3A_383] {strides = array<i32>} : memref<128x64xf32, #tpu.memory_space<vmem>>, vector<1x16xf32>,
        %swap3A_385 = vector.shape_cast %swap3A_384 : vector<1x16xf32> to vector<16xf32>
        %swap3A_386 = vector.shape_cast %sub3A_381 : vector<16xf32> to vector<1x16xf32>
        tpu.vector_store %arg8[%swap3A_382, %swap3A_383], %swap3A_386 {strides = array<i32>} : memref<128x64xf32, #tpu.memory_space<vmem>>, vector<1x16xf32>,
        %get3A_387 = arith.index_cast %scan3A_356 : i32 to index
        %get3A_388 = arith.constant 48 : index
        %get3A_389 = tpu.vector_load %arg8[%get3A_387, %get3A_388] {strides = array<i32>} : memref<128x64xf32, #tpu.memory_space<vmem>>, vector<1x16xf32>,
        %get3A_390 = vector.shape_cast %get3A_389 : vector<1x16xf32> to vector<16xf32>
        %sub3A_391 = arith.subf %get3A_390, %get3A_15 : vector<16xf32>
        %swap3A_392 = arith.index_cast %scan3A_356 : i32 to index
        %swap3A_393 = arith.constant 48 : index
        %swap3A_394 = tpu.vector_load %arg8[%swap3A_392, %swap3A_393] {strides = array<i32>} : memref<128x64xf32, #tpu.memory_space<vmem>>, vector<1x16xf32>,
        %swap3A_395 = vector.shape_cast %swap3A_394 : vector<1x16xf32> to vector<16xf32>
        %swap3A_396 = vector.shape_cast %sub3A_391 : vector<16xf32> to vector<1x16xf32>
        tpu.vector_store %arg8[%swap3A_392, %swap3A_393], %swap3A_396 {strides = array<i32>} : memref<128x64xf32, #tpu.memory_space<vmem>>, vector<1x16xf32>,
        %scan3A_397 = arith.constant 5 : i32
        %scan3A_398 = arith.addi %scan3A_189, %scan3A_397 : i32
        %get3A_399 = arith.index_cast %scan3A_398 : i32 to index
        %get3A_400 = arith.constant 0 : index
        %get3A_401 = tpu.vector_load %arg8[%get3A_399, %get3A_400] {strides = array<i32>} : memref<128x64xf32, #tpu.memory_space<vmem>>, vector<1x16xf32>,
        %get3A_402 = vector.shape_cast %get3A_401 : vector<1x16xf32> to vector<16xf32>
        %sub3A_403 = arith.subf %get3A_402, %get3A_6 : vector<16xf32>
        %swap3A_404 = arith.index_cast %scan3A_398 : i32 to index
        %swap3A_405 = arith.constant 0 : index
        %swap3A_406 = tpu.vector_load %arg8[%swap3A_404, %swap3A_405] {strides = array<i32>} : memref<128x64xf32, #tpu.memory_space<vmem>>, vector<1x16xf32>,
        %swap3A_407 = vector.shape_cast %swap3A_406 : vector<1x16xf32> to vector<16xf32>
        %swap3A_408 = vector.shape_cast %sub3A_403 : vector<16xf32> to vector<1x16xf32>
        tpu.vector_store %arg8[%swap3A_404, %swap3A_405], %swap3A_408 {strides = array<i32>} : memref<128x64xf32, #tpu.memory_space<vmem>>, vector<1x16xf32>,
        %get3A_409 = arith.index_cast %scan3A_398 : i32 to index
        %get3A_410 = arith.constant 16 : index
        %get3A_411 = tpu.vector_load %arg8[%get3A_409, %get3A_410] {strides = array<i32>} : memref<128x64xf32, #tpu.memory_space<vmem>>, vector<1x16xf32>,
        %get3A_412 = vector.shape_cast %get3A_411 : vector<1x16xf32> to vector<16xf32>
        %sub3A_413 = arith.subf %get3A_412, %get3A_9 : vector<16xf32>
        %swap3A_414 = arith.index_cast %scan3A_398 : i32 to index
        %swap3A_415 = arith.constant 16 : index
        %swap3A_416 = tpu.vector_load %arg8[%swap3A_414, %swap3A_415] {strides = array<i32>} : memref<128x64xf32, #tpu.memory_space<vmem>>, vector<1x16xf32>,
        %swap3A_417 = vector.shape_cast %swap3A_416 : vector<1x16xf32> to vector<16xf32>
        %swap3A_418 = vector.shape_cast %sub3A_413 : vector<16xf32> to vector<1x16xf32>
        tpu.vector_store %arg8[%swap3A_414, %swap3A_415], %swap3A_418 {strides = array<i32>} : memref<128x64xf32, #tpu.memory_space<vmem>>, vector<1x16xf32>,
        %get3A_419 = arith.index_cast %scan3A_398 : i32 to index
        %get3A_420 = arith.constant 32 : index
        %get3A_421 = tpu.vector_load %arg8[%get3A_419, %get3A_420] {strides = array<i32>} : memref<128x64xf32, #tpu.memory_space<vmem>>, vector<1x16xf32>,
        %get3A_422 = vector.shape_cast %get3A_421 : vector<1x16xf32> to vector<16xf32>
        %sub3A_423 = arith.subf %get3A_422, %get3A_12 : vector<16xf32>
        %swap3A_424 = arith.index_cast %scan3A_398 : i32 to index
        %swap3A_425 = arith.constant 32 : index
        %swap3A_426 = tpu.vector_load %arg8[%swap3A_424, %swap3A_425] {strides = array<i32>} : memref<128x64xf32, #tpu.memory_space<vmem>>, vector<1x16xf32>,
        %swap3A_427 = vector.shape_cast %swap3A_426 : vector<1x16xf32> to vector<16xf32>
        %swap3A_428 = vector.shape_cast %sub3A_423 : vector<16xf32> to vector<1x16xf32>
        tpu.vector_store %arg8[%swap3A_424, %swap3A_425], %swap3A_428 {strides = array<i32>} : memref<128x64xf32, #tpu.memory_space<vmem>>, vector<1x16xf32>,
        %get3A_429 = arith.index_cast %scan3A_398 : i32 to index
        %get3A_430 = arith.constant 48 : index
        %get3A_431 = tpu.vector_load %arg8[%get3A_429, %get3A_430] {strides = array<i32>} : memref<128x64xf32, #tpu.memory_space<vmem>>, vector<1x16xf32>,
        %get3A_432 = vector.shape_cast %get3A_431 : vector<1x16xf32> to vector<16xf32>
        %sub3A_433 = arith.subf %get3A_432, %get3A_15 : vector<16xf32>
        %swap3A_434 = arith.index_cast %scan3A_398 : i32 to index
        %swap3A_435 = arith.constant 48 : index
        %swap3A_436 = tpu.vector_load %arg8[%swap3A_434, %swap3A_435] {strides = array<i32>} : memref<128x64xf32, #tpu.memory_space<vmem>>, vector<1x16xf32>,
        %swap3A_437 = vector.shape_cast %swap3A_436 : vector<1x16xf32> to vector<16xf32>
        %swap3A_438 = vector.shape_cast %sub3A_433 : vector<16xf32> to vector<1x16xf32>
        tpu.vector_store %arg8[%swap3A_434, %swap3A_435], %swap3A_438 {strides = array<i32>} : memref<128x64xf32, #tpu.memory_space<vmem>>, vector<1x16xf32>,
        %scan3A_439 = arith.constant 6 : i32
        %scan3A_440 = arith.addi %scan3A_189, %scan3A_439 : i32
        %get3A_441 = arith.index_cast %scan3A_440 : i32 to index
        %get3A_442 = arith.constant 0 : index
        %get3A_443 = tpu.vector_load %arg8[%get3A_441, %get3A_442] {strides = array<i32>} : memref<128x64xf32, #tpu.memory_space<vmem>>, vector<1x16xf32>,
        %get3A_444 = vector.shape_cast %get3A_443 : vector<1x16xf32> to vector<16xf32>
        %sub3A_445 = arith.subf %get3A_444, %get3A_6 : vector<16xf32>
        %swap3A_446 = arith.index_cast %scan3A_440 : i32 to index
        %swap3A_447 = arith.constant 0 : index
        %swap3A_448 = tpu.vector_load %arg8[%swap3A_446, %swap3A_447] {strides = array<i32>} : memref<128x64xf32, #tpu.memory_space<vmem>>, vector<1x16xf32>,
        %swap3A_449 = vector.shape_cast %swap3A_448 : vector<1x16xf32> to vector<16xf32>
        %swap3A_450 = vector.shape_cast %sub3A_445 : vector<16xf32> to vector<1x16xf32>
        tpu.vector_store %arg8[%swap3A_446, %swap3A_447], %swap3A_450 {strides = array<i32>} : memref<128x64xf32, #tpu.memory_space<vmem>>, vector<1x16xf32>,
        %get3A_451 = arith.index_cast %scan3A_440 : i32 to index
        %get3A_452 = arith.constant 16 : index
        %get3A_453 = tpu.vector_load %arg8[%get3A_451, %get3A_452] {strides = array<i32>} : memref<128x64xf32, #tpu.memory_space<vmem>>, vector<1x16xf32>,
        %get3A_454 = vector.shape_cast %get3A_453 : vector<1x16xf32> to vector<16xf32>
        %sub3A_455 = arith.subf %get3A_454, %get3A_9 : vector<16xf32>
        %swap3A_456 = arith.index_cast %scan3A_440 : i32 to index
        %swap3A_457 = arith.constant 16 : index
        %swap3A_458 = tpu.vector_load %arg8[%swap3A_456, %swap3A_457] {strides = array<i32>} : memref<128x64xf32, #tpu.memory_space<vmem>>, vector<1x16xf32>,
        %swap3A_459 = vector.shape_cast %swap3A_458 : vector<1x16xf32> to vector<16xf32>
        %swap3A_460 = vector.shape_cast %sub3A_455 : vector<16xf32> to vector<1x16xf32>
        tpu.vector_store %arg8[%swap3A_456, %swap3A_457], %swap3A_460 {strides = array<i32>} : memref<128x64xf32, #tpu.memory_space<vmem>>, vector<1x16xf32>,
        %get3A_461 = arith.index_cast %scan3A_440 : i32 to index
        %get3A_462 = arith.constant 32 : index
        %get3A_463 = tpu.vector_load %arg8[%get3A_461, %get3A_462] {strides = array<i32>} : memref<128x64xf32, #tpu.memory_space<vmem>>, vector<1x16xf32>,
        %get3A_464 = vector.shape_cast %get3A_463 : vector<1x16xf32> to vector<16xf32>
        %sub3A_465 = arith.subf %get3A_464, %get3A_12 : vector<16xf32>
        %swap3A_466 = arith.index_cast %scan3A_440 : i32 to index
        %swap3A_467 = arith.constant 32 : index
        %swap3A_468 = tpu.vector_load %arg8[%swap3A_466, %swap3A_467] {strides = array<i32>} : memref<128x64xf32, #tpu.memory_space<vmem>>, vector<1x16xf32>,
        %swap3A_469 = vector.shape_cast %swap3A_468 : vector<1x16xf32> to vector<16xf32>
        %swap3A_470 = vector.shape_cast %sub3A_465 : vector<16xf32> to vector<1x16xf32>
        tpu.vector_store %arg8[%swap3A_466, %swap3A_467], %swap3A_470 {strides = array<i32>} : memref<128x64xf32, #tpu.memory_space<vmem>>, vector<1x16xf32>,
        %get3A_471 = arith.index_cast %scan3A_440 : i32 to index
        %get3A_472 = arith.constant 48 : index
        %get3A_473 = tpu.vector_load %arg8[%get3A_471, %get3A_472] {strides = array<i32>} : memref<128x64xf32, #tpu.memory_space<vmem>>, vector<1x16xf32>,
        %get3A_474 = vector.shape_cast %get3A_473 : vector<1x16xf32> to vector<16xf32>
        %sub3A_475 = arith.subf %get3A_474, %get3A_15 : vector<16xf32>
        %swap3A_476 = arith.index_cast %scan3A_440 : i32 to index
        %swap3A_477 = arith.constant 48 : index
        %swap3A_478 = tpu.vector_load %arg8[%swap3A_476, %swap3A_477] {strides = array<i32>} : memref<128x64xf32, #tpu.memory_space<vmem>>, vector<1x16xf32>,
        %swap3A_479 = vector.shape_cast %swap3A_478 : vector<1x16xf32> to vector<16xf32>
        %swap3A_480 = vector.shape_cast %sub3A_475 : vector<16xf32> to vector<1x16xf32>
        tpu.vector_store %arg8[%swap3A_476, %swap3A_477], %swap3A_480 {strides = array<i32>} : memref<128x64xf32, #tpu.memory_space<vmem>>, vector<1x16xf32>,
        %scan3A_481 = arith.constant 7 : i32
        %scan3A_482 = arith.addi %scan3A_189, %scan3A_481 : i32
        %get3A_483 = arith.index_cast %scan3A_482 : i32 to index
        %get3A_484 = arith.constant 0 : index
        %get3A_485 = tpu.vector_load %arg8[%get3A_483, %get3A_484] {strides = array<i32>} : memref<128x64xf32, #tpu.memory_space<vmem>>, vector<1x16xf32>,
        %get3A_486 = vector.shape_cast %get3A_485 : vector<1x16xf32> to vector<16xf32>
        %sub3A_487 = arith.subf %get3A_486, %get3A_6 : vector<16xf32>
        %swap3A_488 = arith.index_cast %scan3A_482 : i32 to index
        %swap3A_489 = arith.constant 0 : index
        %swap3A_490 = tpu.vector_load %arg8[%swap3A_488, %swap3A_489] {strides = array<i32>} : memref<128x64xf32, #tpu.memory_space<vmem>>, vector<1x16xf32>,
        %swap3A_491 = vector.shape_cast %swap3A_490 : vector<1x16xf32> to vector<16xf32>
        %swap3A_492 = vector.shape_cast %sub3A_487 : vector<16xf32> to vector<1x16xf32>
        tpu.vector_store %arg8[%swap3A_488, %swap3A_489], %swap3A_492 {strides = array<i32>} : memref<128x64xf32, #tpu.memory_space<vmem>>, vector<1x16xf32>,
        %get3A_493 = arith.index_cast %scan3A_482 : i32 to index
        %get3A_494 = arith.constant 16 : index
        %get3A_495 = tpu.vector_load %arg8[%get3A_493, %get3A_494] {strides = array<i32>} : memref<128x64xf32, #tpu.memory_space<vmem>>, vector<1x16xf32>,
        %get3A_496 = vector.shape_cast %get3A_495 : vector<1x16xf32> to vector<16xf32>
        %sub3A_497 = arith.subf %get3A_496, %get3A_9 : vector<16xf32>
        %swap3A_498 = arith.index_cast %scan3A_482 : i32 to index
        %swap3A_499 = arith.constant 16 : index
        %swap3A_500 = tpu.vector_load %arg8[%swap3A_498, %swap3A_499] {strides = array<i32>} : memref<128x64xf32, #tpu.memory_space<vmem>>, vector<1x16xf32>,
        %swap3A_501 = vector.shape_cast %swap3A_500 : vector<1x16xf32> to vector<16xf32>
        %swap3A_502 = vector.shape_cast %sub3A_497 : vector<16xf32> to vector<1x16xf32>
        tpu.vector_store %arg8[%swap3A_498, %swap3A_499], %swap3A_502 {strides = array<i32>} : memref<128x64xf32, #tpu.memory_space<vmem>>, vector<1x16xf32>,
        %get3A_503 = arith.index_cast %scan3A_482 : i32 to index
        %get3A_504 = arith.constant 32 : index
        %get3A_505 = tpu.vector_load %arg8[%get3A_503, %get3A_504] {strides = array<i32>} : memref<128x64xf32, #tpu.memory_space<vmem>>, vector<1x16xf32>,
        %get3A_506 = vector.shape_cast %get3A_505 : vector<1x16xf32> to vector<16xf32>
        %sub3A_507 = arith.subf %get3A_506, %get3A_12 : vector<16xf32>
        %swap3A_508 = arith.index_cast %scan3A_482 : i32 to index
        %swap3A_509 = arith.constant 32 : index
        %swap3A_510 = tpu.vector_load %arg8[%swap3A_508, %swap3A_509] {strides = array<i32>} : memref<128x64xf32, #tpu.memory_space<vmem>>, vector<1x16xf32>,
        %swap3A_511 = vector.shape_cast %swap3A_510 : vector<1x16xf32> to vector<16xf32>
        %swap3A_512 = vector.shape_cast %sub3A_507 : vector<16xf32> to vector<1x16xf32>
        tpu.vector_store %arg8[%swap3A_508, %swap3A_509], %swap3A_512 {strides = array<i32>} : memref<128x64xf32, #tpu.memory_space<vmem>>, vector<1x16xf32>,
        %get3A_513 = arith.index_cast %scan3A_482 : i32 to index
        %get3A_514 = arith.constant 48 : index
        %get3A_515 = tpu.vector_load %arg8[%get3A_513, %get3A_514] {strides = array<i32>} : memref<128x64xf32, #tpu.memory_space<vmem>>, vector<1x16xf32>,
        %get3A_516 = vector.shape_cast %get3A_515 : vector<1x16xf32> to vector<16xf32>
        %sub3A_517 = arith.subf %get3A_516, %get3A_15 : vector<16xf32>
        %swap3A_518 = arith.index_cast %scan3A_482 : i32 to index
        %swap3A_519 = arith.constant 48 : index
        %swap3A_520 = tpu.vector_load %arg8[%swap3A_518, %swap3A_519] {strides = array<i32>} : memref<128x64xf32, #tpu.memory_space<vmem>>, vector<1x16xf32>,
        %swap3A_521 = vector.shape_cast %swap3A_520 : vector<1x16xf32> to vector<16xf32>
        %swap3A_522 = vector.shape_cast %sub3A_517 : vector<16xf32> to vector<1x16xf32>
        tpu.vector_store %arg8[%swap3A_518, %swap3A_519], %swap3A_522 {strides = array<i32>} : memref<128x64xf32, #tpu.memory_space<vmem>>, vector<1x16xf32>,
      }
      %scan3A_107 = arith.constant 128 : i32
      %mul3A_108 = arith.constant 128 : i32
      %mul3A_109 = arith.muli %add3A_81, %mul3A_108 : i32
      %add3A_110 = arith.addi %mul3A_4, %mul3A_109 : i32
      %dma_start3A_111 = arith.constant 0 : i32
      %dma_start3A_112 = tpu.memref_slice %arg5[%add3A_110, %dma_start3A_111] : memref<819200x128xf32, #tpu.memory_space<hbm>> -> memref<128x64xf32, #tpu.memory_space<hbm>>
      %dma_start3A_113 = arith.constant 0 : i32
      %dma_start3A_114 = tpu.memref_slice %arg5[%add3A_110, %dma_start3A_113] : memref<819200x128xf32, #tpu.memory_space<hbm>> -> memref<128x64xf32, #tpu.memory_space<hbm>>
      tpu.enqueue_dma source(%arg8 : memref<128x64xf32, #tpu.memory_space<vmem>>) target(%dma_start3A_114 : memref<128x64xf32, #tpu.memory_space<hbm>>) target_semaphore(%arg17 : memref<!tpu.dma_semaphore, #tpu.memory_space<semaphore_mem>>)
      %mul3A_115 = arith.constant 4 : i32
      %mul3A_116 = arith.muli %scan3A_45, %mul3A_115 : i32
      %add3A_117 = arith.constant 2 : i32
      %add3A_118 = arith.addi %mul3A_116, %add3A_117 : i32
      %sub3A_119 = arith.constant 2 : i32
      %sub3A_120 = arith.subi %add3A_118, %sub3A_119 : i32
      %ge3A_121 = arith.constant 0 : i32
      %ge3A_122 = arith.cmpi sge, %sub3A_120, %ge3A_121 : i32
      %convert_element_type3A_123 = arith.extui %ge3A_122 : i1 to i32
      %cond3A_124 = arith.constant 0 : i32
      %cond3A_125 = arith.cmpi ne, %convert_element_type3A_123, %cond3A_124 : i32
      scf.if %cond3A_125 {
        %sub3A_189 = arith.constant 2 : i32
        %sub3A_190 = arith.subi %add3A_118, %sub3A_189 : i32
        %mul3A_191 = arith.constant 128 : i32
        %mul3A_192 = arith.muli %sub3A_190, %mul3A_191 : i32
        %add3A_193 = arith.addi %mul3A_4, %mul3A_192 : i32
        %dma_wait3A_194 = arith.constant 0 : i32
        %dma_wait3A_195 = tpu.memref_slice %arg5[%add3A_193, %dma_wait3A_194] : memref<819200x128xf32, #tpu.memory_space<hbm>> -> memref<128x64xf32, #tpu.memory_space<hbm>>
        %dma_wait3A_196 = arith.constant 0 : i32
        %dma_wait3A_197 = tpu.memref_slice %arg5[%add3A_193, %dma_wait3A_196] : memref<819200x128xf32, #tpu.memory_space<hbm>> -> memref<128x64xf32, #tpu.memory_space<hbm>>
        tpu.wait_dma2 semaphore(%arg16 : memref<!tpu.dma_semaphore, #tpu.memory_space<semaphore_mem>>) src(%arg7 : memref<128x64xf32, #tpu.memory_space<vmem>>) dst(%dma_wait3A_197 : memref<128x64xf32, #tpu.memory_space<hbm>>)
      } else {
      }
      %add3A_126 = arith.constant 2 : i32
      %add3A_127 = arith.addi %add3A_118, %add3A_126 : i32
      %lt3A_128 = arith.constant 200 : i32
      %lt3A_129 = arith.cmpi slt, %add3A_127, %lt3A_128 : i32
      %convert_element_type3A_130 = arith.extui %lt3A_129 : i1 to i32
      %cond3A_131 = arith.constant 0 : i32
      %cond3A_132 = arith.cmpi ne, %convert_element_type3A_130, %cond3A_131 : i32
      scf.if %cond3A_132 {
        %add3A_189 = arith.constant 2 : i32
        %add3A_190 = arith.addi %add3A_118, %add3A_189 : i32
        %dma_start3A_191 = arith.constant 0 : i32
        %dma_start3A_192 = tpu.memref_slice %arg6[%add3A_190, %dma_start3A_191] : memref<200x128xi32, #tpu.memory_space<vmem>> -> memref<1x128xi32, #tpu.memory_space<vmem>>
        %dma_start3A_193 = tpu.memref_squeeze %dma_start3A_192 : memref<1x128xi32, #tpu.memory_space<vmem>> -> memref<128xi32, #tpu.memory_space<vmem>>
        %dma_start3A_194 = arith.constant 0 : i32
        %dma_start3A_195 = arith.constant 0 : i32
        %dma_start3A_196 = tpu.memref_slice %arg3[%dma_start3A_194, %dma_start3A_195] : memref<2000000x64xf32, #tpu.memory_space<hbm>> -> memref<2000000x64xf32, #tpu.memory_space<hbm>>
        tpu.enqueue_indirect_dma source(%dma_start3A_196 : memref<2000000x64xf32, #tpu.memory_space<hbm>>) target(%arg7 : memref<128x64xf32, #tpu.memory_space<vmem>>) offsets(%dma_start3A_193 : memref<128xi32, #tpu.memory_space<vmem>>) semaphore(%arg12 : memref<!tpu.dma_semaphore, #tpu.memory_space<semaphore_mem>>)
      } else {
      }
      %dma_wait3A_133 = arith.constant 0 : i32
      %dma_wait3A_134 = tpu.memref_slice %arg6[%add3A_118, %dma_wait3A_133] : memref<200x128xi32, #tpu.memory_space<vmem>> -> memref<1x128xi32, #tpu.memory_space<vmem>>
      %dma_wait3A_135 = tpu.memref_squeeze %dma_wait3A_134 : memref<1x128xi32, #tpu.memory_space<vmem>> -> memref<128xi32, #tpu.memory_space<vmem>>
      %dma_wait3A_136 = arith.constant 0 : i32
      %dma_wait3A_137 = arith.constant 0 : i32
      %dma_wait3A_138 = tpu.memref_slice %arg3[%dma_wait3A_136, %dma_wait3A_137] : memref<2000000x64xf32, #tpu.memory_space<hbm>> -> memref<2000000x64xf32, #tpu.memory_space<hbm>>
      tpu.wait_indirect_dma semaphore(%arg14 : memref<!tpu.dma_semaphore, #tpu.memory_space<semaphore_mem>>) src(%dma_wait3A_138 : memref<2000000x64xf32, #tpu.memory_space<hbm>>) dst(%arg9 : memref<128x64xf32, #tpu.memory_space<vmem>>)
      %scan3A_139 = arith.constant 0 : i32
      %scan3A_140 = arith.constant 0 : i32
      %scan3A_141 = arith.constant 128 : i32
      %scan3A_142 = arith.addi %scan3A_140, %scan3A_141 : i32
      %scan3A_143 = arith.constant 8 : i32
      scf.for %scan3A_189 = %scan3A_140 to %scan3A_142 step %scan3A_143  : i32 {
        %get3A_190 = arith.index_cast %scan3A_189 : i32 to index
        %get3A_191 = arith.constant 0 : index
        %get3A_192 = tpu.vector_load %arg9[%get3A_190, %get3A_191] {strides = array<i32>} : memref<128x64xf32, #tpu.memory_space<vmem>>, vector<1x16xf32>,
        %get3A_193 = vector.shape_cast %get3A_192 : vector<1x16xf32> to vector<16xf32>
        %sub3A_194 = arith.subf %get3A_193, %get3A_6 : vector<16xf32>
        %swap3A = arith.index_cast %scan3A_189 : i32 to index
        %swap3A_195 = arith.constant 0 : index
        %swap3A_196 = tpu.vector_load %arg9[%swap3A, %swap3A_195] {strides = array<i32>} : memref<128x64xf32, #tpu.memory_space<vmem>>, vector<1x16xf32>,
        %swap3A_197 = vector.shape_cast %swap3A_196 : vector<1x16xf32> to vector<16xf32>
        %swap3A_198 = vector.shape_cast %sub3A_194 : vector<16xf32> to vector<1x16xf32>
        tpu.vector_store %arg9[%swap3A, %swap3A_195], %swap3A_198 {strides = array<i32>} : memref<128x64xf32, #tpu.memory_space<vmem>>, vector<1x16xf32>,
        %get3A_199 = arith.index_cast %scan3A_189 : i32 to index
        %get3A_200 = arith.constant 16 : index
        %get3A_201 = tpu.vector_load %arg9[%get3A_199, %get3A_200] {strides = array<i32>} : memref<128x64xf32, #tpu.memory_space<vmem>>, vector<1x16xf32>,
        %get3A_202 = vector.shape_cast %get3A_201 : vector<1x16xf32> to vector<16xf32>
        %sub3A_203 = arith.subf %get3A_202, %get3A_9 : vector<16xf32>
        %swap3A_204 = arith.index_cast %scan3A_189 : i32 to index
        %swap3A_205 = arith.constant 16 : index
        %swap3A_206 = tpu.vector_load %arg9[%swap3A_204, %swap3A_205] {strides = array<i32>} : memref<128x64xf32, #tpu.memory_space<vmem>>, vector<1x16xf32>,
        %swap3A_207 = vector.shape_cast %swap3A_206 : vector<1x16xf32> to vector<16xf32>
        %swap3A_208 = vector.shape_cast %sub3A_203 : vector<16xf32> to vector<1x16xf32>
        tpu.vector_store %arg9[%swap3A_204, %swap3A_205], %swap3A_208 {strides = array<i32>} : memref<128x64xf32, #tpu.memory_space<vmem>>, vector<1x16xf32>,
        %get3A_209 = arith.index_cast %scan3A_189 : i32 to index
        %get3A_210 = arith.constant 32 : index
        %get3A_211 = tpu.vector_load %arg9[%get3A_209, %get3A_210] {strides = array<i32>} : memref<128x64xf32, #tpu.memory_space<vmem>>, vector<1x16xf32>,
        %get3A_212 = vector.shape_cast %get3A_211 : vector<1x16xf32> to vector<16xf32>
        %sub3A_213 = arith.subf %get3A_212, %get3A_12 : vector<16xf32>
        %swap3A_214 = arith.index_cast %scan3A_189 : i32 to index
        %swap3A_215 = arith.constant 32 : index
        %swap3A_216 = tpu.vector_load %arg9[%swap3A_214, %swap3A_215] {strides = array<i32>} : memref<128x64xf32, #tpu.memory_space<vmem>>, vector<1x16xf32>,
        %swap3A_217 = vector.shape_cast %swap3A_216 : vector<1x16xf32> to vector<16xf32>
        %swap3A_218 = vector.shape_cast %sub3A_213 : vector<16xf32> to vector<1x16xf32>
        tpu.vector_store %arg9[%swap3A_214, %swap3A_215], %swap3A_218 {strides = array<i32>} : memref<128x64xf32, #tpu.memory_space<vmem>>, vector<1x16xf32>,
        %get3A_219 = arith.index_cast %scan3A_189 : i32 to index
        %get3A_220 = arith.constant 48 : index
        %get3A_221 = tpu.vector_load %arg9[%get3A_219, %get3A_220] {strides = array<i32>} : memref<128x64xf32, #tpu.memory_space<vmem>>, vector<1x16xf32>,
        %get3A_222 = vector.shape_cast %get3A_221 : vector<1x16xf32> to vector<16xf32>
        %sub3A_223 = arith.subf %get3A_222, %get3A_15 : vector<16xf32>
        %swap3A_224 = arith.index_cast %scan3A_189 : i32 to index
        %swap3A_225 = arith.constant 48 : index
        %swap3A_226 = tpu.vector_load %arg9[%swap3A_224, %swap3A_225] {strides = array<i32>} : memref<128x64xf32, #tpu.memory_space<vmem>>, vector<1x16xf32>,
        %swap3A_227 = vector.shape_cast %swap3A_226 : vector<1x16xf32> to vector<16xf32>
        %swap3A_228 = vector.shape_cast %sub3A_223 : vector<16xf32> to vector<1x16xf32>
        tpu.vector_store %arg9[%swap3A_224, %swap3A_225], %swap3A_228 {strides = array<i32>} : memref<128x64xf32, #tpu.memory_space<vmem>>, vector<1x16xf32>,
        %scan3A_229 = arith.constant 1 : i32
        %scan3A_230 = arith.addi %scan3A_189, %scan3A_229 : i32
        %get3A_231 = arith.index_cast %scan3A_230 : i32 to index
        %get3A_232 = arith.constant 0 : index
        %get3A_233 = tpu.vector_load %arg9[%get3A_231, %get3A_232] {strides = array<i32>} : memref<128x64xf32, #tpu.memory_space<vmem>>, vector<1x16xf32>,
        %get3A_234 = vector.shape_cast %get3A_233 : vector<1x16xf32> to vector<16xf32>
        %sub3A_235 = arith.subf %get3A_234, %get3A_6 : vector<16xf32>
        %swap3A_236 = arith.index_cast %scan3A_230 : i32 to index
        %swap3A_237 = arith.constant 0 : index
        %swap3A_238 = tpu.vector_load %arg9[%swap3A_236, %swap3A_237] {strides = array<i32>} : memref<128x64xf32, #tpu.memory_space<vmem>>, vector<1x16xf32>,
        %swap3A_239 = vector.shape_cast %swap3A_238 : vector<1x16xf32> to vector<16xf32>
        %swap3A_240 = vector.shape_cast %sub3A_235 : vector<16xf32> to vector<1x16xf32>
        tpu.vector_store %arg9[%swap3A_236, %swap3A_237], %swap3A_240 {strides = array<i32>} : memref<128x64xf32, #tpu.memory_space<vmem>>, vector<1x16xf32>,
        %get3A_241 = arith.index_cast %scan3A_230 : i32 to index
        %get3A_242 = arith.constant 16 : index
        %get3A_243 = tpu.vector_load %arg9[%get3A_241, %get3A_242] {strides = array<i32>} : memref<128x64xf32, #tpu.memory_space<vmem>>, vector<1x16xf32>,
        %get3A_244 = vector.shape_cast %get3A_243 : vector<1x16xf32> to vector<16xf32>
        %sub3A_245 = arith.subf %get3A_244, %get3A_9 : vector<16xf32>
        %swap3A_246 = arith.index_cast %scan3A_230 : i32 to index
        %swap3A_247 = arith.constant 16 : index
        %swap3A_248 = tpu.vector_load %arg9[%swap3A_246, %swap3A_247] {strides = array<i32>} : memref<128x64xf32, #tpu.memory_space<vmem>>, vector<1x16xf32>,
        %swap3A_249 = vector.shape_cast %swap3A_248 : vector<1x16xf32> to vector<16xf32>
        %swap3A_250 = vector.shape_cast %sub3A_245 : vector<16xf32> to vector<1x16xf32>
        tpu.vector_store %arg9[%swap3A_246, %swap3A_247], %swap3A_250 {strides = array<i32>} : memref<128x64xf32, #tpu.memory_space<vmem>>, vector<1x16xf32>,
        %get3A_251 = arith.index_cast %scan3A_230 : i32 to index
        %get3A_252 = arith.constant 32 : index
        %get3A_253 = tpu.vector_load %arg9[%get3A_251, %get3A_252] {strides = array<i32>} : memref<128x64xf32, #tpu.memory_space<vmem>>, vector<1x16xf32>,
        %get3A_254 = vector.shape_cast %get3A_253 : vector<1x16xf32> to vector<16xf32>
        %sub3A_255 = arith.subf %get3A_254, %get3A_12 : vector<16xf32>
        %swap3A_256 = arith.index_cast %scan3A_230 : i32 to index
        %swap3A_257 = arith.constant 32 : index
        %swap3A_258 = tpu.vector_load %arg9[%swap3A_256, %swap3A_257] {strides = array<i32>} : memref<128x64xf32, #tpu.memory_space<vmem>>, vector<1x16xf32>,
        %swap3A_259 = vector.shape_cast %swap3A_258 : vector<1x16xf32> to vector<16xf32>
        %swap3A_260 = vector.shape_cast %sub3A_255 : vector<16xf32> to vector<1x16xf32>
        tpu.vector_store %arg9[%swap3A_256, %swap3A_257], %swap3A_260 {strides = array<i32>} : memref<128x64xf32, #tpu.memory_space<vmem>>, vector<1x16xf32>,
        %get3A_261 = arith.index_cast %scan3A_230 : i32 to index
        %get3A_262 = arith.constant 48 : index
        %get3A_263 = tpu.vector_load %arg9[%get3A_261, %get3A_262] {strides = array<i32>} : memref<128x64xf32, #tpu.memory_space<vmem>>, vector<1x16xf32>,
        %get3A_264 = vector.shape_cast %get3A_263 : vector<1x16xf32> to vector<16xf32>
        %sub3A_265 = arith.subf %get3A_264, %get3A_15 : vector<16xf32>
        %swap3A_266 = arith.index_cast %scan3A_230 : i32 to index
        %swap3A_267 = arith.constant 48 : index
        %swap3A_268 = tpu.vector_load %arg9[%swap3A_266, %swap3A_267] {strides = array<i32>} : memref<128x64xf32, #tpu.memory_space<vmem>>, vector<1x16xf32>,
        %swap3A_269 = vector.shape_cast %swap3A_268 : vector<1x16xf32> to vector<16xf32>
        %swap3A_270 = vector.shape_cast %sub3A_265 : vector<16xf32> to vector<1x16xf32>
        tpu.vector_store %arg9[%swap3A_266, %swap3A_267], %swap3A_270 {strides = array<i32>} : memref<128x64xf32, #tpu.memory_space<vmem>>, vector<1x16xf32>,
        %scan3A_271 = arith.constant 2 : i32
        %scan3A_272 = arith.addi %scan3A_189, %scan3A_271 : i32
        %get3A_273 = arith.index_cast %scan3A_272 : i32 to index
        %get3A_274 = arith.constant 0 : index
        %get3A_275 = tpu.vector_load %arg9[%get3A_273, %get3A_274] {strides = array<i32>} : memref<128x64xf32, #tpu.memory_space<vmem>>, vector<1x16xf32>,
        %get3A_276 = vector.shape_cast %get3A_275 : vector<1x16xf32> to vector<16xf32>
        %sub3A_277 = arith.subf %get3A_276, %get3A_6 : vector<16xf32>
        %swap3A_278 = arith.index_cast %scan3A_272 : i32 to index
        %swap3A_279 = arith.constant 0 : index
        %swap3A_280 = tpu.vector_load %arg9[%swap3A_278, %swap3A_279] {strides = array<i32>} : memref<128x64xf32, #tpu.memory_space<vmem>>, vector<1x16xf32>,
        %swap3A_281 = vector.shape_cast %swap3A_280 : vector<1x16xf32> to vector<16xf32>
        %swap3A_282 = vector.shape_cast %sub3A_277 : vector<16xf32> to vector<1x16xf32>
        tpu.vector_store %arg9[%swap3A_278, %swap3A_279], %swap3A_282 {strides = array<i32>} : memref<128x64xf32, #tpu.memory_space<vmem>>, vector<1x16xf32>,
        %get3A_283 = arith.index_cast %scan3A_272 : i32 to index
        %get3A_284 = arith.constant 16 : index
        %get3A_285 = tpu.vector_load %arg9[%get3A_283, %get3A_284] {strides = array<i32>} : memref<128x64xf32, #tpu.memory_space<vmem>>, vector<1x16xf32>,
        %get3A_286 = vector.shape_cast %get3A_285 : vector<1x16xf32> to vector<16xf32>
        %sub3A_287 = arith.subf %get3A_286, %get3A_9 : vector<16xf32>
        %swap3A_288 = arith.index_cast %scan3A_272 : i32 to index
        %swap3A_289 = arith.constant 16 : index
        %swap3A_290 = tpu.vector_load %arg9[%swap3A_288, %swap3A_289] {strides = array<i32>} : memref<128x64xf32, #tpu.memory_space<vmem>>, vector<1x16xf32>,
        %swap3A_291 = vector.shape_cast %swap3A_290 : vector<1x16xf32> to vector<16xf32>
        %swap3A_292 = vector.shape_cast %sub3A_287 : vector<16xf32> to vector<1x16xf32>
        tpu.vector_store %arg9[%swap3A_288, %swap3A_289], %swap3A_292 {strides = array<i32>} : memref<128x64xf32, #tpu.memory_space<vmem>>, vector<1x16xf32>,
        %get3A_293 = arith.index_cast %scan3A_272 : i32 to index
        %get3A_294 = arith.constant 32 : index
        %get3A_295 = tpu.vector_load %arg9[%get3A_293, %get3A_294] {strides = array<i32>} : memref<128x64xf32, #tpu.memory_space<vmem>>, vector<1x16xf32>,
        %get3A_296 = vector.shape_cast %get3A_295 : vector<1x16xf32> to vector<16xf32>
        %sub3A_297 = arith.subf %get3A_296, %get3A_12 : vector<16xf32>
        %swap3A_298 = arith.index_cast %scan3A_272 : i32 to index
        %swap3A_299 = arith.constant 32 : index
        %swap3A_300 = tpu.vector_load %arg9[%swap3A_298, %swap3A_299] {strides = array<i32>} : memref<128x64xf32, #tpu.memory_space<vmem>>, vector<1x16xf32>,
        %swap3A_301 = vector.shape_cast %swap3A_300 : vector<1x16xf32> to vector<16xf32>
        %swap3A_302 = vector.shape_cast %sub3A_297 : vector<16xf32> to vector<1x16xf32>
        tpu.vector_store %arg9[%swap3A_298, %swap3A_299], %swap3A_302 {strides = array<i32>} : memref<128x64xf32, #tpu.memory_space<vmem>>, vector<1x16xf32>,
        %get3A_303 = arith.index_cast %scan3A_272 : i32 to index
        %get3A_304 = arith.constant 48 : index
        %get3A_305 = tpu.vector_load %arg9[%get3A_303, %get3A_304] {strides = array<i32>} : memref<128x64xf32, #tpu.memory_space<vmem>>, vector<1x16xf32>,
        %get3A_306 = vector.shape_cast %get3A_305 : vector<1x16xf32> to vector<16xf32>
        %sub3A_307 = arith.subf %get3A_306, %get3A_15 : vector<16xf32>
        %swap3A_308 = arith.index_cast %scan3A_272 : i32 to index
        %swap3A_309 = arith.constant 48 : index
        %swap3A_310 = tpu.vector_load %arg9[%swap3A_308, %swap3A_309] {strides = array<i32>} : memref<128x64xf32, #tpu.memory_space<vmem>>, vector<1x16xf32>,
        %swap3A_311 = vector.shape_cast %swap3A_310 : vector<1x16xf32> to vector<16xf32>
        %swap3A_312 = vector.shape_cast %sub3A_307 : vector<16xf32> to vector<1x16xf32>
        tpu.vector_store %arg9[%swap3A_308, %swap3A_309], %swap3A_312 {strides = array<i32>} : memref<128x64xf32, #tpu.memory_space<vmem>>, vector<1x16xf32>,
        %scan3A_313 = arith.constant 3 : i32
        %scan3A_314 = arith.addi %scan3A_189, %scan3A_313 : i32
        %get3A_315 = arith.index_cast %scan3A_314 : i32 to index
        %get3A_316 = arith.constant 0 : index
        %get3A_317 = tpu.vector_load %arg9[%get3A_315, %get3A_316] {strides = array<i32>} : memref<128x64xf32, #tpu.memory_space<vmem>>, vector<1x16xf32>,
        %get3A_318 = vector.shape_cast %get3A_317 : vector<1x16xf32> to vector<16xf32>
        %sub3A_319 = arith.subf %get3A_318, %get3A_6 : vector<16xf32>
        %swap3A_320 = arith.index_cast %scan3A_314 : i32 to index
        %swap3A_321 = arith.constant 0 : index
        %swap3A_322 = tpu.vector_load %arg9[%swap3A_320, %swap3A_321] {strides = array<i32>} : memref<128x64xf32, #tpu.memory_space<vmem>>, vector<1x16xf32>,
        %swap3A_323 = vector.shape_cast %swap3A_322 : vector<1x16xf32> to vector<16xf32>
        %swap3A_324 = vector.shape_cast %sub3A_319 : vector<16xf32> to vector<1x16xf32>
        tpu.vector_store %arg9[%swap3A_320, %swap3A_321], %swap3A_324 {strides = array<i32>} : memref<128x64xf32, #tpu.memory_space<vmem>>, vector<1x16xf32>,
        %get3A_325 = arith.index_cast %scan3A_314 : i32 to index
        %get3A_326 = arith.constant 16 : index
        %get3A_327 = tpu.vector_load %arg9[%get3A_325, %get3A_326] {strides = array<i32>} : memref<128x64xf32, #tpu.memory_space<vmem>>, vector<1x16xf32>,
        %get3A_328 = vector.shape_cast %get3A_327 : vector<1x16xf32> to vector<16xf32>
        %sub3A_329 = arith.subf %get3A_328, %get3A_9 : vector<16xf32>
        %swap3A_330 = arith.index_cast %scan3A_314 : i32 to index
        %swap3A_331 = arith.constant 16 : index
        %swap3A_332 = tpu.vector_load %arg9[%swap3A_330, %swap3A_331] {strides = array<i32>} : memref<128x64xf32, #tpu.memory_space<vmem>>, vector<1x16xf32>,
        %swap3A_333 = vector.shape_cast %swap3A_332 : vector<1x16xf32> to vector<16xf32>
        %swap3A_334 = vector.shape_cast %sub3A_329 : vector<16xf32> to vector<1x16xf32>
        tpu.vector_store %arg9[%swap3A_330, %swap3A_331], %swap3A_334 {strides = array<i32>} : memref<128x64xf32, #tpu.memory_space<vmem>>, vector<1x16xf32>,
        %get3A_335 = arith.index_cast %scan3A_314 : i32 to index
        %get3A_336 = arith.constant 32 : index
        %get3A_337 = tpu.vector_load %arg9[%get3A_335, %get3A_336] {strides = array<i32>} : memref<128x64xf32, #tpu.memory_space<vmem>>, vector<1x16xf32>,
        %get3A_338 = vector.shape_cast %get3A_337 : vector<1x16xf32> to vector<16xf32>
        %sub3A_339 = arith.subf %get3A_338, %get3A_12 : vector<16xf32>
        %swap3A_340 = arith.index_cast %scan3A_314 : i32 to index
        %swap3A_341 = arith.constant 32 : index
        %swap3A_342 = tpu.vector_load %arg9[%swap3A_340, %swap3A_341] {strides = array<i32>} : memref<128x64xf32, #tpu.memory_space<vmem>>, vector<1x16xf32>,
        %swap3A_343 = vector.shape_cast %swap3A_342 : vector<1x16xf32> to vector<16xf32>
        %swap3A_344 = vector.shape_cast %sub3A_339 : vector<16xf32> to vector<1x16xf32>
        tpu.vector_store %arg9[%swap3A_340, %swap3A_341], %swap3A_344 {strides = array<i32>} : memref<128x64xf32, #tpu.memory_space<vmem>>, vector<1x16xf32>,
        %get3A_345 = arith.index_cast %scan3A_314 : i32 to index
        %get3A_346 = arith.constant 48 : index
        %get3A_347 = tpu.vector_load %arg9[%get3A_345, %get3A_346] {strides = array<i32>} : memref<128x64xf32, #tpu.memory_space<vmem>>, vector<1x16xf32>,
        %get3A_348 = vector.shape_cast %get3A_347 : vector<1x16xf32> to vector<16xf32>
        %sub3A_349 = arith.subf %get3A_348, %get3A_15 : vector<16xf32>
        %swap3A_350 = arith.index_cast %scan3A_314 : i32 to index
        %swap3A_351 = arith.constant 48 : index
        %swap3A_352 = tpu.vector_load %arg9[%swap3A_350, %swap3A_351] {strides = array<i32>} : memref<128x64xf32, #tpu.memory_space<vmem>>, vector<1x16xf32>,
        %swap3A_353 = vector.shape_cast %swap3A_352 : vector<1x16xf32> to vector<16xf32>
        %swap3A_354 = vector.shape_cast %sub3A_349 : vector<16xf32> to vector<1x16xf32>
        tpu.vector_store %arg9[%swap3A_350, %swap3A_351], %swap3A_354 {strides = array<i32>} : memref<128x64xf32, #tpu.memory_space<vmem>>, vector<1x16xf32>,
        %scan3A_355 = arith.constant 4 : i32
        %scan3A_356 = arith.addi %scan3A_189, %scan3A_355 : i32
        %get3A_357 = arith.index_cast %scan3A_356 : i32 to index
        %get3A_358 = arith.constant 0 : index
        %get3A_359 = tpu.vector_load %arg9[%get3A_357, %get3A_358] {strides = array<i32>} : memref<128x64xf32, #tpu.memory_space<vmem>>, vector<1x16xf32>,
        %get3A_360 = vector.shape_cast %get3A_359 : vector<1x16xf32> to vector<16xf32>
        %sub3A_361 = arith.subf %get3A_360, %get3A_6 : vector<16xf32>
        %swap3A_362 = arith.index_cast %scan3A_356 : i32 to index
        %swap3A_363 = arith.constant 0 : index
        %swap3A_364 = tpu.vector_load %arg9[%swap3A_362, %swap3A_363] {strides = array<i32>} : memref<128x64xf32, #tpu.memory_space<vmem>>, vector<1x16xf32>,
        %swap3A_365 = vector.shape_cast %swap3A_364 : vector<1x16xf32> to vector<16xf32>
        %swap3A_366 = vector.shape_cast %sub3A_361 : vector<16xf32> to vector<1x16xf32>
        tpu.vector_store %arg9[%swap3A_362, %swap3A_363], %swap3A_366 {strides = array<i32>} : memref<128x64xf32, #tpu.memory_space<vmem>>, vector<1x16xf32>,
        %get3A_367 = arith.index_cast %scan3A_356 : i32 to index
        %get3A_368 = arith.constant 16 : index
        %get3A_369 = tpu.vector_load %arg9[%get3A_367, %get3A_368] {strides = array<i32>} : memref<128x64xf32, #tpu.memory_space<vmem>>, vector<1x16xf32>,
        %get3A_370 = vector.shape_cast %get3A_369 : vector<1x16xf32> to vector<16xf32>
        %sub3A_371 = arith.subf %get3A_370, %get3A_9 : vector<16xf32>
        %swap3A_372 = arith.index_cast %scan3A_356 : i32 to index
        %swap3A_373 = arith.constant 16 : index
        %swap3A_374 = tpu.vector_load %arg9[%swap3A_372, %swap3A_373] {strides = array<i32>} : memref<128x64xf32, #tpu.memory_space<vmem>>, vector<1x16xf32>,
        %swap3A_375 = vector.shape_cast %swap3A_374 : vector<1x16xf32> to vector<16xf32>
        %swap3A_376 = vector.shape_cast %sub3A_371 : vector<16xf32> to vector<1x16xf32>
        tpu.vector_store %arg9[%swap3A_372, %swap3A_373], %swap3A_376 {strides = array<i32>} : memref<128x64xf32, #tpu.memory_space<vmem>>, vector<1x16xf32>,
        %get3A_377 = arith.index_cast %scan3A_356 : i32 to index
        %get3A_378 = arith.constant 32 : index
        %get3A_379 = tpu.vector_load %arg9[%get3A_377, %get3A_378] {strides = array<i32>} : memref<128x64xf32, #tpu.memory_space<vmem>>, vector<1x16xf32>,
        %get3A_380 = vector.shape_cast %get3A_379 : vector<1x16xf32> to vector<16xf32>
        %sub3A_381 = arith.subf %get3A_380, %get3A_12 : vector<16xf32>
        %swap3A_382 = arith.index_cast %scan3A_356 : i32 to index
        %swap3A_383 = arith.constant 32 : index
        %swap3A_384 = tpu.vector_load %arg9[%swap3A_382, %swap3A_383] {strides = array<i32>} : memref<128x64xf32, #tpu.memory_space<vmem>>, vector<1x16xf32>,
        %swap3A_385 = vector.shape_cast %swap3A_384 : vector<1x16xf32> to vector<16xf32>
        %swap3A_386 = vector.shape_cast %sub3A_381 : vector<16xf32> to vector<1x16xf32>
        tpu.vector_store %arg9[%swap3A_382, %swap3A_383], %swap3A_386 {strides = array<i32>} : memref<128x64xf32, #tpu.memory_space<vmem>>, vector<1x16xf32>,
        %get3A_387 = arith.index_cast %scan3A_356 : i32 to index
        %get3A_388 = arith.constant 48 : index
        %get3A_389 = tpu.vector_load %arg9[%get3A_387, %get3A_388] {strides = array<i32>} : memref<128x64xf32, #tpu.memory_space<vmem>>, vector<1x16xf32>,
        %get3A_390 = vector.shape_cast %get3A_389 : vector<1x16xf32> to vector<16xf32>
        %sub3A_391 = arith.subf %get3A_390, %get3A_15 : vector<16xf32>
        %swap3A_392 = arith.index_cast %scan3A_356 : i32 to index
        %swap3A_393 = arith.constant 48 : index
        %swap3A_394 = tpu.vector_load %arg9[%swap3A_392, %swap3A_393] {strides = array<i32>} : memref<128x64xf32, #tpu.memory_space<vmem>>, vector<1x16xf32>,
        %swap3A_395 = vector.shape_cast %swap3A_394 : vector<1x16xf32> to vector<16xf32>
        %swap3A_396 = vector.shape_cast %sub3A_391 : vector<16xf32> to vector<1x16xf32>
        tpu.vector_store %arg9[%swap3A_392, %swap3A_393], %swap3A_396 {strides = array<i32>} : memref<128x64xf32, #tpu.memory_space<vmem>>, vector<1x16xf32>,
        %scan3A_397 = arith.constant 5 : i32
        %scan3A_398 = arith.addi %scan3A_189, %scan3A_397 : i32
        %get3A_399 = arith.index_cast %scan3A_398 : i32 to index
        %get3A_400 = arith.constant 0 : index
        %get3A_401 = tpu.vector_load %arg9[%get3A_399, %get3A_400] {strides = array<i32>} : memref<128x64xf32, #tpu.memory_space<vmem>>, vector<1x16xf32>,
        %get3A_402 = vector.shape_cast %get3A_401 : vector<1x16xf32> to vector<16xf32>
        %sub3A_403 = arith.subf %get3A_402, %get3A_6 : vector<16xf32>
        %swap3A_404 = arith.index_cast %scan3A_398 : i32 to index
        %swap3A_405 = arith.constant 0 : index
        %swap3A_406 = tpu.vector_load %arg9[%swap3A_404, %swap3A_405] {strides = array<i32>} : memref<128x64xf32, #tpu.memory_space<vmem>>, vector<1x16xf32>,
        %swap3A_407 = vector.shape_cast %swap3A_406 : vector<1x16xf32> to vector<16xf32>
        %swap3A_408 = vector.shape_cast %sub3A_403 : vector<16xf32> to vector<1x16xf32>
        tpu.vector_store %arg9[%swap3A_404, %swap3A_405], %swap3A_408 {strides = array<i32>} : memref<128x64xf32, #tpu.memory_space<vmem>>, vector<1x16xf32>,
        %get3A_409 = arith.index_cast %scan3A_398 : i32 to index
        %get3A_410 = arith.constant 16 : index
        %get3A_411 = tpu.vector_load %arg9[%get3A_409, %get3A_410] {strides = array<i32>} : memref<128x64xf32, #tpu.memory_space<vmem>>, vector<1x16xf32>,
        %get3A_412 = vector.shape_cast %get3A_411 : vector<1x16xf32> to vector<16xf32>
        %sub3A_413 = arith.subf %get3A_412, %get3A_9 : vector<16xf32>
        %swap3A_414 = arith.index_cast %scan3A_398 : i32 to index
        %swap3A_415 = arith.constant 16 : index
        %swap3A_416 = tpu.vector_load %arg9[%swap3A_414, %swap3A_415] {strides = array<i32>} : memref<128x64xf32, #tpu.memory_space<vmem>>, vector<1x16xf32>,
        %swap3A_417 = vector.shape_cast %swap3A_416 : vector<1x16xf32> to vector<16xf32>
        %swap3A_418 = vector.shape_cast %sub3A_413 : vector<16xf32> to vector<1x16xf32>
        tpu.vector_store %arg9[%swap3A_414, %swap3A_415], %swap3A_418 {strides = array<i32>} : memref<128x64xf32, #tpu.memory_space<vmem>>, vector<1x16xf32>,
        %get3A_419 = arith.index_cast %scan3A_398 : i32 to index
        %get3A_420 = arith.constant 32 : index
        %get3A_421 = tpu.vector_load %arg9[%get3A_419, %get3A_420] {strides = array<i32>} : memref<128x64xf32, #tpu.memory_space<vmem>>, vector<1x16xf32>,
        %get3A_422 = vector.shape_cast %get3A_421 : vector<1x16xf32> to vector<16xf32>
        %sub3A_423 = arith.subf %get3A_422, %get3A_12 : vector<16xf32>
        %swap3A_424 = arith.index_cast %scan3A_398 : i32 to index
        %swap3A_425 = arith.constant 32 : index
        %swap3A_426 = tpu.vector_load %arg9[%swap3A_424, %swap3A_425] {strides = array<i32>} : memref<128x64xf32, #tpu.memory_space<vmem>>, vector<1x16xf32>,
        %swap3A_427 = vector.shape_cast %swap3A_426 : vector<1x16xf32> to vector<16xf32>
        %swap3A_428 = vector.shape_cast %sub3A_423 : vector<16xf32> to vector<1x16xf32>
        tpu.vector_store %arg9[%swap3A_424, %swap3A_425], %swap3A_428 {strides = array<i32>} : memref<128x64xf32, #tpu.memory_space<vmem>>, vector<1x16xf32>,
        %get3A_429 = arith.index_cast %scan3A_398 : i32 to index
        %get3A_430 = arith.constant 48 : index
        %get3A_431 = tpu.vector_load %arg9[%get3A_429, %get3A_430] {strides = array<i32>} : memref<128x64xf32, #tpu.memory_space<vmem>>, vector<1x16xf32>,
        %get3A_432 = vector.shape_cast %get3A_431 : vector<1x16xf32> to vector<16xf32>
        %sub3A_433 = arith.subf %get3A_432, %get3A_15 : vector<16xf32>
        %swap3A_434 = arith.index_cast %scan3A_398 : i32 to index
        %swap3A_435 = arith.constant 48 : index
        %swap3A_436 = tpu.vector_load %arg9[%swap3A_434, %swap3A_435] {strides = array<i32>} : memref<128x64xf32, #tpu.memory_space<vmem>>, vector<1x16xf32>,
        %swap3A_437 = vector.shape_cast %swap3A_436 : vector<1x16xf32> to vector<16xf32>
        %swap3A_438 = vector.shape_cast %sub3A_433 : vector<16xf32> to vector<1x16xf32>
        tpu.vector_store %arg9[%swap3A_434, %swap3A_435], %swap3A_438 {strides = array<i32>} : memref<128x64xf32, #tpu.memory_space<vmem>>, vector<1x16xf32>,
        %scan3A_439 = arith.constant 6 : i32
        %scan3A_440 = arith.addi %scan3A_189, %scan3A_439 : i32
        %get3A_441 = arith.index_cast %scan3A_440 : i32 to index
        %get3A_442 = arith.constant 0 : index
        %get3A_443 = tpu.vector_load %arg9[%get3A_441, %get3A_442] {strides = array<i32>} : memref<128x64xf32, #tpu.memory_space<vmem>>, vector<1x16xf32>,
        %get3A_444 = vector.shape_cast %get3A_443 : vector<1x16xf32> to vector<16xf32>
        %sub3A_445 = arith.subf %get3A_444, %get3A_6 : vector<16xf32>
        %swap3A_446 = arith.index_cast %scan3A_440 : i32 to index
        %swap3A_447 = arith.constant 0 : index
        %swap3A_448 = tpu.vector_load %arg9[%swap3A_446, %swap3A_447] {strides = array<i32>} : memref<128x64xf32, #tpu.memory_space<vmem>>, vector<1x16xf32>,
        %swap3A_449 = vector.shape_cast %swap3A_448 : vector<1x16xf32> to vector<16xf32>
        %swap3A_450 = vector.shape_cast %sub3A_445 : vector<16xf32> to vector<1x16xf32>
        tpu.vector_store %arg9[%swap3A_446, %swap3A_447], %swap3A_450 {strides = array<i32>} : memref<128x64xf32, #tpu.memory_space<vmem>>, vector<1x16xf32>,
        %get3A_451 = arith.index_cast %scan3A_440 : i32 to index
        %get3A_452 = arith.constant 16 : index
        %get3A_453 = tpu.vector_load %arg9[%get3A_451, %get3A_452] {strides = array<i32>} : memref<128x64xf32, #tpu.memory_space<vmem>>, vector<1x16xf32>,
        %get3A_454 = vector.shape_cast %get3A_453 : vector<1x16xf32> to vector<16xf32>
        %sub3A_455 = arith.subf %get3A_454, %get3A_9 : vector<16xf32>
        %swap3A_456 = arith.index_cast %scan3A_440 : i32 to index
        %swap3A_457 = arith.constant 16 : index
        %swap3A_458 = tpu.vector_load %arg9[%swap3A_456, %swap3A_457] {strides = array<i32>} : memref<128x64xf32, #tpu.memory_space<vmem>>, vector<1x16xf32>,
        %swap3A_459 = vector.shape_cast %swap3A_458 : vector<1x16xf32> to vector<16xf32>
        %swap3A_460 = vector.shape_cast %sub3A_455 : vector<16xf32> to vector<1x16xf32>
        tpu.vector_store %arg9[%swap3A_456, %swap3A_457], %swap3A_460 {strides = array<i32>} : memref<128x64xf32, #tpu.memory_space<vmem>>, vector<1x16xf32>,
        %get3A_461 = arith.index_cast %scan3A_440 : i32 to index
        %get3A_462 = arith.constant 32 : index
        %get3A_463 = tpu.vector_load %arg9[%get3A_461, %get3A_462] {strides = array<i32>} : memref<128x64xf32, #tpu.memory_space<vmem>>, vector<1x16xf32>,
        %get3A_464 = vector.shape_cast %get3A_463 : vector<1x16xf32> to vector<16xf32>
        %sub3A_465 = arith.subf %get3A_464, %get3A_12 : vector<16xf32>
        %swap3A_466 = arith.index_cast %scan3A_440 : i32 to index
        %swap3A_467 = arith.constant 32 : index
        %swap3A_468 = tpu.vector_load %arg9[%swap3A_466, %swap3A_467] {strides = array<i32>} : memref<128x64xf32, #tpu.memory_space<vmem>>, vector<1x16xf32>,
        %swap3A_469 = vector.shape_cast %swap3A_468 : vector<1x16xf32> to vector<16xf32>
        %swap3A_470 = vector.shape_cast %sub3A_465 : vector<16xf32> to vector<1x16xf32>
        tpu.vector_store %arg9[%swap3A_466, %swap3A_467], %swap3A_470 {strides = array<i32>} : memref<128x64xf32, #tpu.memory_space<vmem>>, vector<1x16xf32>,
        %get3A_471 = arith.index_cast %scan3A_440 : i32 to index
        %get3A_472 = arith.constant 48 : index
        %get3A_473 = tpu.vector_load %arg9[%get3A_471, %get3A_472] {strides = array<i32>} : memref<128x64xf32, #tpu.memory_space<vmem>>, vector<1x16xf32>,
        %get3A_474 = vector.shape_cast %get3A_473 : vector<1x16xf32> to vector<16xf32>
        %sub3A_475 = arith.subf %get3A_474, %get3A_15 : vector<16xf32>
        %swap3A_476 = arith.index_cast %scan3A_440 : i32 to index
        %swap3A_477 = arith.constant 48 : index
        %swap3A_478 = tpu.vector_load %arg9[%swap3A_476, %swap3A_477] {strides = array<i32>} : memref<128x64xf32, #tpu.memory_space<vmem>>, vector<1x16xf32>,
        %swap3A_479 = vector.shape_cast %swap3A_478 : vector<1x16xf32> to vector<16xf32>
        %swap3A_480 = vector.shape_cast %sub3A_475 : vector<16xf32> to vector<1x16xf32>
        tpu.vector_store %arg9[%swap3A_476, %swap3A_477], %swap3A_480 {strides = array<i32>} : memref<128x64xf32, #tpu.memory_space<vmem>>, vector<1x16xf32>,
        %scan3A_481 = arith.constant 7 : i32
        %scan3A_482 = arith.addi %scan3A_189, %scan3A_481 : i32
        %get3A_483 = arith.index_cast %scan3A_482 : i32 to index
        %get3A_484 = arith.constant 0 : index
        %get3A_485 = tpu.vector_load %arg9[%get3A_483, %get3A_484] {strides = array<i32>} : memref<128x64xf32, #tpu.memory_space<vmem>>, vector<1x16xf32>,
        %get3A_486 = vector.shape_cast %get3A_485 : vector<1x16xf32> to vector<16xf32>
        %sub3A_487 = arith.subf %get3A_486, %get3A_6 : vector<16xf32>
        %swap3A_488 = arith.index_cast %scan3A_482 : i32 to index
        %swap3A_489 = arith.constant 0 : index
        %swap3A_490 = tpu.vector_load %arg9[%swap3A_488, %swap3A_489] {strides = array<i32>} : memref<128x64xf32, #tpu.memory_space<vmem>>, vector<1x16xf32>,
        %swap3A_491 = vector.shape_cast %swap3A_490 : vector<1x16xf32> to vector<16xf32>
        %swap3A_492 = vector.shape_cast %sub3A_487 : vector<16xf32> to vector<1x16xf32>
        tpu.vector_store %arg9[%swap3A_488, %swap3A_489], %swap3A_492 {strides = array<i32>} : memref<128x64xf32, #tpu.memory_space<vmem>>, vector<1x16xf32>,
        %get3A_493 = arith.index_cast %scan3A_482 : i32 to index
        %get3A_494 = arith.constant 16 : index
        %get3A_495 = tpu.vector_load %arg9[%get3A_493, %get3A_494] {strides = array<i32>} : memref<128x64xf32, #tpu.memory_space<vmem>>, vector<1x16xf32>,
        %get3A_496 = vector.shape_cast %get3A_495 : vector<1x16xf32> to vector<16xf32>
        %sub3A_497 = arith.subf %get3A_496, %get3A_9 : vector<16xf32>
        %swap3A_498 = arith.index_cast %scan3A_482 : i32 to index
        %swap3A_499 = arith.constant 16 : index
        %swap3A_500 = tpu.vector_load %arg9[%swap3A_498, %swap3A_499] {strides = array<i32>} : memref<128x64xf32, #tpu.memory_space<vmem>>, vector<1x16xf32>,
        %swap3A_501 = vector.shape_cast %swap3A_500 : vector<1x16xf32> to vector<16xf32>
        %swap3A_502 = vector.shape_cast %sub3A_497 : vector<16xf32> to vector<1x16xf32>
        tpu.vector_store %arg9[%swap3A_498, %swap3A_499], %swap3A_502 {strides = array<i32>} : memref<128x64xf32, #tpu.memory_space<vmem>>, vector<1x16xf32>,
        %get3A_503 = arith.index_cast %scan3A_482 : i32 to index
        %get3A_504 = arith.constant 32 : index
        %get3A_505 = tpu.vector_load %arg9[%get3A_503, %get3A_504] {strides = array<i32>} : memref<128x64xf32, #tpu.memory_space<vmem>>, vector<1x16xf32>,
        %get3A_506 = vector.shape_cast %get3A_505 : vector<1x16xf32> to vector<16xf32>
        %sub3A_507 = arith.subf %get3A_506, %get3A_12 : vector<16xf32>
        %swap3A_508 = arith.index_cast %scan3A_482 : i32 to index
        %swap3A_509 = arith.constant 32 : index
        %swap3A_510 = tpu.vector_load %arg9[%swap3A_508, %swap3A_509] {strides = array<i32>} : memref<128x64xf32, #tpu.memory_space<vmem>>, vector<1x16xf32>,
        %swap3A_511 = vector.shape_cast %swap3A_510 : vector<1x16xf32> to vector<16xf32>
        %swap3A_512 = vector.shape_cast %sub3A_507 : vector<16xf32> to vector<1x16xf32>
        tpu.vector_store %arg9[%swap3A_508, %swap3A_509], %swap3A_512 {strides = array<i32>} : memref<128x64xf32, #tpu.memory_space<vmem>>, vector<1x16xf32>,
        %get3A_513 = arith.index_cast %scan3A_482 : i32 to index
        %get3A_514 = arith.constant 48 : index
        %get3A_515 = tpu.vector_load %arg9[%get3A_513, %get3A_514] {strides = array<i32>} : memref<128x64xf32, #tpu.memory_space<vmem>>, vector<1x16xf32>,
        %get3A_516 = vector.shape_cast %get3A_515 : vector<1x16xf32> to vector<16xf32>
        %sub3A_517 = arith.subf %get3A_516, %get3A_15 : vector<16xf32>
        %swap3A_518 = arith.index_cast %scan3A_482 : i32 to index
        %swap3A_519 = arith.constant 48 : index
        %swap3A_520 = tpu.vector_load %arg9[%swap3A_518, %swap3A_519] {strides = array<i32>} : memref<128x64xf32, #tpu.memory_space<vmem>>, vector<1x16xf32>,
        %swap3A_521 = vector.shape_cast %swap3A_520 : vector<1x16xf32> to vector<16xf32>
        %swap3A_522 = vector.shape_cast %sub3A_517 : vector<16xf32> to vector<1x16xf32>
        tpu.vector_store %arg9[%swap3A_518, %swap3A_519], %swap3A_522 {strides = array<i32>} : memref<128x64xf32, #tpu.memory_space<vmem>>, vector<1x16xf32>,
      }
      %scan3A_144 = arith.constant 128 : i32
      %mul3A_145 = arith.constant 128 : i32
      %mul3A_146 = arith.muli %add3A_118, %mul3A_145 : i32
      %add3A_147 = arith.addi %mul3A_4, %mul3A_146 : i32
      %dma_start3A_148 = arith.constant 0 : i32
      %dma_start3A_149 = tpu.memref_slice %arg5[%add3A_147, %dma_start3A_148] : memref<819200x128xf32, #tpu.memory_space<hbm>> -> memref<128x64xf32, #tpu.memory_space<hbm>>
      %dma_start3A_150 = arith.constant 0 : i32
      %dma_start3A_151 = tpu.memref_slice %arg5[%add3A_147, %dma_start3A_150] : memref<819200x128xf32, #tpu.memory_space<hbm>> -> memref<128x64xf32, #tpu.memory_space<hbm>>
      tpu.enqueue_dma source(%arg9 : memref<128x64xf32, #tpu.memory_space<vmem>>) target(%dma_start3A_151 : memref<128x64xf32, #tpu.memory_space<hbm>>) target_semaphore(%arg18 : memref<!tpu.dma_semaphore, #tpu.memory_space<semaphore_mem>>)
      %mul3A_152 = arith.constant 4 : i32
      %mul3A_153 = arith.muli %scan3A_45, %mul3A_152 : i32
      %add3A_154 = arith.constant 3 : i32
      %add3A_155 = arith.addi %mul3A_153, %add3A_154 : i32
      %sub3A_156 = arith.constant 2 : i32
      %sub3A_157 = arith.subi %add3A_155, %sub3A_156 : i32
      %ge3A_158 = arith.constant 0 : i32
      %ge3A_159 = arith.cmpi sge, %sub3A_157, %ge3A_158 : i32
      %convert_element_type3A_160 = arith.extui %ge3A_159 : i1 to i32
      %cond3A_161 = arith.constant 0 : i32
      %cond3A_162 = arith.cmpi ne, %convert_element_type3A_160, %cond3A_161 : i32
      scf.if %cond3A_162 {
        %sub3A_189 = arith.constant 2 : i32
        %sub3A_190 = arith.subi %add3A_155, %sub3A_189 : i32
        %mul3A_191 = arith.constant 128 : i32
        %mul3A_192 = arith.muli %sub3A_190, %mul3A_191 : i32
        %add3A_193 = arith.addi %mul3A_4, %mul3A_192 : i32
        %dma_wait3A_194 = arith.constant 0 : i32
        %dma_wait3A_195 = tpu.memref_slice %arg5[%add3A_193, %dma_wait3A_194] : memref<819200x128xf32, #tpu.memory_space<hbm>> -> memref<128x64xf32, #tpu.memory_space<hbm>>
        %dma_wait3A_196 = arith.constant 0 : i32
        %dma_wait3A_197 = tpu.memref_slice %arg5[%add3A_193, %dma_wait3A_196] : memref<819200x128xf32, #tpu.memory_space<hbm>> -> memref<128x64xf32, #tpu.memory_space<hbm>>
        tpu.wait_dma2 semaphore(%arg17 : memref<!tpu.dma_semaphore, #tpu.memory_space<semaphore_mem>>) src(%arg8 : memref<128x64xf32, #tpu.memory_space<vmem>>) dst(%dma_wait3A_197 : memref<128x64xf32, #tpu.memory_space<hbm>>)
      } else {
      }
      %add3A_163 = arith.constant 2 : i32
      %add3A_164 = arith.addi %add3A_155, %add3A_163 : i32
      %lt3A_165 = arith.constant 200 : i32
      %lt3A_166 = arith.cmpi slt, %add3A_164, %lt3A_165 : i32
      %convert_element_type3A_167 = arith.extui %lt3A_166 : i1 to i32
      %cond3A_168 = arith.constant 0 : i32
      %cond3A_169 = arith.cmpi ne, %convert_element_type3A_167, %cond3A_168 : i32
      scf.if %cond3A_169 {
        %add3A_189 = arith.constant 2 : i32
        %add3A_190 = arith.addi %add3A_155, %add3A_189 : i32
        %dma_start3A_191 = arith.constant 0 : i32
        %dma_start3A_192 = tpu.memref_slice %arg6[%add3A_190, %dma_start3A_191] : memref<200x128xi32, #tpu.memory_space<vmem>> -> memref<1x128xi32, #tpu.memory_space<vmem>>
        %dma_start3A_193 = tpu.memref_squeeze %dma_start3A_192 : memref<1x128xi32, #tpu.memory_space<vmem>> -> memref<128xi32, #tpu.memory_space<vmem>>
        %dma_start3A_194 = arith.constant 0 : i32
        %dma_start3A_195 = arith.constant 0 : i32
        %dma_start3A_196 = tpu.memref_slice %arg3[%dma_start3A_194, %dma_start3A_195] : memref<2000000x64xf32, #tpu.memory_space<hbm>> -> memref<2000000x64xf32, #tpu.memory_space<hbm>>
        tpu.enqueue_indirect_dma source(%dma_start3A_196 : memref<2000000x64xf32, #tpu.memory_space<hbm>>) target(%arg8 : memref<128x64xf32, #tpu.memory_space<vmem>>) offsets(%dma_start3A_193 : memref<128xi32, #tpu.memory_space<vmem>>) semaphore(%arg13 : memref<!tpu.dma_semaphore, #tpu.memory_space<semaphore_mem>>)
      } else {
      }
      %dma_wait3A_170 = arith.constant 0 : i32
      %dma_wait3A_171 = tpu.memref_slice %arg6[%add3A_155, %dma_wait3A_170] : memref<200x128xi32, #tpu.memory_space<vmem>> -> memref<1x128xi32, #tpu.memory_space<vmem>>
      %dma_wait3A_172 = tpu.memref_squeeze %dma_wait3A_171 : memref<1x128xi32, #tpu.memory_space<vmem>> -> memref<128xi32, #tpu.memory_space<vmem>>
      %dma_wait3A_173 = arith.constant 0 : i32
      %dma_wait3A_174 = arith.constant 0 : i32
      %dma_wait3A_175 = tpu.memref_slice %arg3[%dma_wait3A_173, %dma_wait3A_174] : memref<2000000x64xf32, #tpu.memory_space<hbm>> -> memref<2000000x64xf32, #tpu.memory_space<hbm>>
      tpu.wait_indirect_dma semaphore(%arg15 : memref<!tpu.dma_semaphore, #tpu.memory_space<semaphore_mem>>) src(%dma_wait3A_175 : memref<2000000x64xf32, #tpu.memory_space<hbm>>) dst(%arg10 : memref<128x64xf32, #tpu.memory_space<vmem>>)
      %scan3A_176 = arith.constant 0 : i32
      %scan3A_177 = arith.constant 0 : i32
      %scan3A_178 = arith.constant 128 : i32
      %scan3A_179 = arith.addi %scan3A_177, %scan3A_178 : i32
      %scan3A_180 = arith.constant 8 : i32
      scf.for %scan3A_189 = %scan3A_177 to %scan3A_179 step %scan3A_180  : i32 {
        %get3A_190 = arith.index_cast %scan3A_189 : i32 to index
        %get3A_191 = arith.constant 0 : index
        %get3A_192 = tpu.vector_load %arg10[%get3A_190, %get3A_191] {strides = array<i32>} : memref<128x64xf32, #tpu.memory_space<vmem>>, vector<1x16xf32>,
        %get3A_193 = vector.shape_cast %get3A_192 : vector<1x16xf32> to vector<16xf32>
        %sub3A_194 = arith.subf %get3A_193, %get3A_6 : vector<16xf32>
        %swap3A = arith.index_cast %scan3A_189 : i32 to index
        %swap3A_195 = arith.constant 0 : index
        %swap3A_196 = tpu.vector_load %arg10[%swap3A, %swap3A_195] {strides = array<i32>} : memref<128x64xf32, #tpu.memory_space<vmem>>, vector<1x16xf32>,
        %swap3A_197 = vector.shape_cast %swap3A_196 : vector<1x16xf32> to vector<16xf32>
        %swap3A_198 = vector.shape_cast %sub3A_194 : vector<16xf32> to vector<1x16xf32>
        tpu.vector_store %arg10[%swap3A, %swap3A_195], %swap3A_198 {strides = array<i32>} : memref<128x64xf32, #tpu.memory_space<vmem>>, vector<1x16xf32>,
        %get3A_199 = arith.index_cast %scan3A_189 : i32 to index
        %get3A_200 = arith.constant 16 : index
        %get3A_201 = tpu.vector_load %arg10[%get3A_199, %get3A_200] {strides = array<i32>} : memref<128x64xf32, #tpu.memory_space<vmem>>, vector<1x16xf32>,
        %get3A_202 = vector.shape_cast %get3A_201 : vector<1x16xf32> to vector<16xf32>
        %sub3A_203 = arith.subf %get3A_202, %get3A_9 : vector<16xf32>
        %swap3A_204 = arith.index_cast %scan3A_189 : i32 to index
        %swap3A_205 = arith.constant 16 : index
        %swap3A_206 = tpu.vector_load %arg10[%swap3A_204, %swap3A_205] {strides = array<i32>} : memref<128x64xf32, #tpu.memory_space<vmem>>, vector<1x16xf32>,
        %swap3A_207 = vector.shape_cast %swap3A_206 : vector<1x16xf32> to vector<16xf32>
        %swap3A_208 = vector.shape_cast %sub3A_203 : vector<16xf32> to vector<1x16xf32>
        tpu.vector_store %arg10[%swap3A_204, %swap3A_205], %swap3A_208 {strides = array<i32>} : memref<128x64xf32, #tpu.memory_space<vmem>>, vector<1x16xf32>,
        %get3A_209 = arith.index_cast %scan3A_189 : i32 to index
        %get3A_210 = arith.constant 32 : index
        %get3A_211 = tpu.vector_load %arg10[%get3A_209, %get3A_210] {strides = array<i32>} : memref<128x64xf32, #tpu.memory_space<vmem>>, vector<1x16xf32>,
        %get3A_212 = vector.shape_cast %get3A_211 : vector<1x16xf32> to vector<16xf32>
        %sub3A_213 = arith.subf %get3A_212, %get3A_12 : vector<16xf32>
        %swap3A_214 = arith.index_cast %scan3A_189 : i32 to index
        %swap3A_215 = arith.constant 32 : index
        %swap3A_216 = tpu.vector_load %arg10[%swap3A_214, %swap3A_215] {strides = array<i32>} : memref<128x64xf32, #tpu.memory_space<vmem>>, vector<1x16xf32>,
        %swap3A_217 = vector.shape_cast %swap3A_216 : vector<1x16xf32> to vector<16xf32>
        %swap3A_218 = vector.shape_cast %sub3A_213 : vector<16xf32> to vector<1x16xf32>
        tpu.vector_store %arg10[%swap3A_214, %swap3A_215], %swap3A_218 {strides = array<i32>} : memref<128x64xf32, #tpu.memory_space<vmem>>, vector<1x16xf32>,
        %get3A_219 = arith.index_cast %scan3A_189 : i32 to index
        %get3A_220 = arith.constant 48 : index
        %get3A_221 = tpu.vector_load %arg10[%get3A_219, %get3A_220] {strides = array<i32>} : memref<128x64xf32, #tpu.memory_space<vmem>>, vector<1x16xf32>,
        %get3A_222 = vector.shape_cast %get3A_221 : vector<1x16xf32> to vector<16xf32>
        %sub3A_223 = arith.subf %get3A_222, %get3A_15 : vector<16xf32>
        %swap3A_224 = arith.index_cast %scan3A_189 : i32 to index
        %swap3A_225 = arith.constant 48 : index
        %swap3A_226 = tpu.vector_load %arg10[%swap3A_224, %swap3A_225] {strides = array<i32>} : memref<128x64xf32, #tpu.memory_space<vmem>>, vector<1x16xf32>,
        %swap3A_227 = vector.shape_cast %swap3A_226 : vector<1x16xf32> to vector<16xf32>
        %swap3A_228 = vector.shape_cast %sub3A_223 : vector<16xf32> to vector<1x16xf32>
        tpu.vector_store %arg10[%swap3A_224, %swap3A_225], %swap3A_228 {strides = array<i32>} : memref<128x64xf32, #tpu.memory_space<vmem>>, vector<1x16xf32>,
        %scan3A_229 = arith.constant 1 : i32
        %scan3A_230 = arith.addi %scan3A_189, %scan3A_229 : i32
        %get3A_231 = arith.index_cast %scan3A_230 : i32 to index
        %get3A_232 = arith.constant 0 : index
        %get3A_233 = tpu.vector_load %arg10[%get3A_231, %get3A_232] {strides = array<i32>} : memref<128x64xf32, #tpu.memory_space<vmem>>, vector<1x16xf32>,
        %get3A_234 = vector.shape_cast %get3A_233 : vector<1x16xf32> to vector<16xf32>
        %sub3A_235 = arith.subf %get3A_234, %get3A_6 : vector<16xf32>
        %swap3A_236 = arith.index_cast %scan3A_230 : i32 to index
        %swap3A_237 = arith.constant 0 : index
        %swap3A_238 = tpu.vector_load %arg10[%swap3A_236, %swap3A_237] {strides = array<i32>} : memref<128x64xf32, #tpu.memory_space<vmem>>, vector<1x16xf32>,
        %swap3A_239 = vector.shape_cast %swap3A_238 : vector<1x16xf32> to vector<16xf32>
        %swap3A_240 = vector.shape_cast %sub3A_235 : vector<16xf32> to vector<1x16xf32>
        tpu.vector_store %arg10[%swap3A_236, %swap3A_237], %swap3A_240 {strides = array<i32>} : memref<128x64xf32, #tpu.memory_space<vmem>>, vector<1x16xf32>,
        %get3A_241 = arith.index_cast %scan3A_230 : i32 to index
        %get3A_242 = arith.constant 16 : index
        %get3A_243 = tpu.vector_load %arg10[%get3A_241, %get3A_242] {strides = array<i32>} : memref<128x64xf32, #tpu.memory_space<vmem>>, vector<1x16xf32>,
        %get3A_244 = vector.shape_cast %get3A_243 : vector<1x16xf32> to vector<16xf32>
        %sub3A_245 = arith.subf %get3A_244, %get3A_9 : vector<16xf32>
        %swap3A_246 = arith.index_cast %scan3A_230 : i32 to index
        %swap3A_247 = arith.constant 16 : index
        %swap3A_248 = tpu.vector_load %arg10[%swap3A_246, %swap3A_247] {strides = array<i32>} : memref<128x64xf32, #tpu.memory_space<vmem>>, vector<1x16xf32>,
        %swap3A_249 = vector.shape_cast %swap3A_248 : vector<1x16xf32> to vector<16xf32>
        %swap3A_250 = vector.shape_cast %sub3A_245 : vector<16xf32> to vector<1x16xf32>
        tpu.vector_store %arg10[%swap3A_246, %swap3A_247], %swap3A_250 {strides = array<i32>} : memref<128x64xf32, #tpu.memory_space<vmem>>, vector<1x16xf32>,
        %get3A_251 = arith.index_cast %scan3A_230 : i32 to index
        %get3A_252 = arith.constant 32 : index
        %get3A_253 = tpu.vector_load %arg10[%get3A_251, %get3A_252] {strides = array<i32>} : memref<128x64xf32, #tpu.memory_space<vmem>>, vector<1x16xf32>,
        %get3A_254 = vector.shape_cast %get3A_253 : vector<1x16xf32> to vector<16xf32>
        %sub3A_255 = arith.subf %get3A_254, %get3A_12 : vector<16xf32>
        %swap3A_256 = arith.index_cast %scan3A_230 : i32 to index
        %swap3A_257 = arith.constant 32 : index
        %swap3A_258 = tpu.vector_load %arg10[%swap3A_256, %swap3A_257] {strides = array<i32>} : memref<128x64xf32, #tpu.memory_space<vmem>>, vector<1x16xf32>,
        %swap3A_259 = vector.shape_cast %swap3A_258 : vector<1x16xf32> to vector<16xf32>
        %swap3A_260 = vector.shape_cast %sub3A_255 : vector<16xf32> to vector<1x16xf32>
        tpu.vector_store %arg10[%swap3A_256, %swap3A_257], %swap3A_260 {strides = array<i32>} : memref<128x64xf32, #tpu.memory_space<vmem>>, vector<1x16xf32>,
        %get3A_261 = arith.index_cast %scan3A_230 : i32 to index
        %get3A_262 = arith.constant 48 : index
        %get3A_263 = tpu.vector_load %arg10[%get3A_261, %get3A_262] {strides = array<i32>} : memref<128x64xf32, #tpu.memory_space<vmem>>, vector<1x16xf32>,
        %get3A_264 = vector.shape_cast %get3A_263 : vector<1x16xf32> to vector<16xf32>
        %sub3A_265 = arith.subf %get3A_264, %get3A_15 : vector<16xf32>
        %swap3A_266 = arith.index_cast %scan3A_230 : i32 to index
        %swap3A_267 = arith.constant 48 : index
        %swap3A_268 = tpu.vector_load %arg10[%swap3A_266, %swap3A_267] {strides = array<i32>} : memref<128x64xf32, #tpu.memory_space<vmem>>, vector<1x16xf32>,
        %swap3A_269 = vector.shape_cast %swap3A_268 : vector<1x16xf32> to vector<16xf32>
        %swap3A_270 = vector.shape_cast %sub3A_265 : vector<16xf32> to vector<1x16xf32>
        tpu.vector_store %arg10[%swap3A_266, %swap3A_267], %swap3A_270 {strides = array<i32>} : memref<128x64xf32, #tpu.memory_space<vmem>>, vector<1x16xf32>,
        %scan3A_271 = arith.constant 2 : i32
        %scan3A_272 = arith.addi %scan3A_189, %scan3A_271 : i32
        %get3A_273 = arith.index_cast %scan3A_272 : i32 to index
        %get3A_274 = arith.constant 0 : index
        %get3A_275 = tpu.vector_load %arg10[%get3A_273, %get3A_274] {strides = array<i32>} : memref<128x64xf32, #tpu.memory_space<vmem>>, vector<1x16xf32>,
        %get3A_276 = vector.shape_cast %get3A_275 : vector<1x16xf32> to vector<16xf32>
        %sub3A_277 = arith.subf %get3A_276, %get3A_6 : vector<16xf32>
        %swap3A_278 = arith.index_cast %scan3A_272 : i32 to index
        %swap3A_279 = arith.constant 0 : index
        %swap3A_280 = tpu.vector_load %arg10[%swap3A_278, %swap3A_279] {strides = array<i32>} : memref<128x64xf32, #tpu.memory_space<vmem>>, vector<1x16xf32>,
        %swap3A_281 = vector.shape_cast %swap3A_280 : vector<1x16xf32> to vector<16xf32>
        %swap3A_282 = vector.shape_cast %sub3A_277 : vector<16xf32> to vector<1x16xf32>
        tpu.vector_store %arg10[%swap3A_278, %swap3A_279], %swap3A_282 {strides = array<i32>} : memref<128x64xf32, #tpu.memory_space<vmem>>, vector<1x16xf32>,
        %get3A_283 = arith.index_cast %scan3A_272 : i32 to index
        %get3A_284 = arith.constant 16 : index
        %get3A_285 = tpu.vector_load %arg10[%get3A_283, %get3A_284] {strides = array<i32>} : memref<128x64xf32, #tpu.memory_space<vmem>>, vector<1x16xf32>,
        %get3A_286 = vector.shape_cast %get3A_285 : vector<1x16xf32> to vector<16xf32>
        %sub3A_287 = arith.subf %get3A_286, %get3A_9 : vector<16xf32>
        %swap3A_288 = arith.index_cast %scan3A_272 : i32 to index
        %swap3A_289 = arith.constant 16 : index
        %swap3A_290 = tpu.vector_load %arg10[%swap3A_288, %swap3A_289] {strides = array<i32>} : memref<128x64xf32, #tpu.memory_space<vmem>>, vector<1x16xf32>,
        %swap3A_291 = vector.shape_cast %swap3A_290 : vector<1x16xf32> to vector<16xf32>
        %swap3A_292 = vector.shape_cast %sub3A_287 : vector<16xf32> to vector<1x16xf32>
        tpu.vector_store %arg10[%swap3A_288, %swap3A_289], %swap3A_292 {strides = array<i32>} : memref<128x64xf32, #tpu.memory_space<vmem>>, vector<1x16xf32>,
        %get3A_293 = arith.index_cast %scan3A_272 : i32 to index
        %get3A_294 = arith.constant 32 : index
        %get3A_295 = tpu.vector_load %arg10[%get3A_293, %get3A_294] {strides = array<i32>} : memref<128x64xf32, #tpu.memory_space<vmem>>, vector<1x16xf32>,
        %get3A_296 = vector.shape_cast %get3A_295 : vector<1x16xf32> to vector<16xf32>
        %sub3A_297 = arith.subf %get3A_296, %get3A_12 : vector<16xf32>
        %swap3A_298 = arith.index_cast %scan3A_272 : i32 to index
        %swap3A_299 = arith.constant 32 : index
        %swap3A_300 = tpu.vector_load %arg10[%swap3A_298, %swap3A_299] {strides = array<i32>} : memref<128x64xf32, #tpu.memory_space<vmem>>, vector<1x16xf32>,
        %swap3A_301 = vector.shape_cast %swap3A_300 : vector<1x16xf32> to vector<16xf32>
        %swap3A_302 = vector.shape_cast %sub3A_297 : vector<16xf32> to vector<1x16xf32>
        tpu.vector_store %arg10[%swap3A_298, %swap3A_299], %swap3A_302 {strides = array<i32>} : memref<128x64xf32, #tpu.memory_space<vmem>>, vector<1x16xf32>,
        %get3A_303 = arith.index_cast %scan3A_272 : i32 to index
        %get3A_304 = arith.constant 48 : index
        %get3A_305 = tpu.vector_load %arg10[%get3A_303, %get3A_304] {strides = array<i32>} : memref<128x64xf32, #tpu.memory_space<vmem>>, vector<1x16xf32>,
        %get3A_306 = vector.shape_cast %get3A_305 : vector<1x16xf32> to vector<16xf32>
        %sub3A_307 = arith.subf %get3A_306, %get3A_15 : vector<16xf32>
        %swap3A_308 = arith.index_cast %scan3A_272 : i32 to index
        %swap3A_309 = arith.constant 48 : index
        %swap3A_310 = tpu.vector_load %arg10[%swap3A_308, %swap3A_309] {strides = array<i32>} : memref<128x64xf32, #tpu.memory_space<vmem>>, vector<1x16xf32>,
        %swap3A_311 = vector.shape_cast %swap3A_310 : vector<1x16xf32> to vector<16xf32>
        %swap3A_312 = vector.shape_cast %sub3A_307 : vector<16xf32> to vector<1x16xf32>
        tpu.vector_store %arg10[%swap3A_308, %swap3A_309], %swap3A_312 {strides = array<i32>} : memref<128x64xf32, #tpu.memory_space<vmem>>, vector<1x16xf32>,
        %scan3A_313 = arith.constant 3 : i32
        %scan3A_314 = arith.addi %scan3A_189, %scan3A_313 : i32
        %get3A_315 = arith.index_cast %scan3A_314 : i32 to index
        %get3A_316 = arith.constant 0 : index
        %get3A_317 = tpu.vector_load %arg10[%get3A_315, %get3A_316] {strides = array<i32>} : memref<128x64xf32, #tpu.memory_space<vmem>>, vector<1x16xf32>,
        %get3A_318 = vector.shape_cast %get3A_317 : vector<1x16xf32> to vector<16xf32>
        %sub3A_319 = arith.subf %get3A_318, %get3A_6 : vector<16xf32>
        %swap3A_320 = arith.index_cast %scan3A_314 : i32 to index
        %swap3A_321 = arith.constant 0 : index
        %swap3A_322 = tpu.vector_load %arg10[%swap3A_320, %swap3A_321] {strides = array<i32>} : memref<128x64xf32, #tpu.memory_space<vmem>>, vector<1x16xf32>,
        %swap3A_323 = vector.shape_cast %swap3A_322 : vector<1x16xf32> to vector<16xf32>
        %swap3A_324 = vector.shape_cast %sub3A_319 : vector<16xf32> to vector<1x16xf32>
        tpu.vector_store %arg10[%swap3A_320, %swap3A_321], %swap3A_324 {strides = array<i32>} : memref<128x64xf32, #tpu.memory_space<vmem>>, vector<1x16xf32>,
        %get3A_325 = arith.index_cast %scan3A_314 : i32 to index
        %get3A_326 = arith.constant 16 : index
        %get3A_327 = tpu.vector_load %arg10[%get3A_325, %get3A_326] {strides = array<i32>} : memref<128x64xf32, #tpu.memory_space<vmem>>, vector<1x16xf32>,
        %get3A_328 = vector.shape_cast %get3A_327 : vector<1x16xf32> to vector<16xf32>
        %sub3A_329 = arith.subf %get3A_328, %get3A_9 : vector<16xf32>
        %swap3A_330 = arith.index_cast %scan3A_314 : i32 to index
        %swap3A_331 = arith.constant 16 : index
        %swap3A_332 = tpu.vector_load %arg10[%swap3A_330, %swap3A_331] {strides = array<i32>} : memref<128x64xf32, #tpu.memory_space<vmem>>, vector<1x16xf32>,
        %swap3A_333 = vector.shape_cast %swap3A_332 : vector<1x16xf32> to vector<16xf32>
        %swap3A_334 = vector.shape_cast %sub3A_329 : vector<16xf32> to vector<1x16xf32>
        tpu.vector_store %arg10[%swap3A_330, %swap3A_331], %swap3A_334 {strides = array<i32>} : memref<128x64xf32, #tpu.memory_space<vmem>>, vector<1x16xf32>,
        %get3A_335 = arith.index_cast %scan3A_314 : i32 to index
        %get3A_336 = arith.constant 32 : index
        %get3A_337 = tpu.vector_load %arg10[%get3A_335, %get3A_336] {strides = array<i32>} : memref<128x64xf32, #tpu.memory_space<vmem>>, vector<1x16xf32>,
        %get3A_338 = vector.shape_cast %get3A_337 : vector<1x16xf32> to vector<16xf32>
        %sub3A_339 = arith.subf %get3A_338, %get3A_12 : vector<16xf32>
        %swap3A_340 = arith.index_cast %scan3A_314 : i32 to index
        %swap3A_341 = arith.constant 32 : index
        %swap3A_342 = tpu.vector_load %arg10[%swap3A_340, %swap3A_341] {strides = array<i32>} : memref<128x64xf32, #tpu.memory_space<vmem>>, vector<1x16xf32>,
        %swap3A_343 = vector.shape_cast %swap3A_342 : vector<1x16xf32> to vector<16xf32>
        %swap3A_344 = vector.shape_cast %sub3A_339 : vector<16xf32> to vector<1x16xf32>
        tpu.vector_store %arg10[%swap3A_340, %swap3A_341], %swap3A_344 {strides = array<i32>} : memref<128x64xf32, #tpu.memory_space<vmem>>, vector<1x16xf32>,
        %get3A_345 = arith.index_cast %scan3A_314 : i32 to index
        %get3A_346 = arith.constant 48 : index
        %get3A_347 = tpu.vector_load %arg10[%get3A_345, %get3A_346] {strides = array<i32>} : memref<128x64xf32, #tpu.memory_space<vmem>>, vector<1x16xf32>,
        %get3A_348 = vector.shape_cast %get3A_347 : vector<1x16xf32> to vector<16xf32>
        %sub3A_349 = arith.subf %get3A_348, %get3A_15 : vector<16xf32>
        %swap3A_350 = arith.index_cast %scan3A_314 : i32 to index
        %swap3A_351 = arith.constant 48 : index
        %swap3A_352 = tpu.vector_load %arg10[%swap3A_350, %swap3A_351] {strides = array<i32>} : memref<128x64xf32, #tpu.memory_space<vmem>>, vector<1x16xf32>,
        %swap3A_353 = vector.shape_cast %swap3A_352 : vector<1x16xf32> to vector<16xf32>
        %swap3A_354 = vector.shape_cast %sub3A_349 : vector<16xf32> to vector<1x16xf32>
        tpu.vector_store %arg10[%swap3A_350, %swap3A_351], %swap3A_354 {strides = array<i32>} : memref<128x64xf32, #tpu.memory_space<vmem>>, vector<1x16xf32>,
        %scan3A_355 = arith.constant 4 : i32
        %scan3A_356 = arith.addi %scan3A_189, %scan3A_355 : i32
        %get3A_357 = arith.index_cast %scan3A_356 : i32 to index
        %get3A_358 = arith.constant 0 : index
        %get3A_359 = tpu.vector_load %arg10[%get3A_357, %get3A_358] {strides = array<i32>} : memref<128x64xf32, #tpu.memory_space<vmem>>, vector<1x16xf32>,
        %get3A_360 = vector.shape_cast %get3A_359 : vector<1x16xf32> to vector<16xf32>
        %sub3A_361 = arith.subf %get3A_360, %get3A_6 : vector<16xf32>
        %swap3A_362 = arith.index_cast %scan3A_356 : i32 to index
        %swap3A_363 = arith.constant 0 : index
        %swap3A_364 = tpu.vector_load %arg10[%swap3A_362, %swap3A_363] {strides = array<i32>} : memref<128x64xf32, #tpu.memory_space<vmem>>, vector<1x16xf32>,
        %swap3A_365 = vector.shape_cast %swap3A_364 : vector<1x16xf32> to vector<16xf32>
        %swap3A_366 = vector.shape_cast %sub3A_361 : vector<16xf32> to vector<1x16xf32>
        tpu.vector_store %arg10[%swap3A_362, %swap3A_363], %swap3A_366 {strides = array<i32>} : memref<128x64xf32, #tpu.memory_space<vmem>>, vector<1x16xf32>,
        %get3A_367 = arith.index_cast %scan3A_356 : i32 to index
        %get3A_368 = arith.constant 16 : index
        %get3A_369 = tpu.vector_load %arg10[%get3A_367, %get3A_368] {strides = array<i32>} : memref<128x64xf32, #tpu.memory_space<vmem>>, vector<1x16xf32>,
        %get3A_370 = vector.shape_cast %get3A_369 : vector<1x16xf32> to vector<16xf32>
        %sub3A_371 = arith.subf %get3A_370, %get3A_9 : vector<16xf32>
        %swap3A_372 = arith.index_cast %scan3A_356 : i32 to index
        %swap3A_373 = arith.constant 16 : index
        %swap3A_374 = tpu.vector_load %arg10[%swap3A_372, %swap3A_373] {strides = array<i32>} : memref<128x64xf32, #tpu.memory_space<vmem>>, vector<1x16xf32>,
        %swap3A_375 = vector.shape_cast %swap3A_374 : vector<1x16xf32> to vector<16xf32>
        %swap3A_376 = vector.shape_cast %sub3A_371 : vector<16xf32> to vector<1x16xf32>
        tpu.vector_store %arg10[%swap3A_372, %swap3A_373], %swap3A_376 {strides = array<i32>} : memref<128x64xf32, #tpu.memory_space<vmem>>, vector<1x16xf32>,
        %get3A_377 = arith.index_cast %scan3A_356 : i32 to index
        %get3A_378 = arith.constant 32 : index
        %get3A_379 = tpu.vector_load %arg10[%get3A_377, %get3A_378] {strides = array<i32>} : memref<128x64xf32, #tpu.memory_space<vmem>>, vector<1x16xf32>,
        %get3A_380 = vector.shape_cast %get3A_379 : vector<1x16xf32> to vector<16xf32>
        %sub3A_381 = arith.subf %get3A_380, %get3A_12 : vector<16xf32>
        %swap3A_382 = arith.index_cast %scan3A_356 : i32 to index
        %swap3A_383 = arith.constant 32 : index
        %swap3A_384 = tpu.vector_load %arg10[%swap3A_382, %swap3A_383] {strides = array<i32>} : memref<128x64xf32, #tpu.memory_space<vmem>>, vector<1x16xf32>,
        %swap3A_385 = vector.shape_cast %swap3A_384 : vector<1x16xf32> to vector<16xf32>
        %swap3A_386 = vector.shape_cast %sub3A_381 : vector<16xf32> to vector<1x16xf32>
        tpu.vector_store %arg10[%swap3A_382, %swap3A_383], %swap3A_386 {strides = array<i32>} : memref<128x64xf32, #tpu.memory_space<vmem>>, vector<1x16xf32>,
        %get3A_387 = arith.index_cast %scan3A_356 : i32 to index
        %get3A_388 = arith.constant 48 : index
        %get3A_389 = tpu.vector_load %arg10[%get3A_387, %get3A_388] {strides = array<i32>} : memref<128x64xf32, #tpu.memory_space<vmem>>, vector<1x16xf32>,
        %get3A_390 = vector.shape_cast %get3A_389 : vector<1x16xf32> to vector<16xf32>
        %sub3A_391 = arith.subf %get3A_390, %get3A_15 : vector<16xf32>
        %swap3A_392 = arith.index_cast %scan3A_356 : i32 to index
        %swap3A_393 = arith.constant 48 : index
        %swap3A_394 = tpu.vector_load %arg10[%swap3A_392, %swap3A_393] {strides = array<i32>} : memref<128x64xf32, #tpu.memory_space<vmem>>, vector<1x16xf32>,
        %swap3A_395 = vector.shape_cast %swap3A_394 : vector<1x16xf32> to vector<16xf32>
        %swap3A_396 = vector.shape_cast %sub3A_391 : vector<16xf32> to vector<1x16xf32>
        tpu.vector_store %arg10[%swap3A_392, %swap3A_393], %swap3A_396 {strides = array<i32>} : memref<128x64xf32, #tpu.memory_space<vmem>>, vector<1x16xf32>,
        %scan3A_397 = arith.constant 5 : i32
        %scan3A_398 = arith.addi %scan3A_189, %scan3A_397 : i32
        %get3A_399 = arith.index_cast %scan3A_398 : i32 to index
        %get3A_400 = arith.constant 0 : index
        %get3A_401 = tpu.vector_load %arg10[%get3A_399, %get3A_400] {strides = array<i32>} : memref<128x64xf32, #tpu.memory_space<vmem>>, vector<1x16xf32>,
        %get3A_402 = vector.shape_cast %get3A_401 : vector<1x16xf32> to vector<16xf32>
        %sub3A_403 = arith.subf %get3A_402, %get3A_6 : vector<16xf32>
        %swap3A_404 = arith.index_cast %scan3A_398 : i32 to index
        %swap3A_405 = arith.constant 0 : index
        %swap3A_406 = tpu.vector_load %arg10[%swap3A_404, %swap3A_405] {strides = array<i32>} : memref<128x64xf32, #tpu.memory_space<vmem>>, vector<1x16xf32>,
        %swap3A_407 = vector.shape_cast %swap3A_406 : vector<1x16xf32> to vector<16xf32>
        %swap3A_408 = vector.shape_cast %sub3A_403 : vector<16xf32> to vector<1x16xf32>
        tpu.vector_store %arg10[%swap3A_404, %swap3A_405], %swap3A_408 {strides = array<i32>} : memref<128x64xf32, #tpu.memory_space<vmem>>, vector<1x16xf32>,
        %get3A_409 = arith.index_cast %scan3A_398 : i32 to index
        %get3A_410 = arith.constant 16 : index
        %get3A_411 = tpu.vector_load %arg10[%get3A_409, %get3A_410] {strides = array<i32>} : memref<128x64xf32, #tpu.memory_space<vmem>>, vector<1x16xf32>,
        %get3A_412 = vector.shape_cast %get3A_411 : vector<1x16xf32> to vector<16xf32>
        %sub3A_413 = arith.subf %get3A_412, %get3A_9 : vector<16xf32>
        %swap3A_414 = arith.index_cast %scan3A_398 : i32 to index
        %swap3A_415 = arith.constant 16 : index
        %swap3A_416 = tpu.vector_load %arg10[%swap3A_414, %swap3A_415] {strides = array<i32>} : memref<128x64xf32, #tpu.memory_space<vmem>>, vector<1x16xf32>,
        %swap3A_417 = vector.shape_cast %swap3A_416 : vector<1x16xf32> to vector<16xf32>
        %swap3A_418 = vector.shape_cast %sub3A_413 : vector<16xf32> to vector<1x16xf32>
        tpu.vector_store %arg10[%swap3A_414, %swap3A_415], %swap3A_418 {strides = array<i32>} : memref<128x64xf32, #tpu.memory_space<vmem>>, vector<1x16xf32>,
        %get3A_419 = arith.index_cast %scan3A_398 : i32 to index
        %get3A_420 = arith.constant 32 : index
        %get3A_421 = tpu.vector_load %arg10[%get3A_419, %get3A_420] {strides = array<i32>} : memref<128x64xf32, #tpu.memory_space<vmem>>, vector<1x16xf32>,
        %get3A_422 = vector.shape_cast %get3A_421 : vector<1x16xf32> to vector<16xf32>
        %sub3A_423 = arith.subf %get3A_422, %get3A_12 : vector<16xf32>
        %swap3A_424 = arith.index_cast %scan3A_398 : i32 to index
        %swap3A_425 = arith.constant 32 : index
        %swap3A_426 = tpu.vector_load %arg10[%swap3A_424, %swap3A_425] {strides = array<i32>} : memref<128x64xf32, #tpu.memory_space<vmem>>, vector<1x16xf32>,
        %swap3A_427 = vector.shape_cast %swap3A_426 : vector<1x16xf32> to vector<16xf32>
        %swap3A_428 = vector.shape_cast %sub3A_423 : vector<16xf32> to vector<1x16xf32>
        tpu.vector_store %arg10[%swap3A_424, %swap3A_425], %swap3A_428 {strides = array<i32>} : memref<128x64xf32, #tpu.memory_space<vmem>>, vector<1x16xf32>,
        %get3A_429 = arith.index_cast %scan3A_398 : i32 to index
        %get3A_430 = arith.constant 48 : index
        %get3A_431 = tpu.vector_load %arg10[%get3A_429, %get3A_430] {strides = array<i32>} : memref<128x64xf32, #tpu.memory_space<vmem>>, vector<1x16xf32>,
        %get3A_432 = vector.shape_cast %get3A_431 : vector<1x16xf32> to vector<16xf32>
        %sub3A_433 = arith.subf %get3A_432, %get3A_15 : vector<16xf32>
        %swap3A_434 = arith.index_cast %scan3A_398 : i32 to index
        %swap3A_435 = arith.constant 48 : index
        %swap3A_436 = tpu.vector_load %arg10[%swap3A_434, %swap3A_435] {strides = array<i32>} : memref<128x64xf32, #tpu.memory_space<vmem>>, vector<1x16xf32>,
        %swap3A_437 = vector.shape_cast %swap3A_436 : vector<1x16xf32> to vector<16xf32>
        %swap3A_438 = vector.shape_cast %sub3A_433 : vector<16xf32> to vector<1x16xf32>
        tpu.vector_store %arg10[%swap3A_434, %swap3A_435], %swap3A_438 {strides = array<i32>} : memref<128x64xf32, #tpu.memory_space<vmem>>, vector<1x16xf32>,
        %scan3A_439 = arith.constant 6 : i32
        %scan3A_440 = arith.addi %scan3A_189, %scan3A_439 : i32
        %get3A_441 = arith.index_cast %scan3A_440 : i32 to index
        %get3A_442 = arith.constant 0 : index
        %get3A_443 = tpu.vector_load %arg10[%get3A_441, %get3A_442] {strides = array<i32>} : memref<128x64xf32, #tpu.memory_space<vmem>>, vector<1x16xf32>,
        %get3A_444 = vector.shape_cast %get3A_443 : vector<1x16xf32> to vector<16xf32>
        %sub3A_445 = arith.subf %get3A_444, %get3A_6 : vector<16xf32>
        %swap3A_446 = arith.index_cast %scan3A_440 : i32 to index
        %swap3A_447 = arith.constant 0 : index
        %swap3A_448 = tpu.vector_load %arg10[%swap3A_446, %swap3A_447] {strides = array<i32>} : memref<128x64xf32, #tpu.memory_space<vmem>>, vector<1x16xf32>,
        %swap3A_449 = vector.shape_cast %swap3A_448 : vector<1x16xf32> to vector<16xf32>
        %swap3A_450 = vector.shape_cast %sub3A_445 : vector<16xf32> to vector<1x16xf32>
        tpu.vector_store %arg10[%swap3A_446, %swap3A_447], %swap3A_450 {strides = array<i32>} : memref<128x64xf32, #tpu.memory_space<vmem>>, vector<1x16xf32>,
        %get3A_451 = arith.index_cast %scan3A_440 : i32 to index
        %get3A_452 = arith.constant 16 : index
        %get3A_453 = tpu.vector_load %arg10[%get3A_451, %get3A_452] {strides = array<i32>} : memref<128x64xf32, #tpu.memory_space<vmem>>, vector<1x16xf32>,
        %get3A_454 = vector.shape_cast %get3A_453 : vector<1x16xf32> to vector<16xf32>
        %sub3A_455 = arith.subf %get3A_454, %get3A_9 : vector<16xf32>
        %swap3A_456 = arith.index_cast %scan3A_440 : i32 to index
        %swap3A_457 = arith.constant 16 : index
        %swap3A_458 = tpu.vector_load %arg10[%swap3A_456, %swap3A_457] {strides = array<i32>} : memref<128x64xf32, #tpu.memory_space<vmem>>, vector<1x16xf32>,
        %swap3A_459 = vector.shape_cast %swap3A_458 : vector<1x16xf32> to vector<16xf32>
        %swap3A_460 = vector.shape_cast %sub3A_455 : vector<16xf32> to vector<1x16xf32>
        tpu.vector_store %arg10[%swap3A_456, %swap3A_457], %swap3A_460 {strides = array<i32>} : memref<128x64xf32, #tpu.memory_space<vmem>>, vector<1x16xf32>,
        %get3A_461 = arith.index_cast %scan3A_440 : i32 to index
        %get3A_462 = arith.constant 32 : index
        %get3A_463 = tpu.vector_load %arg10[%get3A_461, %get3A_462] {strides = array<i32>} : memref<128x64xf32, #tpu.memory_space<vmem>>, vector<1x16xf32>,
        %get3A_464 = vector.shape_cast %get3A_463 : vector<1x16xf32> to vector<16xf32>
        %sub3A_465 = arith.subf %get3A_464, %get3A_12 : vector<16xf32>
        %swap3A_466 = arith.index_cast %scan3A_440 : i32 to index
        %swap3A_467 = arith.constant 32 : index
        %swap3A_468 = tpu.vector_load %arg10[%swap3A_466, %swap3A_467] {strides = array<i32>} : memref<128x64xf32, #tpu.memory_space<vmem>>, vector<1x16xf32>,
        %swap3A_469 = vector.shape_cast %swap3A_468 : vector<1x16xf32> to vector<16xf32>
        %swap3A_470 = vector.shape_cast %sub3A_465 : vector<16xf32> to vector<1x16xf32>
        tpu.vector_store %arg10[%swap3A_466, %swap3A_467], %swap3A_470 {strides = array<i32>} : memref<128x64xf32, #tpu.memory_space<vmem>>, vector<1x16xf32>,
        %get3A_471 = arith.index_cast %scan3A_440 : i32 to index
        %get3A_472 = arith.constant 48 : index
        %get3A_473 = tpu.vector_load %arg10[%get3A_471, %get3A_472] {strides = array<i32>} : memref<128x64xf32, #tpu.memory_space<vmem>>, vector<1x16xf32>,
        %get3A_474 = vector.shape_cast %get3A_473 : vector<1x16xf32> to vector<16xf32>
        %sub3A_475 = arith.subf %get3A_474, %get3A_15 : vector<16xf32>
        %swap3A_476 = arith.index_cast %scan3A_440 : i32 to index
        %swap3A_477 = arith.constant 48 : index
        %swap3A_478 = tpu.vector_load %arg10[%swap3A_476, %swap3A_477] {strides = array<i32>} : memref<128x64xf32, #tpu.memory_space<vmem>>, vector<1x16xf32>,
        %swap3A_479 = vector.shape_cast %swap3A_478 : vector<1x16xf32> to vector<16xf32>
        %swap3A_480 = vector.shape_cast %sub3A_475 : vector<16xf32> to vector<1x16xf32>
        tpu.vector_store %arg10[%swap3A_476, %swap3A_477], %swap3A_480 {strides = array<i32>} : memref<128x64xf32, #tpu.memory_space<vmem>>, vector<1x16xf32>,
        %scan3A_481 = arith.constant 7 : i32
        %scan3A_482 = arith.addi %scan3A_189, %scan3A_481 : i32
        %get3A_483 = arith.index_cast %scan3A_482 : i32 to index
        %get3A_484 = arith.constant 0 : index
        %get3A_485 = tpu.vector_load %arg10[%get3A_483, %get3A_484] {strides = array<i32>} : memref<128x64xf32, #tpu.memory_space<vmem>>, vector<1x16xf32>,
        %get3A_486 = vector.shape_cast %get3A_485 : vector<1x16xf32> to vector<16xf32>
        %sub3A_487 = arith.subf %get3A_486, %get3A_6 : vector<16xf32>
        %swap3A_488 = arith.index_cast %scan3A_482 : i32 to index
        %swap3A_489 = arith.constant 0 : index
        %swap3A_490 = tpu.vector_load %arg10[%swap3A_488, %swap3A_489] {strides = array<i32>} : memref<128x64xf32, #tpu.memory_space<vmem>>, vector<1x16xf32>,
        %swap3A_491 = vector.shape_cast %swap3A_490 : vector<1x16xf32> to vector<16xf32>
        %swap3A_492 = vector.shape_cast %sub3A_487 : vector<16xf32> to vector<1x16xf32>
        tpu.vector_store %arg10[%swap3A_488, %swap3A_489], %swap3A_492 {strides = array<i32>} : memref<128x64xf32, #tpu.memory_space<vmem>>, vector<1x16xf32>,
        %get3A_493 = arith.index_cast %scan3A_482 : i32 to index
        %get3A_494 = arith.constant 16 : index
        %get3A_495 = tpu.vector_load %arg10[%get3A_493, %get3A_494] {strides = array<i32>} : memref<128x64xf32, #tpu.memory_space<vmem>>, vector<1x16xf32>,
        %get3A_496 = vector.shape_cast %get3A_495 : vector<1x16xf32> to vector<16xf32>
        %sub3A_497 = arith.subf %get3A_496, %get3A_9 : vector<16xf32>
        %swap3A_498 = arith.index_cast %scan3A_482 : i32 to index
        %swap3A_499 = arith.constant 16 : index
        %swap3A_500 = tpu.vector_load %arg10[%swap3A_498, %swap3A_499] {strides = array<i32>} : memref<128x64xf32, #tpu.memory_space<vmem>>, vector<1x16xf32>,
        %swap3A_501 = vector.shape_cast %swap3A_500 : vector<1x16xf32> to vector<16xf32>
        %swap3A_502 = vector.shape_cast %sub3A_497 : vector<16xf32> to vector<1x16xf32>
        tpu.vector_store %arg10[%swap3A_498, %swap3A_499], %swap3A_502 {strides = array<i32>} : memref<128x64xf32, #tpu.memory_space<vmem>>, vector<1x16xf32>,
        %get3A_503 = arith.index_cast %scan3A_482 : i32 to index
        %get3A_504 = arith.constant 32 : index
        %get3A_505 = tpu.vector_load %arg10[%get3A_503, %get3A_504] {strides = array<i32>} : memref<128x64xf32, #tpu.memory_space<vmem>>, vector<1x16xf32>,
        %get3A_506 = vector.shape_cast %get3A_505 : vector<1x16xf32> to vector<16xf32>
        %sub3A_507 = arith.subf %get3A_506, %get3A_12 : vector<16xf32>
        %swap3A_508 = arith.index_cast %scan3A_482 : i32 to index
        %swap3A_509 = arith.constant 32 : index
        %swap3A_510 = tpu.vector_load %arg10[%swap3A_508, %swap3A_509] {strides = array<i32>} : memref<128x64xf32, #tpu.memory_space<vmem>>, vector<1x16xf32>,
        %swap3A_511 = vector.shape_cast %swap3A_510 : vector<1x16xf32> to vector<16xf32>
        %swap3A_512 = vector.shape_cast %sub3A_507 : vector<16xf32> to vector<1x16xf32>
        tpu.vector_store %arg10[%swap3A_508, %swap3A_509], %swap3A_512 {strides = array<i32>} : memref<128x64xf32, #tpu.memory_space<vmem>>, vector<1x16xf32>,
        %get3A_513 = arith.index_cast %scan3A_482 : i32 to index
        %get3A_514 = arith.constant 48 : index
        %get3A_515 = tpu.vector_load %arg10[%get3A_513, %get3A_514] {strides = array<i32>} : memref<128x64xf32, #tpu.memory_space<vmem>>, vector<1x16xf32>,
        %get3A_516 = vector.shape_cast %get3A_515 : vector<1x16xf32> to vector<16xf32>
        %sub3A_517 = arith.subf %get3A_516, %get3A_15 : vector<16xf32>
        %swap3A_518 = arith.index_cast %scan3A_482 : i32 to index
        %swap3A_519 = arith.constant 48 : index
        %swap3A_520 = tpu.vector_load %arg10[%swap3A_518, %swap3A_519] {strides = array<i32>} : memref<128x64xf32, #tpu.memory_space<vmem>>, vector<1x16xf32>,
        %swap3A_521 = vector.shape_cast %swap3A_520 : vector<1x16xf32> to vector<16xf32>
        %swap3A_522 = vector.shape_cast %sub3A_517 : vector<16xf32> to vector<1x16xf32>
        tpu.vector_store %arg10[%swap3A_518, %swap3A_519], %swap3A_522 {strides = array<i32>} : memref<128x64xf32, #tpu.memory_space<vmem>>, vector<1x16xf32>,
      }
      %scan3A_181 = arith.constant 128 : i32
      %mul3A_182 = arith.constant 128 : i32
      %mul3A_183 = arith.muli %add3A_155, %mul3A_182 : i32
      %add3A_184 = arith.addi %mul3A_4, %mul3A_183 : i32
      %dma_start3A_185 = arith.constant 0 : i32
      %dma_start3A_186 = tpu.memref_slice %arg5[%add3A_184, %dma_start3A_185] : memref<819200x128xf32, #tpu.memory_space<hbm>> -> memref<128x64xf32, #tpu.memory_space<hbm>>
      %dma_start3A_187 = arith.constant 0 : i32
      %dma_start3A_188 = tpu.memref_slice %arg5[%add3A_184, %dma_start3A_187] : memref<819200x128xf32, #tpu.memory_space<hbm>> -> memref<128x64xf32, #tpu.memory_space<hbm>>
      tpu.enqueue_dma source(%arg10 : memref<128x64xf32, #tpu.memory_space<vmem>>) target(%dma_start3A_188 : memref<128x64xf32, #tpu.memory_space<hbm>>) target_semaphore(%arg19 : memref<!tpu.dma_semaphore, #tpu.memory_space<semaphore_mem>>)
    }
    %scan3A_33 = arith.constant 50 : i32
    %add3A_34 = arith.constant 25344 : i32
    %add3A_35 = arith.addi %mul3A_4, %add3A_34 : i32
    %dma_wait3A = arith.constant 0 : i32
    %dma_wait3A_36 = tpu.memref_slice %arg5[%add3A_35, %dma_wait3A] : memref<819200x128xf32, #tpu.memory_space<hbm>> -> memref<128x64xf32, #tpu.memory_space<hbm>>
    %dma_wait3A_37 = arith.constant 0 : i32
    %dma_wait3A_38 = tpu.memref_slice %arg5[%add3A_35, %dma_wait3A_37] : memref<819200x128xf32, #tpu.memory_space<hbm>> -> memref<128x64xf32, #tpu.memory_space<hbm>>
    tpu.wait_dma2 semaphore(%arg18 : memref<!tpu.dma_semaphore, #tpu.memory_space<semaphore_mem>>) src(%arg9 : memref<128x64xf32, #tpu.memory_space<vmem>>) dst(%dma_wait3A_38 : memref<128x64xf32, #tpu.memory_space<hbm>>)
    %add3A_39 = arith.constant 25472 : i32
    %add3A_40 = arith.addi %mul3A_4, %add3A_39 : i32
    %dma_wait3A_41 = arith.constant 0 : i32
    %dma_wait3A_42 = tpu.memref_slice %arg5[%add3A_40, %dma_wait3A_41] : memref<819200x128xf32, #tpu.memory_space<hbm>> -> memref<128x64xf32, #tpu.memory_space<hbm>>
    %dma_wait3A_43 = arith.constant 0 : i32
    %dma_wait3A_44 = tpu.memref_slice %arg5[%add3A_40, %dma_wait3A_43] : memref<819200x128xf32, #tpu.memory_space<hbm>> -> memref<128x64xf32, #tpu.memory_space<hbm>>
    tpu.wait_dma2 semaphore(%arg19 : memref<!tpu.dma_semaphore, #tpu.memory_space<semaphore_mem>>) src(%arg10 : memref<128x64xf32, #tpu.memory_space<vmem>>) dst(%dma_wait3A_44 : memref<128x64xf32, #tpu.memory_space<hbm>>)
    return
  }
}

module attributes {stable_mosaic.version = 14 : i64} {
  func.func @_reduce_body(%arg0: i32, %arg1: memref<64x16384xf32, #tpu.memory_space<vmem>>, %arg2: memref<64x64xf32, #tpu.memory_space<vmem>>, %arg3: memref<1x64xf32, #tpu.memory_space<vmem>>, %arg4: memref<1x64xf32, #tpu.memory_space<vmem>>, %arg5: memref<64x1xf32, #tpu.memory_space<vmem>>, %arg6: memref<16384x128xf32, #tpu.memory_space<vmem>>, %arg7: memref<64x64xf32, #tpu.memory_space<vmem>>, %arg8: memref<1x64xf32, #tpu.memory_space<vmem>>, %arg9: memref<1x64xf32, #tpu.memory_space<vmem>>, %arg10: memref<64x1xf32, #tpu.memory_space<vmem>>, %arg11: memref<64x1xf32, #tpu.memory_space<vmem>>) attributes {dimension_semantics = [#tpu.dimension_semantics<arbitrary>], iteration_bounds = array<i64: 62>, scalar_prefetch = 0 : i64, scratch_operands = 2 : i64, tpu.core_type = #tpu.core_type<tc>, window_params = [{transform_indices = @transform_0, window_bounds = array<i64: 64, 16384>}, {pipeline_mode = #tpu.pipeline_mode<synchronous>, transform_indices = @transform_1, window_bounds = array<i64: 64, 64>}, {pipeline_mode = #tpu.pipeline_mode<synchronous>, transform_indices = @transform_2, window_bounds = array<i64: 1, 64>}, {pipeline_mode = #tpu.pipeline_mode<synchronous>, transform_indices = @transform_3, window_bounds = array<i64: 1, 64>}, {pipeline_mode = #tpu.pipeline_mode<synchronous>, transform_indices = @transform_4, window_bounds = array<i64: 64, 1>}, {transform_indices = @transform_5, window_bounds = array<i64: 16384, 128>}, {pipeline_mode = #tpu.pipeline_mode<synchronous>, transform_indices = @transform_6, window_bounds = array<i64: 64, 64>}, {pipeline_mode = #tpu.pipeline_mode<synchronous>, transform_indices = @transform_7, window_bounds = array<i64: 1, 64>}, {pipeline_mode = #tpu.pipeline_mode<synchronous>, transform_indices = @transform_8, window_bounds = array<i64: 1, 64>}]} {
    %eq3A = arith.constant 0 : i32
    %eq3A_0 = arith.cmpi eq, %arg0, %eq3A : i32
    %convert_element_type3A = arith.extui %eq3A_0 : i1 to i32
    %cond3A = arith.constant 0 : i32
    %cond3A_1 = arith.cmpi ne, %convert_element_type3A, %cond3A : i32
    scf.if %cond3A_1 {
      %broadcast_in_dim3A_41 = arith.constant 0xFF800000 : f32
      %broadcast_in_dim3A_42 = vector.broadcast %broadcast_in_dim3A_41 : f32 to vector<64x1xf32>
      %swap3A_43 = arith.constant 0 : index
      %swap3A_44 = arith.constant 0 : index
      %swap3A_45 = vector.load %arg10[%swap3A_43, %swap3A_44] : memref<64x1xf32, #tpu.memory_space<vmem>>, vector<64x1xf32>
      tpu.vector_store %arg10[%swap3A_43, %swap3A_44], %broadcast_in_dim3A_42 {strides = array<i32>} : memref<64x1xf32, #tpu.memory_space<vmem>>, vector<64x1xf32>,
      %broadcast_in_dim3A_46 = arith.constant 0.000000e+00 : f32
      %broadcast_in_dim3A_47 = vector.broadcast %broadcast_in_dim3A_46 : f32 to vector<64x1xf32>
      %swap3A_48 = arith.constant 0 : index
      %swap3A_49 = arith.constant 0 : index
      %swap3A_50 = vector.load %arg11[%swap3A_48, %swap3A_49] : memref<64x1xf32, #tpu.memory_space<vmem>>, vector<64x1xf32>
      tpu.vector_store %arg11[%swap3A_48, %swap3A_49], %broadcast_in_dim3A_47 {strides = array<i32>} : memref<64x1xf32, #tpu.memory_space<vmem>>, vector<64x1xf32>,
    } else {
    }
    %get3A = arith.constant 0 : index
    %get3A_2 = arith.constant 0 : index
    %get3A_3 = vector.load %arg1[%get3A, %get3A_2] : memref<64x16384xf32, #tpu.memory_space<vmem>>, vector<64x16384xf32>
    %iota3A = tpu.iota {dimensions = array<i32: 1>} : vector<64x16384xi32>
    %mul3A = arith.constant 16384 : i32
    %mul3A_4 = arith.muli %arg0, %mul3A : i32
    %add3A = vector.broadcast %mul3A_4 : i32 to vector<64x16384xi32>
    %add3A_5 = arith.addi %iota3A, %add3A : vector<64x16384xi32>
    %lt3A = arith.constant 1000000 : i32
    %lt3A_6 = vector.broadcast %lt3A : i32 to vector<64x16384xi32>
    %lt3A_7 = arith.cmpi slt, %add3A_5, %lt3A_6 : vector<64x16384xi32>
    %jit3A = arith.constant 0xFF800000 : f32
    %broadcast_in_dim3A = vector.broadcast %jit3A : f32 to vector<64x16384xf32>
    %select_n3A = arith.select %lt3A_7, %get3A_3, %broadcast_in_dim3A : vector<64x16384xi1>, vector<64x16384xf32>
    %reduce_max3A = arith.constant dense<0xFF800000> : vector<64xf32>
    %reduce_max3A_8 = vector.multi_reduction <maximumf>, %select_n3A, %reduce_max3A [1] : vector<64x16384xf32> to vector<64xf32>
    %broadcast_in_dim3A_9 = vector.shape_cast %reduce_max3A_8 : vector<64xf32> to vector<64x1xf32>
    %get3A_10 = arith.constant 0 : index
    %get3A_11 = arith.constant 0 : index
    %get3A_12 = vector.load %arg10[%get3A_10, %get3A_11] : memref<64x1xf32, #tpu.memory_space<vmem>>, vector<64x1xf32>
    %max3A = arith.maximumf %get3A_12, %broadcast_in_dim3A_9 : vector<64x1xf32>
    %sub3A = vector.broadcast %max3A : vector<64x1xf32> to vector<64x16384xf32>
    %sub3A_13 = arith.subf %get3A_3, %sub3A : vector<64x16384xf32>
    %exp3A = math.exp %sub3A_13 : vector<64x16384xf32>
    %jit3A_14 = arith.constant 0.000000e+00 : f32
    %broadcast_in_dim3A_15 = vector.broadcast %jit3A_14 : f32 to vector<64x16384xf32>
    %select_n3A_16 = arith.select %lt3A_7, %exp3A, %broadcast_in_dim3A_15 : vector<64x16384xi1>, vector<64x16384xf32>
    %get3A_17 = arith.constant 0 : index
    %get3A_18 = arith.constant 0 : index
    %get3A_19 = vector.load %arg11[%get3A_17, %get3A_18] : memref<64x1xf32, #tpu.memory_space<vmem>>, vector<64x1xf32>
    %sub3A_20 = arith.subf %get3A_12, %max3A : vector<64x1xf32>
    %exp3A_21 = math.exp %sub3A_20 : vector<64x1xf32>
    %mul3A_22 = arith.mulf %get3A_19, %exp3A_21 : vector<64x1xf32>
    %reduce_sum3A = arith.constant dense<0.000000e+00> : vector<64xf32>
    %reduce_sum3A_23 = vector.multi_reduction <add>, %select_n3A_16, %reduce_sum3A [1] : vector<64x16384xf32> to vector<64xf32>
    %broadcast_in_dim3A_24 = vector.shape_cast %reduce_sum3A_23 : vector<64xf32> to vector<64x1xf32>
    %add3A_25 = arith.addf %mul3A_22, %broadcast_in_dim3A_24 : vector<64x1xf32>
    %swap3A = arith.constant 0 : index
    %swap3A_26 = arith.constant 0 : index
    %swap3A_27 = vector.load %arg10[%swap3A, %swap3A_26] : memref<64x1xf32, #tpu.memory_space<vmem>>, vector<64x1xf32>
    tpu.vector_store %arg10[%swap3A, %swap3A_26], %max3A {strides = array<i32>} : memref<64x1xf32, #tpu.memory_space<vmem>>, vector<64x1xf32>,
    %swap3A_28 = arith.constant 0 : index
    %swap3A_29 = arith.constant 0 : index
    %swap3A_30 = vector.load %arg11[%swap3A_28, %swap3A_29] : memref<64x1xf32, #tpu.memory_space<vmem>>, vector<64x1xf32>
    tpu.vector_store %arg11[%swap3A_28, %swap3A_29], %add3A_25 {strides = array<i32>} : memref<64x1xf32, #tpu.memory_space<vmem>>, vector<64x1xf32>,
    %transpose3A = tpu.transpose %get3A_3, [1, 0] : vector<64x16384xf32> -> vector<16384x64xf32>
    %broadcast_in_dim3A_31 = arith.constant 0.000000e+00 : f32
    %broadcast_in_dim3A_32 = vector.broadcast %broadcast_in_dim3A_31 : f32 to vector<16384x64xf32>
    %concatenate3A = tpu.concatenate %transpose3A, %broadcast_in_dim3A_32 in 1 : vector<16384x64xf32>, vector<16384x64xf32> -> vector<16384x128xf32>
    %swap3A_33 = arith.constant 0 : index
    %swap3A_34 = arith.constant 0 : index
    %swap3A_35 = vector.load %arg6[%swap3A_33, %swap3A_34] : memref<16384x128xf32, #tpu.memory_space<vmem>>, vector<16384x128xf32>
    tpu.vector_store %arg6[%swap3A_33, %swap3A_34], %concatenate3A {strides = array<i32>} : memref<16384x128xf32, #tpu.memory_space<vmem>>, vector<16384x128xf32>,
    %eq3A_36 = arith.constant 61 : i32
    %eq3A_37 = arith.cmpi eq, %arg0, %eq3A_36 : i32
    %convert_element_type3A_38 = arith.extui %eq3A_37 : i1 to i32
    %cond3A_39 = arith.constant 0 : i32
    %cond3A_40 = arith.cmpi ne, %convert_element_type3A_38, %cond3A_39 : i32
    scf.if %cond3A_40 {
      %log3A = math.log %add3A_25 : vector<64x1xf32>
      %add3A_41 = arith.addf %max3A, %log3A : vector<64x1xf32>
      %swap3A_42 = arith.constant 0 : index
      %swap3A_43 = arith.constant 0 : index
      %swap3A_44 = vector.load %arg5[%swap3A_42, %swap3A_43] : memref<64x1xf32, #tpu.memory_space<vmem>>, vector<64x1xf32>
      tpu.vector_store %arg5[%swap3A_42, %swap3A_43], %add3A_41 {strides = array<i32>} : memref<64x1xf32, #tpu.memory_space<vmem>>, vector<64x1xf32>,
      %get3A_45 = arith.constant 0 : index
      %get3A_46 = arith.constant 0 : index
      %get3A_47 = vector.load %arg2[%get3A_45, %get3A_46] : memref<64x64xf32, #tpu.memory_space<vmem>>, vector<64x64xf32>
      %reduce_max3A_48 = arith.constant dense<0xFF800000> : vector<64xf32>
      %reduce_max3A_49 = vector.multi_reduction <maximumf>, %get3A_47, %reduce_max3A_48 [1] : vector<64x64xf32> to vector<64xf32>
      %broadcast_in_dim3A_50 = vector.shape_cast %reduce_max3A_49 : vector<64xf32> to vector<64x1xf32>
      %sub3A_51 = vector.broadcast %broadcast_in_dim3A_50 : vector<64x1xf32> to vector<64x64xf32>
      %sub3A_52 = arith.subf %get3A_47, %sub3A_51 : vector<64x64xf32>
      %exp3A_53 = math.exp %sub3A_52 : vector<64x64xf32>
      %reduce_sum3A_54 = arith.constant dense<0.000000e+00> : vector<64xf32>
      %reduce_sum3A_55 = vector.multi_reduction <add>, %exp3A_53, %reduce_sum3A_54 [1] : vector<64x64xf32> to vector<64xf32>
      %broadcast_in_dim3A_56 = vector.shape_cast %reduce_sum3A_55 : vector<64xf32> to vector<64x1xf32>
      %log3A_57 = math.log %broadcast_in_dim3A_56 : vector<64x1xf32>
      %add3A_58 = arith.addf %broadcast_in_dim3A_50, %log3A_57 : vector<64x1xf32>
      %sub3A_59 = vector.broadcast %add3A_58 : vector<64x1xf32> to vector<64x64xf32>
      %sub3A_60 = arith.subf %get3A_47, %sub3A_59 : vector<64x64xf32>
      %swap3A_61 = arith.constant 0 : index
      %swap3A_62 = arith.constant 0 : index
      %swap3A_63 = vector.load %arg7[%swap3A_61, %swap3A_62] : memref<64x64xf32, #tpu.memory_space<vmem>>, vector<64x64xf32>
      tpu.vector_store %arg7[%swap3A_61, %swap3A_62], %sub3A_60 {strides = array<i32>} : memref<64x64xf32, #tpu.memory_space<vmem>>, vector<64x64xf32>,
      %get3A_64 = arith.constant 0 : index
      %get3A_65 = arith.constant 0 : index
      %get3A_66 = vector.load %arg3[%get3A_64, %get3A_65] : memref<1x64xf32, #tpu.memory_space<vmem>>, vector<1x64xf32>
      %reduce_max3A_67 = arith.constant dense<0xFF800000> : vector<1xf32>
      %reduce_max3A_68 = vector.multi_reduction <maximumf>, %get3A_66, %reduce_max3A_67 [1] : vector<1x64xf32> to vector<1xf32>
      %broadcast_in_dim3A_69 = vector.shape_cast %reduce_max3A_68 : vector<1xf32> to vector<1x1xf32>
      %sub3A_70 = vector.broadcast %broadcast_in_dim3A_69 : vector<1x1xf32> to vector<1x64xf32>
      %sub3A_71 = arith.subf %get3A_66, %sub3A_70 : vector<1x64xf32>
      %exp3A_72 = math.exp %sub3A_71 : vector<1x64xf32>
      %reduce_sum3A_73 = arith.constant dense<0.000000e+00> : vector<1xf32>
      %reduce_sum3A_74 = vector.multi_reduction <add>, %exp3A_72, %reduce_sum3A_73 [1] : vector<1x64xf32> to vector<1xf32>
      %broadcast_in_dim3A_75 = vector.shape_cast %reduce_sum3A_74 : vector<1xf32> to vector<1x1xf32>
      %log3A_76 = math.log %broadcast_in_dim3A_75 : vector<1x1xf32>
      %add3A_77 = arith.addf %broadcast_in_dim3A_69, %log3A_76 : vector<1x1xf32>
      %sub3A_78 = vector.broadcast %add3A_77 : vector<1x1xf32> to vector<1x64xf32>
      %sub3A_79 = arith.subf %get3A_66, %sub3A_78 : vector<1x64xf32>
      %swap3A_80 = arith.constant 0 : index
      %swap3A_81 = arith.constant 0 : index
      %swap3A_82 = vector.load %arg8[%swap3A_80, %swap3A_81] : memref<1x64xf32, #tpu.memory_space<vmem>>, vector<1x64xf32>
      tpu.vector_store %arg8[%swap3A_80, %swap3A_81], %sub3A_79 {strides = array<i32>} : memref<1x64xf32, #tpu.memory_space<vmem>>, vector<1x64xf32>,
      %get3A_83 = arith.constant 0 : index
      %get3A_84 = arith.constant 0 : index
      %get3A_85 = vector.load %arg4[%get3A_83, %get3A_84] : memref<1x64xf32, #tpu.memory_space<vmem>>, vector<1x64xf32>
      %reduce_max3A_86 = arith.constant dense<0xFF800000> : vector<1xf32>
      %reduce_max3A_87 = vector.multi_reduction <maximumf>, %get3A_85, %reduce_max3A_86 [1] : vector<1x64xf32> to vector<1xf32>
      %broadcast_in_dim3A_88 = vector.shape_cast %reduce_max3A_87 : vector<1xf32> to vector<1x1xf32>
      %sub3A_89 = vector.broadcast %broadcast_in_dim3A_88 : vector<1x1xf32> to vector<1x64xf32>
      %sub3A_90 = arith.subf %get3A_85, %sub3A_89 : vector<1x64xf32>
      %exp3A_91 = math.exp %sub3A_90 : vector<1x64xf32>
      %reduce_sum3A_92 = arith.constant dense<0.000000e+00> : vector<1xf32>
      %reduce_sum3A_93 = vector.multi_reduction <add>, %exp3A_91, %reduce_sum3A_92 [1] : vector<1x64xf32> to vector<1xf32>
      %broadcast_in_dim3A_94 = vector.shape_cast %reduce_sum3A_93 : vector<1xf32> to vector<1x1xf32>
      %log3A_95 = math.log %broadcast_in_dim3A_94 : vector<1x1xf32>
      %add3A_96 = arith.addf %broadcast_in_dim3A_88, %log3A_95 : vector<1x1xf32>
      %sub3A_97 = vector.broadcast %add3A_96 : vector<1x1xf32> to vector<1x64xf32>
      %sub3A_98 = arith.subf %get3A_85, %sub3A_97 : vector<1x64xf32>
      %swap3A_99 = arith.constant 0 : index
      %swap3A_100 = arith.constant 0 : index
      %swap3A_101 = vector.load %arg9[%swap3A_99, %swap3A_100] : memref<1x64xf32, #tpu.memory_space<vmem>>, vector<1x64xf32>
      tpu.vector_store %arg9[%swap3A_99, %swap3A_100], %sub3A_98 {strides = array<i32>} : memref<1x64xf32, #tpu.memory_space<vmem>>, vector<1x64xf32>,
    } else {
    }
    return
  }
  func.func @transform_0(%arg0: i32) -> (i32, i32) {
    %c0_i32 = arith.constant 0 : i32
    %c0_i32_0 = arith.constant 0 : i32
    return %c0_i32, %arg0 : i32, i32
  }
  func.func @transform_1(%arg0: i32) -> (i32, i32) {
    %c0_i32 = arith.constant 0 : i32
    %c0_i32_0 = arith.constant 0 : i32
    %c0_i32_1 = arith.constant 0 : i32
    return %c0_i32, %c0_i32_0 : i32, i32
  }
  func.func @transform_2(%arg0: i32) -> (i32, i32) {
    %c0_i32 = arith.constant 0 : i32
    %c0_i32_0 = arith.constant 0 : i32
    %c0_i32_1 = arith.constant 0 : i32
    return %c0_i32, %c0_i32_0 : i32, i32
  }
  func.func @transform_3(%arg0: i32) -> (i32, i32) {
    %c0_i32 = arith.constant 0 : i32
    %c0_i32_0 = arith.constant 0 : i32
    %c0_i32_1 = arith.constant 0 : i32
    return %c0_i32, %c0_i32_0 : i32, i32
  }
  func.func @transform_4(%arg0: i32) -> (i32, i32) {
    %c0_i32 = arith.constant 0 : i32
    %c0_i32_0 = arith.constant 0 : i32
    %c0_i32_1 = arith.constant 0 : i32
    return %c0_i32, %c0_i32_0 : i32, i32
  }
  func.func @transform_5(%arg0: i32) -> (i32, i32) {
    %c0_i32 = arith.constant 0 : i32
    %c0_i32_0 = arith.constant 0 : i32
    return %arg0, %c0_i32 : i32, i32
  }
  func.func @transform_6(%arg0: i32) -> (i32, i32) {
    %c0_i32 = arith.constant 0 : i32
    %c0_i32_0 = arith.constant 0 : i32
    %c0_i32_1 = arith.constant 0 : i32
    return %c0_i32, %c0_i32_0 : i32, i32
  }
  func.func @transform_7(%arg0: i32) -> (i32, i32) {
    %c0_i32 = arith.constant 0 : i32
    %c0_i32_0 = arith.constant 0 : i32
    %c0_i32_1 = arith.constant 0 : i32
    return %c0_i32, %c0_i32_0 : i32, i32
  }
  func.func @transform_8(%arg0: i32) -> (i32, i32) {
    %c0_i32 = arith.constant 0 : i32
    %c0_i32_0 = arith.constant 0 : i32
    %c0_i32_1 = arith.constant 0 : i32
    return %c0_i32, %c0_i32_0 : i32, i32
  }
}

</mosaic_0001>

<sc_bundles>
// kernel: kernel.4.cloned.1.call-start
scs
__scs_entry_jumppad:
0x0: {  	(pc) =	sbr.rel $0x88, $3  }
0x1: {  	(tag) =	ssettag $0x0;
	lr =	simm.s32 $0x1  }
0x2: {  	[smem:$0x3F9C] =	sst lr;
	_ =	strace $0xD0000000  }
0x3: {  	_ = 	snop  }
0x4: {  	_ = 	snop  }
0x5: {  	_ = 	snop  }
0x6: {  	_ = 	snop  }
0x7: {  	_ = 	snop  }
__scs_overlays_trampoline_lowered:
0x8: {  	[smem:$0x3FAB] =	sst s0  }
0x9: {  	[smem:$0x3FAC] =	sst s1  }
0xa: {  	[smem:$0x3FAD] =	sst s2  }
0xb: {  	[smem:$0x3FAE] =	sst s3  }
0xc: {  	[smem:$0x3FAF] =	sst s4  }
0xd: {  	[smem:$0x3FB0] =	sst s5  }
0xe: {  	[smem:$0x3FB1] =	sst s6  }
0xf: {  	[smem:$0x3FB2] =	sst s7  }
0x10: {  	[smem:$0x3FB3] =	sst s8  }
0x11: {  	[smem:$0x3FB4] =	sst s9;
	s0 =	simm.s32 @!p0 $0x0  }
0x12: {  	s1 =	sld [smem:$0x3F9A];
	s0 =	simm.s32 @p0 $0x1  }
0x13: {  	[smem:$0x3FB5] =	sst s0;
	s0 =	simm.s32 @!p1 $0x0  }
0x14: {  	s2 =	sld [smem:$0x3F99];
	s0 =	simm.s32 @p1 $0x1  }
0x15: {  	[smem:$0x3FB6] =	sst s0;
	s0 =	simm.s32 @!p2 $0x0  }
0x16: {  	s3 =	sld [smem:$0x3FDB];
	s0 =	simm.s32 @p2 $0x1  }
0x17: {  	s4 =	simm.s32 $0x1BF5;
	[smem:$0x3FB8] =	sst s0  }
0x18: {  	s0 =	sld [smem:$0x3F9B];
	_ =	swait.ge [sflag:s4], $0x0  }
0x19: {  	s7 =	sld [smem:$0x3F9C]  }
0x1a: {  	s8 =	sadd.s32 $0xFFFFE003, lr  }
0x1b: {  	s9 =	sadd.s32 $0xFFFFFEF7, lr;
	s5 =	simm.s32 $0xFFFFFFFF;
	p2 =	slt.u32 s8, $0xFFFFF086  }
0x1c: {  	p1 =	slt.u32 s9, $0xF7A;
	s5 =	simm.s32 @!p2 $0x0  }
0x1d: {  	s5 =	simm.s32 @p1 $0x1;
	p0 =	seq.s32 s7, s2  }
0x1e: {  	s7 =	smul.u32 @!p0 $0xF7A, s2;
	p2 =	seq.s32 @!p0 s5, $0x0  }
0x1f: {  	s9 =	smul.u32 $0xF7A, s1;
	s8 =	simm.s32 @!p0 $0x1BF5;
	p2 =	por !p2, p0  }
0x20: {  	[sflag:s8] =	ssyncset.s32 @!p0 $0xFFFFF086;
	s6 =	sadd.s32 @!p0 s3, s7;
	s7 =	simm.s32 @!p0 $0x108  }
0x21: {  	s3 =	sadd.s32 s3, s9;
	s6 =	sadd.s32 @!p0 $0x88, s6;
	s7 =	simm.s32 @p2 $0x1082  }
0x22: {  	[simem:s7], [sflag:s8] =	dma.local @!p0 [hbm:s6], $0xF7A  }
0x23: {  	s9 =	sor.u32 $0xD0000000, s2;
	s6 =	simm.s32 $0x108;
	_ =	swait.ge @!p0 [sflag:s8], $0x0  }
0x24: {  	s3 =	sadd.s32 $0x88, s3;
	s6 =	simm.s32 @!p1 $0x1082;
	[sflag:s4] =	ssyncset.s32 $0xFFFFF086  }
0x25: {  	[simem:s6], [sflag:s4] =	dma.local [hbm:s3], $0xF7A  }
0x26: {  	[smem:$0x3F9C] =	sst s1;
	(tag) =	ssettag s2;
	_ =	strace s9  }
0x27: {  	s1 =	sld [smem:$0x3FAC]  }
0x28: {  	s2 =	sld [smem:$0x3FAD]  }
0x29: {  	s4 =	sld [smem:$0x3FAF]  }
0x2a: {  	p0 =	seq.s32 s5, $0x0;
	s5 =	sld [smem:$0x3FB0]  }
0x2b: {  	s6 =	sld [smem:$0x3FB1]  }
0x2c: {  	s7 =	sld [smem:$0x3FB2]  }
0x2d: {  	s3 =	simm.s32 $0x108;
	s8 =	sld [smem:$0x3FB3]  }
0x2e: {  	s3 =	simm.s32 @!p0 $0x1082;
	s9 =	sld [smem:$0x3FB4]  }
0x2f: {  	lr =	sadd.s32 s0, s3;
	s0 =	sld [smem:$0x3FAB]  }
0x30: {  	s3 =	sld [smem:$0x3FAE]  }
0x31: {  	[smem:$0x3FB7] =	sst s10  }
0x32: {  	s10 =	sld [smem:$0x3FB5];
	_ =	sdelay $0x3  }
0x33: {  	p0 =	seq.s32 s10, $0x1;
	s10 =	sld [smem:$0x3FB7];
	_ =	sdelay $0x3  }
0x34: {  	[smem:$0x3FB7] =	sst s10  }
0x35: {  	s10 =	sld [smem:$0x3FB6];
	_ =	sdelay $0x3  }
0x36: {  	p1 =	seq.s32 s10, $0x1;
	s10 =	sld [smem:$0x3FB7];
	_ =	sdelay $0x3  }
0x37: {  	[smem:$0x3FB7] =	sst s10  }
0x38: {  	s10 =	sld [smem:$0x3FB8]  }
0x39: {  	_ = 	snop;
	(pc) =	sbr.ind lr, $3  }
0x3a: {  	_ = 	snop  }
0x3b: {  	_ = 	snop  }
0x3c: {  	p2 =	seq.s32 s10, $0x1;
	s10 =	sld [smem:$0x3FB7]  }
0x3d: {  	_ =	shalt  }
0x3e: {  	_ =	shalt  }
0x3f: {  	_ =	shalt  }
0x40: {  	_ =	shalt  }
0x41: {  	_ =	shalt  }
0x42: {  	_ =	shalt  }
0x43: {  	_ =	shalt  }
0x44: {  	_ =	shalt  }
0x45: {  	_ =	shalt  }
0x46: {  	_ =	shalt  }
0x47: {  	_ =	shalt  }
0x48: {  	_ =	shalt  }
0x49: {  	_ =	shalt  }
0x4a: {  	_ =	shalt  }
0x4b: {  	_ =	shalt  }
0x4c: {  	_ =	shalt  }
0x4d: {  	_ =	shalt  }
0x4e: {  	_ =	shalt  }
0x4f: {  	_ =	shalt  }
0x50: {  	_ =	shalt  }
0x51: {  	_ =	shalt  }
0x52: {  	_ =	shalt  }
0x53: {  	_ =	shalt  }
0x54: {  	_ =	shalt  }
0x55: {  	_ =	shalt  }
0x56: {  	_ =	shalt  }
0x57: {  	_ =	shalt  }
0x58: {  	_ =	shalt  }
0x59: {  	_ =	shalt  }
0x5a: {  	_ =	shalt  }
0x5b: {  	_ =	shalt  }
0x5c: {  	_ =	shalt  }
0x5d: {  	_ =	shalt  }
0x5e: {  	_ =	shalt  }
0x5f: {  	_ =	shalt  }
0x60: {  	_ =	shalt  }
0x61: {  	_ =	shalt  }
0x62: {  	_ =	shalt  }
0x63: {  	_ =	shalt  }
0x64: {  	_ =	shalt  }
0x65: {  	_ =	shalt  }
0x66: {  	_ =	shalt  }
0x67: {  	_ =	shalt  }
0x68: {  	_ =	shalt  }
0x69: {  	_ =	shalt  }
0x6a: {  	_ =	shalt  }
0x6b: {  	_ =	shalt  }
0x6c: {  	_ =	shalt  }
0x6d: {  	_ =	shalt  }
0x6e: {  	_ =	shalt  }
0x6f: {  	_ =	shalt  }
0x70: {  	_ =	shalt  }
0x71: {  	_ =	shalt  }
0x72: {  	_ =	shalt  }
0x73: {  	_ =	shalt  }
0x74: {  	_ =	shalt  }
0x75: {  	_ =	shalt  }
0x76: {  	_ =	shalt  }
0x77: {  	_ =	shalt  }
0x78: {  	_ =	shalt  }
0x79: {  	_ =	shalt  }
0x7a: {  	_ =	shalt  }
0x7b: {  	_ =	shalt  }
0x7c: {  	_ =	shalt  }
0x7d: {  	_ =	shalt  }
0x7e: {  	_ =	shalt  }
0x7f: {  	_ =	shalt  }
0x80: {  	_ =	shalt  }
0x81: {  	_ =	shalt  }
0x82: {  	_ =	shalt  }
0x83: {  	_ =	shalt  }
0x84: {  	_ =	shalt  }
0x85: {  	_ =	shalt  }
0x86: {  	_ =	shalt  }
0x87: {  	_ =	shalt  }
.Lfunc_end0:
.L_simem_size_0:
called_computation.1_lowered:
.L_overlay_start_0:
0x88: {  	s2 =	sld [smem:$0x3FD9]  }
0x89: {  	s3 =	sld [smem:$0x3FFE];
	_ =	sdelay $0x1  }
0x8a: {  	s1 =	srdreg.scid  }
0x8b: {  	s0 =	sand.u32 $0x1, s1  }
0x8c: {  	s14 =	sshll.u32 s0, $0xA;
	s2 =	sadd.s32 s3, s2  }
0x8d: {  	s2 =	sadd.s32 s2, s14  }
0x8e: {  	[smem:$0x3FC3] =	sst s2  }
0x8f: {  	_ = 	snop  }
0x90: {  	s2 =	sld [smem:$0x3FD0];
	_ =	sdelay $0x2  }
0x91: {  	s15 =	simm.s32 $0xA;
	s4 =	simm.s32 $0x10  }
0x92: {  	[smem:s4], [sflag:s15] =	dma.local [hbm:s2], $0x1  }
0x93: {  	_ =	swait.eq [sflag:s15], $0x1  }
0x94: {  	[sflag:s15] =	ssyncset.done $0x0  }
0x95: {  	[sflag:s15] =	ssyncadd.s32 $0xFFFFFFFF  }
0x96: {  	s16 =	sld [smem:$0x10];
	(tm) =	ssettm $0x1  }
0x97: {  	s17 =	sld [smem:$0x3FFB];
	_ =	sdelay $0x3  }
0x98: {  	_ =	strace s17  }
0x99: {  	s3 =	sld [smem:$0x3FFC];
	_ =	sdelay $0x3  }
0x9a: {  	_ =	strace s3  }
0x9b: {  	s3 =	sld [smem:$0x3FFD];
	_ =	sdelay $0x3  }
0x9c: {  	_ =	strace s3  }
0x9d: {  	_ =	strace $0x8FFFFFFF  }
0x9e: {  	s18 =	sld [smem:$0x3FDB];
	_ =	sdelay $0x1  }
0x9f: {  	s19 =	simm.s32 $_scs_section_size  }
0xa0: {  	s5 =	simm.s32 $_size__tile_overlayer_lowered;
	s6 =	simm.s32 $_tile_overlayer_lowered  }
0xa1: {  	s22 =	simm.s32 $0x1BFF;
	s21 =	sshll.u32 s6, $0x1;
	s3 =	sadd.s32 s19, s18  }
0xa2: {  	s7 =	simm.s32 $0x0;
	s20 =	sshll.u32 s5, $0x1;
	s5 =	sadd.s32 s21, s3  }
0xa3: {  	[timem:s7], [sflag:s22] =	dma.local [hbm:s5], s20  }
0xa4: {  	_ =	swait.ge [sflag:s22], s20  }
0xa5: {  	s4 =	ssub.s32 $0x0, s20;
	[sflag:s22] =	ssyncset.done $0x0  }
0xa6: {  	[sflag:s22] =	ssyncadd.s32 s4;
	_ =	sdelay $0x1  }
0xa7: {  	s23 =	simm.s32 $0x1B8B  }
0xa8: {  	_ =	swait.ge [sflag:s23], $0x1  }
0xa9: {  	[sflag:s23] =	ssyncset.done $0x0  }
0xaa: {  	s25 =	simm.s32 $0x1B8E;
	s24 =	sld [smem:$0x3FFE];
	[sflag:s23] =	ssyncadd.s32 $0xFFFFFFFF  }
0xab: {  	s26 =	simm.s32 $execute0_lowered;
	[smem:$0x3FD2] =	sst s25  }
0xac: {  	s5 =	sshll.u32 s26, $0x1;
	_ =	strace $0x80000046;
	[dreg:$0x1] =	wrdreg $0xFFFFFFFF  }
0xad: {  	s28 =	simm.s32 $_size_execute0_lowered;
	s3 =	sadd.s32 s3, s5;
	[dreg:$0x0] =	wrdreg $0x0  }
0xae: {  	s5 =	sshll.u32 s28, $0x1;
	[dreg:$0x2] =	wrdreg s3  }
0xaf: {  	[dreg:$0x3] =	wrdreg s5  }
0xb0: {  	[dreg:$0x4] =	wrdreg $0xC0  }
0xb1: {  	_ =	task [dreg:s7], $0x5FFFF  }
0xb2: {  	[dreg:$0x1] =	wrdreg $0xFFFFFFFF  }
0xb3: {  	[dreg:$0x0] =	wrdreg $0x60  }
0xb4: {  	[dreg:$0x2] =	wrdreg s16  }
0xb5: {  	[dreg:$0x3] =	wrdreg s24  }
0xb6: {  	[dreg:$0x4] =	wrdreg $0x9  }
0xb7: {  	_ =	task.clear_ibuf [dreg:s7], $0x5FFFF;
	_ =	strace $0x90000046  }
0xb8: {  	s29 =	simm.s32 $0x9;
	_ =	strace $0x80000048  }
0xb9: {  	_ =	swait.ge [sflag:s29], $0x1  }
0xba: {  	[sflag:s29] =	ssyncadd.s32 $0xFFFFFFFF  }
0xbb: {  	_ =	strace $0x90000048  }
0xbc: {  	_ =	sfence  }
0xbd: {  	s30 =	sld [smem:$0x0];
	_ =	sdelay $0x2  }
0xbe: {  	s31 =	sshll.u32 s1, $0xD;
	s1 =	sshrl.u32 s1, $0x2  }
0xbf: {  	s3 =	sand.u32 $0x4000, s31;
	s1 =	sadd.s32 s1, s30  }
0xc0: {  	s0 =	sor.u32 s3, s0;
	s1 =	sshll.u32 s1, $0x11  }
0xc1: {  	s0 =	sor.u32 s1, s0  }
0xc2: {  	s0 =	sadd.s32 $0x8F2B, s0  }
0xc3: {  	[sflag:s0] =	ssyncadd.remote.s32 $0x1  }
0xc4: {  	_ =	sfence.sel $0xFFFF  }
0xc5: {  	[dreg:$0x0] =	wrdreg $0xFFFFFFFF;
	(pc) =	sbr.abs _section_cstart, $3  }
0xc6: {  	[dreg:$0x1] =	wrdreg $0xFFFFFFFF  }
0xc7: {  	_ =	task.clear_ibuf [dreg:s7], $0x2FFFF;
	_ =	strace $0x9FFFFFFF  }
0xc8: {  	(tm) =	ssettm $0x7FFFFFFF  }
0xc9: {  	_ =	shalt  }
tec
execute0_lowered:
.L_overlay_start_1:
0x0: {  	(tag) =	ssettag $0x1  }
0x1: {  	s0 =	rddreg [dreg:$0x0]  }
0x2: {  	s1 =	rddreg [dreg:$0x1]  }
0x3: {  	s3 =	srdreg.scid;
	s5 =	stileid.u32  }
0x4: {  	s2 =	simm.s32 $0x0;
	s10 =	simm.s32 $0x9;
	s12 =	simm.s32 $0x80  }
0x5: {  	s13 =	simm.s32 $0x6400;
	s14 =	simm.s32 $0x8400;
	s15 =	simm.s32 $0xA400  }
0x6: {  	s16 =	simm.s32 $0x1;
	s17 =	simm.s32 $0x40;
	s18 =	simm.s32 $0xC400  }
0x7: {  	s19 =	simm.s32 $0x2;
	s20 =	simm.s32 $0x5;
	s21 =	simm.s32 $0x3  }
0x8: {  	s22 =	simm.s32 $0x6;
	s23 =	simm.s32 $0x4;
	s24 =	simm.s32 $0x7  }
0x9: {  	s25 =	simm.s32 $0x8;
	s4 =	sand.u32 $0x1, s3;
	s30 =	sshll.u32 s5, $0x1  }
0xa: {  	s26 =	simm.s32 $0x0;
	[smem:$0x7FF] =	sst s2;
	s5 =	sor.u32 s4, s30  }
0xb: {  	s3 =	sadd.s32 $0xC00, s1;
	s8 =	ssub.s32 $0x2, s4;
	s7 =	smul.u32 $0xC80, s5  }
0xc: {  	s6 =	sadd.s32 $0xF43200, s1;
	s4 =	smul.u32 $0x320000, s5;
	s31 =	sshrl.u32 s8, $0x1  }
0xd: {  	_ =	strace $0x80000047;
	s5 =	sadd.s32 $0xF43000, s1;
	s1 =	ssub.s32 s8, s31  }
0xe: {  	s7 =	sadd.s32 s0, s7;
	s8 =	sor.u32 $0x4000, s4;
	s9 =	smax.u32 s1, $0x1  }
.LBB2_1:
0xf: {  	[tilespmem:s2], [sflag:$0x9] =	stream.linear.gather [hbm4b:s7+s2], $0x6400, $0x38;
	[tilespmem:$0xE440] =	vst v63  }
0x10: {  	_ =	swait.ge [sflag:s10], $0x6400  }
0x11: {  	[sflag:s10] =	ssyncset.done $0x0  }
0x12: {  	s0 =	simm.s32 $0xE400;
	[sflag:s10] =	ssyncadd.s32 $0xFFFF9C00  }
0x13: {  	[tilespmem:s0], [sflag:$0x9] =	stream.linear.gather [hbm4b:s5+s2], $0x40, $0x38;
	[tilespmem:$0xE440] =	vst v63  }
0x14: {  	_ =	swait.ge [sflag:s10], $0x40  }
0x15: {  	[sflag:s10] =	ssyncset.done $0x0  }
0x16: {  	[sflag:s10] =	ssyncadd.s32 $0xFFFFFFC0  }
0x17: {  	v0 =	vld [tilespmem:$0xE400]  }
0x18: {  	v1 =	vld [tilespmem:$0xE410]  }
0x19: {  	v2 =	vld [tilespmem:$0xE420]  }
0x1a: {  	v3 =	vld [tilespmem:$0xE430];
	[tilespmem:s13], [sflag:$0x1] =	stream.indirect.gather [hbm4b:s3+s12], $0x40, s2, s12, $0xb8  }
0x1b: {  	s28 =	simm.s32 $0x0  }
0x1c: {  	[tilespmem:s14], [sflag:$0x2] =	stream.indirect.gather [hbm4b:s3+s12], $0x40, s12, s12, $0xb8;
	[tilespmem:$0xE440] =	vst v63  }
.LBB2_2:
0x1d: {  	p0 =	seq.s32 s28, $0x0  }
0x1e: {  	s30 =	sshll.u32 s28, $0x2;
	s0 =	simm.s32 @!p0 $0x7  }
0x1f: {  	s29 =	sor.u32 $0x2, s30;
	_ =	swait.ge @!p0 [sflag:s0], $0x2000  }
0x20: {  	s1 =	sshll.u32 s29, $0x7;
	[sflag:s0] =	ssyncset.done @!p0 $0x0  }
0x21: {  	s11 =	sand.u32 $0x3FFFFF80, s1;
	[sflag:s0] =	ssyncadd.s32 @!p0 $0xFFFFE000  }
0x22: {  	[tilespmem:s15], [sflag:$0x3] =	stream.indirect.gather [hbm4b:s3+s12], $0x40, s11, s12, $0xb8;
	[tilespmem:$0xE440] =	vst v63  }
0x23: {  	_ =	swait.ge [sflag:s16], $0x2000  }
0x24: {  	[sflag:s16] =	ssyncset.done $0x0  }
0x25: {  	s0 =	simm.s32 $0x6500;
	[sflag:s16] =	ssyncadd.s32 $0xFFFFE000  }
0x26: {  	v4 =	vld [tilespmem:s0+$0xFFFFFF00]  }
0x27: {  	v5 =	vld [tilespmem:s0+$0xFFFFFF10]  }
0x28: {  	v6 =	vld [tilespmem:s0+$0xFFFFFF20]  }
0x29: {  	v7 =	vld [tilespmem:s0+$0xFFFFFF30]  }
0x2a: {  	v8 =	vld [tilespmem:s0+$0xFFFFFF40]  }
0x2b: {  	v9 =	vld [tilespmem:s0+$0xFFFFFF50];
	v4 =	vsub.f32 v4, v0  }
0x2c: {  	v10 =	vld [tilespmem:s0+$0xFFFFFF60];
	v5 =	vsub.f32 v5, v1  }
0x2d: {  	[tilespmem:s0+$0xFFFFFF00] =	vst v4;
	v4 =	vsub.f32 v6, v2;
	v6 =	vld [tilespmem:s0+$0xFFFFFF70]  }
0x2e: {  	[tilespmem:s0+$0xFFFFFF10] =	vst v5;
	v5 =	vsub.f32 v7, v3;
	v7 =	vld [tilespmem:s0+$0xFFFFFF80]  }
0x2f: {  	[tilespmem:s0+$0xFFFFFF20] =	vst v4;
	v4 =	vsub.f32 v8, v0;
	v8 =	vld [tilespmem:s0+$0xFFFFFF90]  }
0x30: {  	[tilespmem:s0+$0xFFFFFF30] =	vst v5;
	v5 =	vsub.f32 v9, v1;
	v9 =	vld [tilespmem:s0+$0xFFFFFFA0]  }
0x31: {  	[tilespmem:s0+$0xFFFFFF40] =	vst v4;
	v4 =	vsub.f32 v10, v2;
	v10 =	vld [tilespmem:s0+$0xFFFFFFB0]  }
0x32: {  	[tilespmem:s0+$0xFFFFFF50] =	vst v5;
	v5 =	vsub.f32 v6, v3;
	v6 =	vld [tilespmem:s0+$0xFFFFFFC0]  }
0x33: {  	[tilespmem:s0+$0xFFFFFF60] =	vst v4;
	v4 =	vsub.f32 v7, v0;
	v7 =	vld [tilespmem:s0+$0xFFFFFFD0]  }
0x34: {  	[tilespmem:s0+$0xFFFFFF70] =	vst v5;
	v5 =	vsub.f32 v8, v1;
	v8 =	vld [tilespmem:s0+$0xFFFFFFE0]  }
0x35: {  	[tilespmem:s0+$0xFFFFFF80] =	vst v4;
	v4 =	vsub.f32 v9, v2;
	v9 =	vld [tilespmem:s0+$0x0]  }
0x36: {  	[tilespmem:s0+$0xFFFFFF90] =	vst v5;
	v5 =	vsub.f32 v10, v3;
	v10 =	vld [tilespmem:s0+$0x10]  }
0x37: {  	[tilespmem:s0+$0xFFFFFFA0] =	vst v4;
	v4 =	vsub.f32 v6, v0;
	v6 =	vld [tilespmem:s0+$0x20]  }
0x38: {  	[tilespmem:s0+$0xFFFFFFB0] =	vst v5;
	v5 =	vsub.f32 v7, v1;
	v7 =	vld [tilespmem:s0+$0x30]  }
0x39: {  	[tilespmem:s0+$0xFFFFFFC0] =	vst v4;
	v4 =	vsub.f32 v8, v2;
	v8 =	vld [tilespmem:s0+$0x40]  }
0x3a: {  	[tilespmem:s0+$0xFFFFFFD0] =	vst v5;
	v5 =	vsub.f32 v9, v0;
	v9 =	vld [tilespmem:s0+$0x50]  }
0x3b: {  	[tilespmem:s0+$0xFFFFFFE0] =	vst v4;
	v4 =	vsub.f32 v10, v1;
	v10 =	vld [tilespmem:s0+$0x60]  }
0x3c: {  	[tilespmem:s0+$0x0] =	vst v5;
	v5 =	vsub.f32 v6, v2;
	v6 =	vld [tilespmem:s0+$0x70]  }
0x3d: {  	[tilespmem:s0+$0x10] =	vst v4;
	v4 =	vsub.f32 v7, v3;
	v7 =	vld [tilespmem:s0+$0x80]  }
0x3e: {  	[tilespmem:s0+$0x20] =	vst v5;
	v5 =	vsub.f32 v8, v0;
	v8 =	vld [tilespmem:s0+$0x90]  }
0x3f: {  	[tilespmem:s0+$0x30] =	vst v4;
	v4 =	vsub.f32 v9, v1;
	v9 =	vld [tilespmem:s0+$0xA0]  }
0x40: {  	[tilespmem:s0+$0x40] =	vst v5;
	v5 =	vsub.f32 v10, v2;
	v10 =	vld [tilespmem:s0+$0xB0]  }
0x41: {  	[tilespmem:s0+$0x50] =	vst v4;
	v6 =	vsub.f32 v6, v3;
	v4 =	vld [tilespmem:s0+$0xC0]  }
0x42: {  	[tilespmem:s0+$0x60] =	vst v5;
	v7 =	vsub.f32 v7, v0;
	v5 =	vld [tilespmem:s0+$0xD0]  }
0x43: {  	[tilespmem:s0+$0x70] =	vst v6;
	v11 =	vsub.f32 v8, v1;
	v6 =	vld [tilespmem:s0+$0xE0]  }
0x44: {  	[tilespmem:s0+$0x80] =	vst v7;
	v7 =	vld [tilespmem:s0+$0xF0];
	v9 =	vsub.f32 v9, v2  }
0x45: {  	s31 =	simm.s32 $0x0;
	s1 =	simm.s32 $0x6700;
	v8 =	vld [tilespmem:s0+$0xFFFFFFF0];
	[tilespmem:s0+$0x90] =	vst v11;
	v10 =	vsub.f32 v10, v3  }
.LBB2_3:
0x46: {  	v11 =	vld [tilespmem:s1+$0xFFFFFF00];
	[tilespmem:s0+$0xA0] =	vst v9;
	v4 =	vsub.f32 v4, v0  }
0x47: {  	v9 =	vld [tilespmem:s1+$0xFFFFFF10];
	[tilespmem:s0+$0xB0] =	vst v10;
	v5 =	vsub.f32 v5, v1  }
0x48: {  	v10 =	vld [tilespmem:s1+$0xFFFFFF20];
	[tilespmem:s0+$0xC0] =	vst v4;
	v4 =	vsub.f32 v6, v2  }
0x49: {  	v6 =	vld [tilespmem:s1+$0xFFFFFF30];
	[tilespmem:s0+$0xD0] =	vst v5;
	v5 =	vsub.f32 v7, v3  }
0x4a: {  	v7 =	vld [tilespmem:s1+$0xFFFFFF40];
	v8 =	vsub.f32 v8, v3;
	[tilespmem:s0+$0xE0] =	vst v4  }
0x4b: {  	v4 =	vsub.f32 v11, v0;
	v11 =	vld [tilespmem:s1+$0xFFFFFF50];
	[tilespmem:s0+$0xF0] =	vst v5  }
0x4c: {  	v5 =	vsub.f32 v9, v1;
	v9 =	vld [tilespmem:s1+$0xFFFFFF60];
	[tilespmem:s0+$0xFFFFFFF0] =	vst v8;
	s0 =	smov.u32 s1  }
0x4d: {  	[tilespmem:s1+$0xFFFFFF00] =	vst v4;
	v4 =	vsub.f32 v10, v2;
	v8 =	vld [tilespmem:s1+$0xFFFFFF70]  }
0x4e: {  	[tilespmem:s1+$0xFFFFFF10] =	vst v5;
	v5 =	vsub.f32 v6, v3;
	v6 =	vld [tilespmem:s1+$0xFFFFFF80]  }
0x4f: {  	[tilespmem:s1+$0xFFFFFF20] =	vst v4;
	v4 =	vsub.f32 v7, v0;
	v7 =	vld [tilespmem:s1+$0xFFFFFF90]  }
0x50: {  	[tilespmem:s1+$0xFFFFFF30] =	vst v5;
	v5 =	vsub.f32 v11, v1;
	v10 =	vld [tilespmem:s1+$0xFFFFFFA0]  }
0x51: {  	[tilespmem:s1+$0xFFFFFF40] =	vst v4;
	v4 =	vsub.f32 v9, v2;
	v9 =	vld [tilespmem:s1+$0xFFFFFFB0]  }
0x52: {  	[tilespmem:s1+$0xFFFFFF50] =	vst v5;
	v5 =	vsub.f32 v8, v3;
	v8 =	vld [tilespmem:s1+$0xFFFFFFC0]  }
0x53: {  	[tilespmem:s1+$0xFFFFFF60] =	vst v4;
	v4 =	vsub.f32 v6, v0;
	v6 =	vld [tilespmem:s1+$0xFFFFFFD0]  }
0x54: {  	[tilespmem:s1+$0xFFFFFF70] =	vst v5;
	v5 =	vsub.f32 v7, v1;
	v7 =	vld [tilespmem:s1+$0xFFFFFFE0]  }
0x55: {  	[tilespmem:s1+$0xFFFFFF80] =	vst v4;
	v4 =	vsub.f32 v10, v2;
	v10 =	vld [tilespmem:s1+$0x0]  }
0x56: {  	[tilespmem:s1+$0xFFFFFF90] =	vst v5;
	v5 =	vsub.f32 v9, v3;
	v9 =	vld [tilespmem:s1+$0x10]  }
0x57: {  	[tilespmem:s1+$0xFFFFFFA0] =	vst v4;
	v4 =	vsub.f32 v8, v0;
	v8 =	vld [tilespmem:s1+$0x20]  }
0x58: {  	[tilespmem:s1+$0xFFFFFFB0] =	vst v5;
	v5 =	vsub.f32 v6, v1;
	v6 =	vld [tilespmem:s1+$0x30]  }
0x59: {  	[tilespmem:s1+$0xFFFFFFC0] =	vst v4;
	v4 =	vsub.f32 v7, v2;
	v7 =	vld [tilespmem:s1+$0x40]  }
0x5a: {  	[tilespmem:s1+$0xFFFFFFD0] =	vst v5;
	v5 =	vsub.f32 v10, v0;
	v10 =	vld [tilespmem:s1+$0x50]  }
0x5b: {  	[tilespmem:s1+$0xFFFFFFE0] =	vst v4;
	v4 =	vsub.f32 v9, v1;
	v9 =	vld [tilespmem:s1+$0x60]  }
0x5c: {  	[tilespmem:s1+$0x0] =	vst v5;
	v5 =	vsub.f32 v8, v2;
	v8 =	vld [tilespmem:s1+$0x70]  }
0x5d: {  	[tilespmem:s1+$0x10] =	vst v4;
	v4 =	vsub.f32 v6, v3;
	v6 =	vld [tilespmem:s1+$0x80]  }
0x5e: {  	[tilespmem:s1+$0x20] =	vst v5;
	v5 =	vsub.f32 v7, v0;
	v7 =	vld [tilespmem:s1+$0x90]  }
0x5f: {  	s31 =	sadd.s32 $0x8, s31;
	[tilespmem:s1+$0x30] =	vst v4;
	v4 =	vsub.f32 v10, v1;
	v10 =	vld [tilespmem:s1+$0xA0]  }
0x60: {  	p1 =	slt.u32 s31, $0x78;
	[tilespmem:s1+$0x40] =	vst v5;
	v5 =	vsub.f32 v9, v2;
	v11 =	vld [tilespmem:s1+$0xB0]  }
.Ltmp0:
0x61: {  	[tilespmem:s1+$0x50] =	vst v4;
	v8 =	vsub.f32 v8, v3;
	v4 =	vld [tilespmem:s1+$0xC0];
	(pc) =	sbr.rel @p1 .LBB2_3-.Ltmp0, $4  }
0x62: {  	[tilespmem:s1+$0x60] =	vst v5;
	v9 =	vsub.f32 v6, v0;
	v5 =	vld [tilespmem:s1+$0xD0]  }
0x63: {  	[tilespmem:s1+$0x70] =	vst v8;
	v12 =	vsub.f32 v7, v1;
	v6 =	vld [tilespmem:s1+$0xE0]  }
0x64: {  	[tilespmem:s1+$0x80] =	vst v9;
	v9 =	vsub.f32 v10, v2;
	v7 =	vld [tilespmem:s1+$0xF0]  }
0x65: {  	s1 =	sadd.s32 $0x200, s1;
	v8 =	vld [tilespmem:s0+$0xFFFFFFF0];
	[tilespmem:s0+$0x90] =	vst v12;
	v10 =	vsub.f32 v11, v3  }
0x66: {  	[tilespmem:s0+$0xA0] =	vst v9;
	v4 =	vsub.f32 v4, v0  }
0x67: {  	[tilespmem:s0+$0xB0] =	vst v10;
	v5 =	vsub.f32 v5, v1  }
0x68: {  	[tilespmem:s0+$0xC0] =	vst v4;
	v4 =	vsub.f32 v6, v2  }
0x69: {  	s31 =	sshll.u32 s28, $0x10;
	[tilespmem:s0+$0xD0] =	vst v5;
	v5 =	vsub.f32 v7, v3  }
0x6a: {  	s1 =	sadd.s32 s4, s31;
	v6 =	vsub.f32 v8, v3;
	[tilespmem:s0+$0xE0] =	vst v4  }
0x6b: {  	s1 =	sshrl.u32 s1, $0x3;
	[tilespmem:s0+$0xF0] =	vst v5  }
0x6c: {  	s1 =	sadd.s32 s6, s1;
	[tilespmem:s0+$0xFFFFFFF0] =	vst v6;
	s0 =	simm.s32 @!p0 $0x8  }
0x6d: {  	[hbm4b:s1+s17] =	stream.strided.scatter [tilespmem:s13], [sflag:$0x5], $0x2000, s12, s17, $0x38;
	[tilespmem:$0xE440] =	vst v63  }
0x6e: {  	s30 =	sor.u32 $0x3, s30;
	_ =	swait.ge @!p0 [sflag:s0], $0x2000  }
0x6f: {  	s11 =	sshll.u32 s30, $0x7;
	[sflag:s0] =	ssyncset.done @!p0 $0x0  }
0x70: {  	s11 =	sand.u32 $0x3FFFFF80, s11;
	[sflag:s0] =	ssyncadd.s32 @!p0 $0xFFFFE000  }
0x71: {  	[tilespmem:s18], [sflag:$0x4] =	stream.indirect.gather [hbm4b:s3+s12], $0x40, s11, s12, $0xb8;
	[tilespmem:$0xE440] =	vst v63  }
0x72: {  	_ =	swait.ge [sflag:s19], $0x2000  }
0x73: {  	[sflag:s19] =	ssyncset.done $0x0  }
0x74: {  	s0 =	simm.s32 $0x8500;
	[sflag:s19] =	ssyncadd.s32 $0xFFFFE000  }
0x75: {  	v4 =	vld [tilespmem:s0+$0xFFFFFF00]  }
0x76: {  	v5 =	vld [tilespmem:s0+$0xFFFFFF10]  }
0x77: {  	v6 =	vld [tilespmem:s0+$0xFFFFFF20]  }
0x78: {  	v7 =	vld [tilespmem:s0+$0xFFFFFF30]  }
0x79: {  	v8 =	vld [tilespmem:s0+$0xFFFFFF40]  }
0x7a: {  	v9 =	vld [tilespmem:s0+$0xFFFFFF50];
	v4 =	vsub.f32 v4, v0  }
0x7b: {  	v10 =	vld [tilespmem:s0+$0xFFFFFF60];
	v5 =	vsub.f32 v5, v1  }
0x7c: {  	[tilespmem:s0+$0xFFFFFF00] =	vst v4;
	v4 =	vsub.f32 v6, v2;
	v6 =	vld [tilespmem:s0+$0xFFFFFF70]  }
0x7d: {  	[tilespmem:s0+$0xFFFFFF10] =	vst v5;
	v5 =	vsub.f32 v7, v3;
	v7 =	vld [tilespmem:s0+$0xFFFFFF80]  }
0x7e: {  	[tilespmem:s0+$0xFFFFFF20] =	vst v4;
	v4 =	vsub.f32 v8, v0;
	v8 =	vld [tilespmem:s0+$0xFFFFFF90]  }
0x7f: {  	[tilespmem:s0+$0xFFFFFF30] =	vst v5;
	v5 =	vsub.f32 v9, v1;
	v9 =	vld [tilespmem:s0+$0xFFFFFFA0]  }
0x80: {  	[tilespmem:s0+$0xFFFFFF40] =	vst v4;
	v4 =	vsub.f32 v10, v2;
	v10 =	vld [tilespmem:s0+$0xFFFFFFB0]  }
0x81: {  	[tilespmem:s0+$0xFFFFFF50] =	vst v5;
	v5 =	vsub.f32 v6, v3;
	v6 =	vld [tilespmem:s0+$0xFFFFFFC0]  }
0x82: {  	[tilespmem:s0+$0xFFFFFF60] =	vst v4;
	v4 =	vsub.f32 v7, v0;
	v7 =	vld [tilespmem:s0+$0xFFFFFFD0]  }
0x83: {  	[tilespmem:s0+$0xFFFFFF70] =	vst v5;
	v5 =	vsub.f32 v8, v1;
	v8 =	vld [tilespmem:s0+$0xFFFFFFE0]  }
0x84: {  	[tilespmem:s0+$0xFFFFFF80] =	vst v4;
	v4 =	vsub.f32 v9, v2;
	v9 =	vld [tilespmem:s0+$0x0]  }
0x85: {  	[tilespmem:s0+$0xFFFFFF90] =	vst v5;
	v5 =	vsub.f32 v10, v3;
	v10 =	vld [tilespmem:s0+$0x10]  }
0x86: {  	[tilespmem:s0+$0xFFFFFFA0] =	vst v4;
	v4 =	vsub.f32 v6, v0;
	v6 =	vld [tilespmem:s0+$0x20]  }
0x87: {  	[tilespmem:s0+$0xFFFFFFB0] =	vst v5;
	v5 =	vsub.f32 v7, v1;
	v7 =	vld [tilespmem:s0+$0x30]  }
0x88: {  	[tilespmem:s0+$0xFFFFFFC0] =	vst v4;
	v4 =	vsub.f32 v8, v2;
	v8 =	vld [tilespmem:s0+$0x40]  }
0x89: {  	[tilespmem:s0+$0xFFFFFFD0] =	vst v5;
	v5 =	vsub.f32 v9, v0;
	v9 =	vld [tilespmem:s0+$0x50]  }
0x8a: {  	[tilespmem:s0+$0xFFFFFFE0] =	vst v4;
	v4 =	vsub.f32 v10, v1;
	v10 =	vld [tilespmem:s0+$0x60]  }
0x8b: {  	[tilespmem:s0+$0x0] =	vst v5;
	v5 =	vsub.f32 v6, v2;
	v6 =	vld [tilespmem:s0+$0x70]  }
0x8c: {  	[tilespmem:s0+$0x10] =	vst v4;
	v4 =	vsub.f32 v7, v3;
	v7 =	vld [tilespmem:s0+$0x80]  }
0x8d: {  	[tilespmem:s0+$0x20] =	vst v5;
	v5 =	vsub.f32 v8, v0;
	v8 =	vld [tilespmem:s0+$0x90]  }
0x8e: {  	[tilespmem:s0+$0x30] =	vst v4;
	v4 =	vsub.f32 v9, v1;
	v9 =	vld [tilespmem:s0+$0xA0]  }
0x8f: {  	[tilespmem:s0+$0x40] =	vst v5;
	v5 =	vsub.f32 v10, v2;
	v10 =	vld [tilespmem:s0+$0xB0]  }
0x90: {  	[tilespmem:s0+$0x50] =	vst v4;
	v6 =	vsub.f32 v6, v3;
	v4 =	vld [tilespmem:s0+$0xC0]  }
0x91: {  	[tilespmem:s0+$0x60] =	vst v5;
	v7 =	vsub.f32 v7, v0;
	v5 =	vld [tilespmem:s0+$0xD0]  }
0x92: {  	[tilespmem:s0+$0x70] =	vst v6;
	v11 =	vsub.f32 v8, v1;
	v6 =	vld [tilespmem:s0+$0xE0]  }
0x93: {  	[tilespmem:s0+$0x80] =	vst v7;
	v7 =	vld [tilespmem:s0+$0xF0];
	v9 =	vsub.f32 v9, v2  }
0x94: {  	s1 =	simm.s32 $0x0;
	s11 =	simm.s32 $0x8700;
	v8 =	vld [tilespmem:s0+$0xFFFFFFF0];
	[tilespmem:s0+$0x90] =	vst v11;
	v10 =	vsub.f32 v10, v3  }
.LBB2_5:
0x95: {  	v11 =	vld [tilespmem:s11+$0xFFFFFF00];
	[tilespmem:s0+$0xA0] =	vst v9;
	v4 =	vsub.f32 v4, v0  }
0x96: {  	v9 =	vld [tilespmem:s11+$0xFFFFFF10];
	[tilespmem:s0+$0xB0] =	vst v10;
	v5 =	vsub.f32 v5, v1  }
0x97: {  	v10 =	vld [tilespmem:s11+$0xFFFFFF20];
	[tilespmem:s0+$0xC0] =	vst v4;
	v4 =	vsub.f32 v6, v2  }
0x98: {  	v6 =	vld [tilespmem:s11+$0xFFFFFF30];
	[tilespmem:s0+$0xD0] =	vst v5;
	v5 =	vsub.f32 v7, v3  }
0x99: {  	v7 =	vld [tilespmem:s11+$0xFFFFFF40];
	v8 =	vsub.f32 v8, v3;
	[tilespmem:s0+$0xE0] =	vst v4  }
0x9a: {  	v4 =	vsub.f32 v11, v0;
	v11 =	vld [tilespmem:s11+$0xFFFFFF50];
	[tilespmem:s0+$0xF0] =	vst v5  }
0x9b: {  	v5 =	vsub.f32 v9, v1;
	v9 =	vld [tilespmem:s11+$0xFFFFFF60];
	[tilespmem:s0+$0xFFFFFFF0] =	vst v8;
	s0 =	smov.u32 s11  }
0x9c: {  	[tilespmem:s11+$0xFFFFFF00] =	vst v4;
	v4 =	vsub.f32 v10, v2;
	v8 =	vld [tilespmem:s11+$0xFFFFFF70]  }
0x9d: {  	[tilespmem:s11+$0xFFFFFF10] =	vst v5;
	v5 =	vsub.f32 v6, v3;
	v6 =	vld [tilespmem:s11+$0xFFFFFF80]  }
0x9e: {  	[tilespmem:s11+$0xFFFFFF20] =	vst v4;
	v4 =	vsub.f32 v7, v0;
	v7 =	vld [tilespmem:s11+$0xFFFFFF90]  }
0x9f: {  	[tilespmem:s11+$0xFFFFFF30] =	vst v5;
	v5 =	vsub.f32 v11, v1;
	v10 =	vld [tilespmem:s11+$0xFFFFFFA0]  }
0xa0: {  	[tilespmem:s11+$0xFFFFFF40] =	vst v4;
	v4 =	vsub.f32 v9, v2;
	v9 =	vld [tilespmem:s11+$0xFFFFFFB0]  }
0xa1: {  	[tilespmem:s11+$0xFFFFFF50] =	vst v5;
	v5 =	vsub.f32 v8, v3;
	v8 =	vld [tilespmem:s11+$0xFFFFFFC0]  }
0xa2: {  	[tilespmem:s11+$0xFFFFFF60] =	vst v4;
	v4 =	vsub.f32 v6, v0;
	v6 =	vld [tilespmem:s11+$0xFFFFFFD0]  }
0xa3: {  	[tilespmem:s11+$0xFFFFFF70] =	vst v5;
	v5 =	vsub.f32 v7, v1;
	v7 =	vld [tilespmem:s11+$0xFFFFFFE0]  }
0xa4: {  	[tilespmem:s11+$0xFFFFFF80] =	vst v4;
	v4 =	vsub.f32 v10, v2;
	v10 =	vld [tilespmem:s11+$0x0]  }
0xa5: {  	[tilespmem:s11+$0xFFFFFF90] =	vst v5;
	v5 =	vsub.f32 v9, v3;
	v9 =	vld [tilespmem:s11+$0x10]  }
0xa6: {  	[tilespmem:s11+$0xFFFFFFA0] =	vst v4;
	v4 =	vsub.f32 v8, v0;
	v8 =	vld [tilespmem:s11+$0x20]  }
0xa7: {  	[tilespmem:s11+$0xFFFFFFB0] =	vst v5;
	v5 =	vsub.f32 v6, v1;
	v6 =	vld [tilespmem:s11+$0x30]  }
0xa8: {  	[tilespmem:s11+$0xFFFFFFC0] =	vst v4;
	v4 =	vsub.f32 v7, v2;
	v7 =	vld [tilespmem:s11+$0x40]  }
0xa9: {  	[tilespmem:s11+$0xFFFFFFD0] =	vst v5;
	v5 =	vsub.f32 v10, v0;
	v10 =	vld [tilespmem:s11+$0x50]  }
0xaa: {  	[tilespmem:s11+$0xFFFFFFE0] =	vst v4;
	v4 =	vsub.f32 v9, v1;
	v9 =	vld [tilespmem:s11+$0x60]  }
0xab: {  	[tilespmem:s11+$0x0] =	vst v5;
	v5 =	vsub.f32 v8, v2;
	v8 =	vld [tilespmem:s11+$0x70]  }
0xac: {  	[tilespmem:s11+$0x10] =	vst v4;
	v4 =	vsub.f32 v6, v3;
	v6 =	vld [tilespmem:s11+$0x80]  }
0xad: {  	[tilespmem:s11+$0x20] =	vst v5;
	v5 =	vsub.f32 v7, v0;
	v7 =	vld [tilespmem:s11+$0x90]  }
0xae: {  	s1 =	sadd.s32 $0x8, s1;
	[tilespmem:s11+$0x30] =	vst v4;
	v4 =	vsub.f32 v10, v1;
	v10 =	vld [tilespmem:s11+$0xA0]  }
0xaf: {  	p0 =	slt.u32 s1, $0x78;
	[tilespmem:s11+$0x40] =	vst v5;
	v5 =	vsub.f32 v9, v2;
	v11 =	vld [tilespmem:s11+$0xB0]  }
.Ltmp1:
0xb0: {  	[tilespmem:s11+$0x50] =	vst v4;
	v8 =	vsub.f32 v8, v3;
	v4 =	vld [tilespmem:s11+$0xC0];
	(pc) =	sbr.rel @p0 .LBB2_5-.Ltmp1, $4  }
0xb1: {  	[tilespmem:s11+$0x60] =	vst v5;
	v9 =	vsub.f32 v6, v0;
	v5 =	vld [tilespmem:s11+$0xD0]  }
0xb2: {  	[tilespmem:s11+$0x70] =	vst v8;
	v12 =	vsub.f32 v7, v1;
	v6 =	vld [tilespmem:s11+$0xE0]  }
0xb3: {  	[tilespmem:s11+$0x80] =	vst v9;
	v9 =	vsub.f32 v10, v2;
	v7 =	vld [tilespmem:s11+$0xF0]  }
0xb4: {  	s11 =	sadd.s32 $0x200, s11;
	v8 =	vld [tilespmem:s0+$0xFFFFFFF0];
	[tilespmem:s0+$0x90] =	vst v12;
	v10 =	vsub.f32 v11, v3  }
0xb5: {  	[tilespmem:s0+$0xA0] =	vst v9;
	v4 =	vsub.f32 v4, v0  }
0xb6: {  	[tilespmem:s0+$0xB0] =	vst v10;
	v5 =	vsub.f32 v5, v1  }
0xb7: {  	[tilespmem:s0+$0xC0] =	vst v4;
	v4 =	vsub.f32 v6, v2  }
0xb8: {  	[tilespmem:s0+$0xD0] =	vst v5;
	v5 =	vsub.f32 v7, v3  }
0xb9: {  	s1 =	sadd.s32 s31, s8;
	v6 =	vsub.f32 v8, v3;
	[tilespmem:s0+$0xE0] =	vst v4  }
0xba: {  	s1 =	sshrl.u32 s1, $0x3;
	[tilespmem:s0+$0xF0] =	vst v5  }
0xbb: {  	p0 =	seq.s32 s28, $0x31;
	s11 =	sadd.s32 s6, s1;
	[tilespmem:s0+$0xFFFFFFF0] =	vst v6  }
0xbc: {  	[hbm4b:s11+s17] =	stream.strided.scatter [tilespmem:s14], [sflag:$0x6], $0x2000, s12, s17, $0x38;
	[tilespmem:$0xE440] =	vst v63  }
0xbd: {  	s0 =	sshll.u32 @!p0 s28, $0x9;
	_ =	swait.ge [sflag:s20], $0x2000  }
0xbe: {  	s1 =	simm.s32 @!p0 $0x80;
	s31 =	sand.u32 @!p0 $0x3FFFFE00, s0;
	[sflag:s20] =	ssyncset.done $0x0  }
0xbf: {  	s11 =	simm.s32 @!p0 $0x6400;
	s0 =	sadd.s32 @!p0 $0x200, s31;
	[sflag:s20] =	ssyncadd.s32 $0xFFFFE000  }
0xc0: {  	[tilespmem:s11], [sflag:$0x1] =	stream.indirect.gather @!p0 [hbm4b:s3+s1], $0x40, s0, s1, $0xb8;
	[tilespmem:$0xE440] =	vst v63  }
0xc1: {  	_ =	swait.ge [sflag:s21], $0x2000  }
0xc2: {  	[sflag:s21] =	ssyncset.done $0x0  }
0xc3: {  	s0 =	simm.s32 $0xA500;
	[sflag:s21] =	ssyncadd.s32 $0xFFFFE000  }
0xc4: {  	v4 =	vld [tilespmem:s0+$0xFFFFFF00]  }
0xc5: {  	v5 =	vld [tilespmem:s0+$0xFFFFFF10]  }
0xc6: {  	v6 =	vld [tilespmem:s0+$0xFFFFFF20]  }
0xc7: {  	v7 =	vld [tilespmem:s0+$0xFFFFFF30]  }
0xc8: {  	v8 =	vld [tilespmem:s0+$0xFFFFFF40]  }
0xc9: {  	v9 =	vld [tilespmem:s0+$0xFFFFFF50];
	v4 =	vsub.f32 v4, v0  }
0xca: {  	v10 =	vld [tilespmem:s0+$0xFFFFFF60];
	v5 =	vsub.f32 v5, v1  }
0xcb: {  	[tilespmem:s0+$0xFFFFFF00] =	vst v4;
	v4 =	vsub.f32 v6, v2;
	v6 =	vld [tilespmem:s0+$0xFFFFFF70]  }
0xcc: {  	[tilespmem:s0+$0xFFFFFF10] =	vst v5;
	v5 =	vsub.f32 v7, v3;
	v7 =	vld [tilespmem:s0+$0xFFFFFF80]  }
0xcd: {  	[tilespmem:s0+$0xFFFFFF20] =	vst v4;
	v4 =	vsub.f32 v8, v0;
	v8 =	vld [tilespmem:s0+$0xFFFFFF90]  }
0xce: {  	[tilespmem:s0+$0xFFFFFF30] =	vst v5;
	v5 =	vsub.f32 v9, v1;
	v9 =	vld [tilespmem:s0+$0xFFFFFFA0]  }
0xcf: {  	[tilespmem:s0+$0xFFFFFF40] =	vst v4;
	v4 =	vsub.f32 v10, v2;
	v10 =	vld [tilespmem:s0+$0xFFFFFFB0]  }
0xd0: {  	[tilespmem:s0+$0xFFFFFF50] =	vst v5;
	v5 =	vsub.f32 v6, v3;
	v6 =	vld [tilespmem:s0+$0xFFFFFFC0]  }
0xd1: {  	[tilespmem:s0+$0xFFFFFF60] =	vst v4;
	v4 =	vsub.f32 v7, v0;
	v7 =	vld [tilespmem:s0+$0xFFFFFFD0]  }
0xd2: {  	[tilespmem:s0+$0xFFFFFF70] =	vst v5;
	v5 =	vsub.f32 v8, v1;
	v8 =	vld [tilespmem:s0+$0xFFFFFFE0]  }
0xd3: {  	[tilespmem:s0+$0xFFFFFF80] =	vst v4;
	v4 =	vsub.f32 v9, v2;
	v9 =	vld [tilespmem:s0+$0x0]  }
0xd4: {  	[tilespmem:s0+$0xFFFFFF90] =	vst v5;
	v5 =	vsub.f32 v10, v3;
	v10 =	vld [tilespmem:s0+$0x10]  }
0xd5: {  	[tilespmem:s0+$0xFFFFFFA0] =	vst v4;
	v4 =	vsub.f32 v6, v0;
	v6 =	vld [tilespmem:s0+$0x20]  }
0xd6: {  	[tilespmem:s0+$0xFFFFFFB0] =	vst v5;
	v5 =	vsub.f32 v7, v1;
	v7 =	vld [tilespmem:s0+$0x30]  }
0xd7: {  	[tilespmem:s0+$0xFFFFFFC0] =	vst v4;
	v4 =	vsub.f32 v8, v2;
	v8 =	vld [tilespmem:s0+$0x40]  }
0xd8: {  	[tilespmem:s0+$0xFFFFFFD0] =	vst v5;
	v5 =	vsub.f32 v9, v0;
	v9 =	vld [tilespmem:s0+$0x50]  }
0xd9: {  	[tilespmem:s0+$0xFFFFFFE0] =	vst v4;
	v4 =	vsub.f32 v10, v1;
	v10 =	vld [tilespmem:s0+$0x60]  }
0xda: {  	[tilespmem:s0+$0x0] =	vst v5;
	v5 =	vsub.f32 v6, v2;
	v6 =	vld [tilespmem:s0+$0x70]  }
0xdb: {  	[tilespmem:s0+$0x10] =	vst v4;
	v4 =	vsub.f32 v7, v3;
	v7 =	vld [tilespmem:s0+$0x80]  }
0xdc: {  	[tilespmem:s0+$0x20] =	vst v5;
	v5 =	vsub.f32 v8, v0;
	v8 =	vld [tilespmem:s0+$0x90]  }
0xdd: {  	[tilespmem:s0+$0x30] =	vst v4;
	v4 =	vsub.f32 v9, v1;
	v9 =	vld [tilespmem:s0+$0xA0]  }
0xde: {  	[tilespmem:s0+$0x40] =	vst v5;
	v5 =	vsub.f32 v10, v2;
	v10 =	vld [tilespmem:s0+$0xB0]  }
0xdf: {  	[tilespmem:s0+$0x50] =	vst v4;
	v6 =	vsub.f32 v6, v3;
	v4 =	vld [tilespmem:s0+$0xC0]  }
0xe0: {  	[tilespmem:s0+$0x60] =	vst v5;
	v7 =	vsub.f32 v7, v0;
	v5 =	vld [tilespmem:s0+$0xD0]  }
0xe1: {  	[tilespmem:s0+$0x70] =	vst v6;
	v11 =	vsub.f32 v8, v1;
	v6 =	vld [tilespmem:s0+$0xE0]  }
0xe2: {  	[tilespmem:s0+$0x80] =	vst v7;
	v7 =	vld [tilespmem:s0+$0xF0];
	v9 =	vsub.f32 v9, v2  }
0xe3: {  	s1 =	simm.s32 $0x0;
	s11 =	simm.s32 $0xA700;
	v8 =	vld [tilespmem:s0+$0xFFFFFFF0];
	[tilespmem:s0+$0x90] =	vst v11;
	v10 =	vsub.f32 v10, v3  }
.LBB2_7:
0xe4: {  	v11 =	vld [tilespmem:s11+$0xFFFFFF00];
	[tilespmem:s0+$0xA0] =	vst v9;
	v4 =	vsub.f32 v4, v0  }
0xe5: {  	v9 =	vld [tilespmem:s11+$0xFFFFFF10];
	[tilespmem:s0+$0xB0] =	vst v10;
	v5 =	vsub.f32 v5, v1  }
0xe6: {  	v10 =	vld [tilespmem:s11+$0xFFFFFF20];
	[tilespmem:s0+$0xC0] =	vst v4;
	v4 =	vsub.f32 v6, v2  }
0xe7: {  	v6 =	vld [tilespmem:s11+$0xFFFFFF30];
	[tilespmem:s0+$0xD0] =	vst v5;
	v5 =	vsub.f32 v7, v3  }
0xe8: {  	v7 =	vld [tilespmem:s11+$0xFFFFFF40];
	v8 =	vsub.f32 v8, v3;
	[tilespmem:s0+$0xE0] =	vst v4  }
0xe9: {  	v4 =	vsub.f32 v11, v0;
	v11 =	vld [tilespmem:s11+$0xFFFFFF50];
	[tilespmem:s0+$0xF0] =	vst v5  }
0xea: {  	v5 =	vsub.f32 v9, v1;
	v9 =	vld [tilespmem:s11+$0xFFFFFF60];
	[tilespmem:s0+$0xFFFFFFF0] =	vst v8;
	s0 =	smov.u32 s11  }
0xeb: {  	[tilespmem:s11+$0xFFFFFF00] =	vst v4;
	v4 =	vsub.f32 v10, v2;
	v8 =	vld [tilespmem:s11+$0xFFFFFF70]  }
0xec: {  	[tilespmem:s11+$0xFFFFFF10] =	vst v5;
	v5 =	vsub.f32 v6, v3;
	v6 =	vld [tilespmem:s11+$0xFFFFFF80]  }
0xed: {  	[tilespmem:s11+$0xFFFFFF20] =	vst v4;
	v4 =	vsub.f32 v7, v0;
	v7 =	vld [tilespmem:s11+$0xFFFFFF90]  }
0xee: {  	[tilespmem:s11+$0xFFFFFF30] =	vst v5;
	v5 =	vsub.f32 v11, v1;
	v10 =	vld [tilespmem:s11+$0xFFFFFFA0]  }
0xef: {  	[tilespmem:s11+$0xFFFFFF40] =	vst v4;
	v4 =	vsub.f32 v9, v2;
	v9 =	vld [tilespmem:s11+$0xFFFFFFB0]  }
0xf0: {  	[tilespmem:s11+$0xFFFFFF50] =	vst v5;
	v5 =	vsub.f32 v8, v3;
	v8 =	vld [tilespmem:s11+$0xFFFFFFC0]  }
0xf1: {  	[tilespmem:s11+$0xFFFFFF60] =	vst v4;
	v4 =	vsub.f32 v6, v0;
	v6 =	vld [tilespmem:s11+$0xFFFFFFD0]  }
0xf2: {  	[tilespmem:s11+$0xFFFFFF70] =	vst v5;
	v5 =	vsub.f32 v7, v1;
	v7 =	vld [tilespmem:s11+$0xFFFFFFE0]  }
0xf3: {  	[tilespmem:s11+$0xFFFFFF80] =	vst v4;
	v4 =	vsub.f32 v10, v2;
	v10 =	vld [tilespmem:s11+$0x0]  }
0xf4: {  	[tilespmem:s11+$0xFFFFFF90] =	vst v5;
	v5 =	vsub.f32 v9, v3;
	v9 =	vld [tilespmem:s11+$0x10]  }
0xf5: {  	[tilespmem:s11+$0xFFFFFFA0] =	vst v4;
	v4 =	vsub.f32 v8, v0;
	v8 =	vld [tilespmem:s11+$0x20]  }
0xf6: {  	[tilespmem:s11+$0xFFFFFFB0] =	vst v5;
	v5 =	vsub.f32 v6, v1;
	v6 =	vld [tilespmem:s11+$0x30]  }
0xf7: {  	[tilespmem:s11+$0xFFFFFFC0] =	vst v4;
	v4 =	vsub.f32 v7, v2;
	v7 =	vld [tilespmem:s11+$0x40]  }
0xf8: {  	[tilespmem:s11+$0xFFFFFFD0] =	vst v5;
	v5 =	vsub.f32 v10, v0;
	v10 =	vld [tilespmem:s11+$0x50]  }
0xf9: {  	[tilespmem:s11+$0xFFFFFFE0] =	vst v4;
	v4 =	vsub.f32 v9, v1;
	v9 =	vld [tilespmem:s11+$0x60]  }
0xfa: {  	[tilespmem:s11+$0x0] =	vst v5;
	v5 =	vsub.f32 v8, v2;
	v8 =	vld [tilespmem:s11+$0x70]  }
0xfb: {  	[tilespmem:s11+$0x10] =	vst v4;
	v4 =	vsub.f32 v6, v3;
	v6 =	vld [tilespmem:s11+$0x80]  }
0xfc: {  	[tilespmem:s11+$0x20] =	vst v5;
	v5 =	vsub.f32 v7, v0;
	v7 =	vld [tilespmem:s11+$0x90]  }
0xfd: {  	s1 =	sadd.s32 $0x8, s1;
	[tilespmem:s11+$0x30] =	vst v4;
	v4 =	vsub.f32 v10, v1;
	v10 =	vld [tilespmem:s11+$0xA0]  }
0xfe: {  	p1 =	slt.u32 s1, $0x78;
	[tilespmem:s11+$0x40] =	vst v5;
	v5 =	vsub.f32 v9, v2;
	v11 =	vld [tilespmem:s11+$0xB0]  }
.Ltmp2:
0xff: {  	[tilespmem:s11+$0x50] =	vst v4;
	v8 =	vsub.f32 v8, v3;
	v4 =	vld [tilespmem:s11+$0xC0];
	(pc) =	sbr.rel @p1 .LBB2_7-.Ltmp2, $4  }
0x100: {  	[tilespmem:s11+$0x60] =	vst v5;
	v9 =	vsub.f32 v6, v0;
	v5 =	vld [tilespmem:s11+$0xD0]  }
0x101: {  	[tilespmem:s11+$0x70] =	vst v8;
	v12 =	vsub.f32 v7, v1;
	v6 =	vld [tilespmem:s11+$0xE0]  }
0x102: {  	[tilespmem:s11+$0x80] =	vst v9;
	v9 =	vsub.f32 v10, v2;
	v7 =	vld [tilespmem:s11+$0xF0]  }
0x103: {  	s11 =	sadd.s32 $0x200, s11;
	v8 =	vld [tilespmem:s0+$0xFFFFFFF0];
	[tilespmem:s0+$0x90] =	vst v12;
	v10 =	vsub.f32 v11, v3  }
0x104: {  	[tilespmem:s0+$0xA0] =	vst v9;
	v4 =	vsub.f32 v4, v0  }
0x105: {  	[tilespmem:s0+$0xB0] =	vst v10;
	v5 =	vsub.f32 v5, v1  }
0x106: {  	[tilespmem:s0+$0xC0] =	vst v4;
	v4 =	vsub.f32 v6, v2  }
0x107: {  	s1 =	sshll.u32 s29, $0xE;
	[tilespmem:s0+$0xD0] =	vst v5;
	v5 =	vsub.f32 v7, v3  }
0x108: {  	s1 =	sadd.s32 s4, s1;
	v6 =	vsub.f32 v8, v3;
	[tilespmem:s0+$0xE0] =	vst v4  }
0x109: {  	s1 =	sshrl.u32 s1, $0x3;
	[tilespmem:s0+$0xF0] =	vst v5  }
0x10a: {  	s29 =	sadd.s32 s6, s1;
	[tilespmem:s0+$0xFFFFFFF0] =	vst v6  }
0x10b: {  	[hbm4b:s29+s17] =	stream.strided.scatter [tilespmem:s15], [sflag:$0x7], $0x2000, s12, s17, $0x38;
	[tilespmem:$0xE440] =	vst v63  }
0x10c: {  	_ =	swait.ge [sflag:s22], $0x2000  }
0x10d: {  	s11 =	simm.s32 @!p0 $0x8400;
	[sflag:s22] =	ssyncset.done $0x0  }
0x10e: {  	s1 =	simm.s32 @!p0 $0x80;
	s0 =	sadd.s32 @!p0 $0x280, s31;
	[sflag:s22] =	ssyncadd.s32 $0xFFFFE000  }
0x10f: {  	[tilespmem:s11], [sflag:$0x2] =	stream.indirect.gather @!p0 [hbm4b:s3+s1], $0x40, s0, s1, $0xb8;
	[tilespmem:$0xE440] =	vst v63  }
0x110: {  	_ =	swait.ge [sflag:s23], $0x2000  }
0x111: {  	[sflag:s23] =	ssyncset.done $0x0  }
0x112: {  	s0 =	simm.s32 $0xC500;
	[sflag:s23] =	ssyncadd.s32 $0xFFFFE000  }
0x113: {  	v4 =	vld [tilespmem:s0+$0xFFFFFF00]  }
0x114: {  	v5 =	vld [tilespmem:s0+$0xFFFFFF10]  }
0x115: {  	v6 =	vld [tilespmem:s0+$0xFFFFFF20]  }
0x116: {  	v7 =	vld [tilespmem:s0+$0xFFFFFF30]  }
0x117: {  	v8 =	vld [tilespmem:s0+$0xFFFFFF40]  }
0x118: {  	v9 =	vld [tilespmem:s0+$0xFFFFFF50];
	v4 =	vsub.f32 v4, v0  }
0x119: {  	v10 =	vld [tilespmem:s0+$0xFFFFFF60];
	v5 =	vsub.f32 v5, v1  }
0x11a: {  	[tilespmem:s0+$0xFFFFFF00] =	vst v4;
	v4 =	vsub.f32 v6, v2;
	v6 =	vld [tilespmem:s0+$0xFFFFFF70]  }
0x11b: {  	[tilespmem:s0+$0xFFFFFF10] =	vst v5;
	v5 =	vsub.f32 v7, v3;
	v7 =	vld [tilespmem:s0+$0xFFFFFF80]  }
0x11c: {  	[tilespmem:s0+$0xFFFFFF20] =	vst v4;
	v4 =	vsub.f32 v8, v0;
	v8 =	vld [tilespmem:s0+$0xFFFFFF90]  }
0x11d: {  	[tilespmem:s0+$0xFFFFFF30] =	vst v5;
	v5 =	vsub.f32 v9, v1;
	v9 =	vld [tilespmem:s0+$0xFFFFFFA0]  }
0x11e: {  	[tilespmem:s0+$0xFFFFFF40] =	vst v4;
	v4 =	vsub.f32 v10, v2;
	v10 =	vld [tilespmem:s0+$0xFFFFFFB0]  }
0x11f: {  	[tilespmem:s0+$0xFFFFFF50] =	vst v5;
	v5 =	vsub.f32 v6, v3;
	v6 =	vld [tilespmem:s0+$0xFFFFFFC0]  }
0x120: {  	[tilespmem:s0+$0xFFFFFF60] =	vst v4;
	v4 =	vsub.f32 v7, v0;
	v7 =	vld [tilespmem:s0+$0xFFFFFFD0]  }
0x121: {  	[tilespmem:s0+$0xFFFFFF70] =	vst v5;
	v5 =	vsub.f32 v8, v1;
	v8 =	vld [tilespmem:s0+$0xFFFFFFE0]  }
0x122: {  	[tilespmem:s0+$0xFFFFFF80] =	vst v4;
	v4 =	vsub.f32 v9, v2;
	v9 =	vld [tilespmem:s0+$0x0]  }
0x123: {  	[tilespmem:s0+$0xFFFFFF90] =	vst v5;
	v5 =	vsub.f32 v10, v3;
	v10 =	vld [tilespmem:s0+$0x10]  }
0x124: {  	[tilespmem:s0+$0xFFFFFFA0] =	vst v4;
	v4 =	vsub.f32 v6, v0;
	v6 =	vld [tilespmem:s0+$0x20]  }
0x125: {  	[tilespmem:s0+$0xFFFFFFB0] =	vst v5;
	v5 =	vsub.f32 v7, v1;
	v7 =	vld [tilespmem:s0+$0x30]  }
0x126: {  	[tilespmem:s0+$0xFFFFFFC0] =	vst v4;
	v4 =	vsub.f32 v8, v2;
	v8 =	vld [tilespmem:s0+$0x40]  }
0x127: {  	[tilespmem:s0+$0xFFFFFFD0] =	vst v5;
	v5 =	vsub.f32 v9, v0;
	v9 =	vld [tilespmem:s0+$0x50]  }
0x128: {  	[tilespmem:s0+$0xFFFFFFE0] =	vst v4;
	v4 =	vsub.f32 v10, v1;
	v10 =	vld [tilespmem:s0+$0x60]  }
0x129: {  	[tilespmem:s0+$0x0] =	vst v5;
	v5 =	vsub.f32 v6, v2;
	v6 =	vld [tilespmem:s0+$0x70]  }
0x12a: {  	[tilespmem:s0+$0x10] =	vst v4;
	v4 =	vsub.f32 v7, v3;
	v7 =	vld [tilespmem:s0+$0x80]  }
0x12b: {  	[tilespmem:s0+$0x20] =	vst v5;
	v5 =	vsub.f32 v8, v0;
	v8 =	vld [tilespmem:s0+$0x90]  }
0x12c: {  	[tilespmem:s0+$0x30] =	vst v4;
	v4 =	vsub.f32 v9, v1;
	v9 =	vld [tilespmem:s0+$0xA0]  }
0x12d: {  	[tilespmem:s0+$0x40] =	vst v5;
	v5 =	vsub.f32 v10, v2;
	v10 =	vld [tilespmem:s0+$0xB0]  }
0x12e: {  	[tilespmem:s0+$0x50] =	vst v4;
	v6 =	vsub.f32 v6, v3;
	v4 =	vld [tilespmem:s0+$0xC0]  }
0x12f: {  	[tilespmem:s0+$0x60] =	vst v5;
	v7 =	vsub.f32 v7, v0;
	v5 =	vld [tilespmem:s0+$0xD0]  }
0x130: {  	[tilespmem:s0+$0x70] =	vst v6;
	v11 =	vsub.f32 v8, v1;
	v6 =	vld [tilespmem:s0+$0xE0]  }
0x131: {  	[tilespmem:s0+$0x80] =	vst v7;
	v7 =	vld [tilespmem:s0+$0xF0];
	v9 =	vsub.f32 v9, v2  }
0x132: {  	s1 =	simm.s32 $0x0;
	s11 =	simm.s32 $0xC700;
	v8 =	vld [tilespmem:s0+$0xFFFFFFF0];
	[tilespmem:s0+$0x90] =	vst v11;
	v10 =	vsub.f32 v10, v3  }
.LBB2_9:
0x133: {  	v11 =	vld [tilespmem:s11+$0xFFFFFF00];
	[tilespmem:s0+$0xA0] =	vst v9;
	v4 =	vsub.f32 v4, v0  }
0x134: {  	v9 =	vld [tilespmem:s11+$0xFFFFFF10];
	[tilespmem:s0+$0xB0] =	vst v10;
	v5 =	vsub.f32 v5, v1  }
0x135: {  	v10 =	vld [tilespmem:s11+$0xFFFFFF20];
	[tilespmem:s0+$0xC0] =	vst v4;
	v4 =	vsub.f32 v6, v2  }
0x136: {  	v6 =	vld [tilespmem:s11+$0xFFFFFF30];
	[tilespmem:s0+$0xD0] =	vst v5;
	v5 =	vsub.f32 v7, v3  }
0x137: {  	v7 =	vld [tilespmem:s11+$0xFFFFFF40];
	v8 =	vsub.f32 v8, v3;
	[tilespmem:s0+$0xE0] =	vst v4  }
0x138: {  	v4 =	vsub.f32 v11, v0;
	v11 =	vld [tilespmem:s11+$0xFFFFFF50];
	[tilespmem:s0+$0xF0] =	vst v5  }
0x139: {  	v5 =	vsub.f32 v9, v1;
	v9 =	vld [tilespmem:s11+$0xFFFFFF60];
	[tilespmem:s0+$0xFFFFFFF0] =	vst v8;
	s0 =	smov.u32 s11  }
0x13a: {  	[tilespmem:s11+$0xFFFFFF00] =	vst v4;
	v4 =	vsub.f32 v10, v2;
	v8 =	vld [tilespmem:s11+$0xFFFFFF70]  }
0x13b: {  	[tilespmem:s11+$0xFFFFFF10] =	vst v5;
	v5 =	vsub.f32 v6, v3;
	v6 =	vld [tilespmem:s11+$0xFFFFFF80]  }
0x13c: {  	[tilespmem:s11+$0xFFFFFF20] =	vst v4;
	v4 =	vsub.f32 v7, v0;
	v7 =	vld [tilespmem:s11+$0xFFFFFF90]  }
0x13d: {  	[tilespmem:s11+$0xFFFFFF30] =	vst v5;
	v5 =	vsub.f32 v11, v1;
	v10 =	vld [tilespmem:s11+$0xFFFFFFA0]  }
0x13e: {  	[tilespmem:s11+$0xFFFFFF40] =	vst v4;
	v4 =	vsub.f32 v9, v2;
	v9 =	vld [tilespmem:s11+$0xFFFFFFB0]  }
0x13f: {  	[tilespmem:s11+$0xFFFFFF50] =	vst v5;
	v5 =	vsub.f32 v8, v3;
	v8 =	vld [tilespmem:s11+$0xFFFFFFC0]  }
0x140: {  	[tilespmem:s11+$0xFFFFFF60] =	vst v4;
	v4 =	vsub.f32 v6, v0;
	v6 =	vld [tilespmem:s11+$0xFFFFFFD0]  }
0x141: {  	[tilespmem:s11+$0xFFFFFF70] =	vst v5;
	v5 =	vsub.f32 v7, v1;
	v7 =	vld [tilespmem:s11+$0xFFFFFFE0]  }
0x142: {  	[tilespmem:s11+$0xFFFFFF80] =	vst v4;
	v4 =	vsub.f32 v10, v2;
	v10 =	vld [tilespmem:s11+$0x0]  }
0x143: {  	[tilespmem:s11+$0xFFFFFF90] =	vst v5;
	v5 =	vsub.f32 v9, v3;
	v9 =	vld [tilespmem:s11+$0x10]  }
0x144: {  	[tilespmem:s11+$0xFFFFFFA0] =	vst v4;
	v4 =	vsub.f32 v8, v0;
	v8 =	vld [tilespmem:s11+$0x20]  }
0x145: {  	[tilespmem:s11+$0xFFFFFFB0] =	vst v5;
	v5 =	vsub.f32 v6, v1;
	v6 =	vld [tilespmem:s11+$0x30]  }
0x146: {  	[tilespmem:s11+$0xFFFFFFC0] =	vst v4;
	v4 =	vsub.f32 v7, v2;
	v7 =	vld [tilespmem:s11+$0x40]  }
0x147: {  	[tilespmem:s11+$0xFFFFFFD0] =	vst v5;
	v5 =	vsub.f32 v10, v0;
	v10 =	vld [tilespmem:s11+$0x50]  }
0x148: {  	[tilespmem:s11+$0xFFFFFFE0] =	vst v4;
	v4 =	vsub.f32 v9, v1;
	v9 =	vld [tilespmem:s11+$0x60]  }
0x149: {  	[tilespmem:s11+$0x0] =	vst v5;
	v5 =	vsub.f32 v8, v2;
	v8 =	vld [tilespmem:s11+$0x70]  }
0x14a: {  	[tilespmem:s11+$0x10] =	vst v4;
	v4 =	vsub.f32 v6, v3;
	v6 =	vld [tilespmem:s11+$0x80]  }
0x14b: {  	[tilespmem:s11+$0x20] =	vst v5;
	v5 =	vsub.f32 v7, v0;
	v7 =	vld [tilespmem:s11+$0x90]  }
0x14c: {  	s1 =	sadd.s32 $0x8, s1;
	[tilespmem:s11+$0x30] =	vst v4;
	v4 =	vsub.f32 v10, v1;
	v10 =	vld [tilespmem:s11+$0xA0]  }
0x14d: {  	p0 =	slt.u32 s1, $0x78;
	[tilespmem:s11+$0x40] =	vst v5;
	v5 =	vsub.f32 v9, v2;
	v11 =	vld [tilespmem:s11+$0xB0]  }
.Ltmp3:
0x14e: {  	[tilespmem:s11+$0x50] =	vst v4;
	v8 =	vsub.f32 v8, v3;
	v4 =	vld [tilespmem:s11+$0xC0];
	(pc) =	sbr.rel @p0 .LBB2_9-.Ltmp3, $4  }
0x14f: {  	[tilespmem:s11+$0x60] =	vst v5;
	v9 =	vsub.f32 v6, v0;
	v5 =	vld [tilespmem:s11+$0xD0]  }
0x150: {  	[tilespmem:s11+$0x70] =	vst v8;
	v12 =	vsub.f32 v7, v1;
	v6 =	vld [tilespmem:s11+$0xE0]  }
0x151: {  	[tilespmem:s11+$0x80] =	vst v9;
	v9 =	vsub.f32 v10, v2;
	v7 =	vld [tilespmem:s11+$0xF0]  }
0x152: {  	s11 =	sadd.s32 $0x200, s11;
	v8 =	vld [tilespmem:s0+$0xFFFFFFF0];
	[tilespmem:s0+$0x90] =	vst v12;
	v10 =	vsub.f32 v11, v3  }
0x153: {  	[tilespmem:s0+$0xA0] =	vst v9;
	v4 =	vsub.f32 v4, v0  }
0x154: {  	s28 =	sadd.s32 $0x1, s28;
	[tilespmem:s0+$0xB0] =	vst v10;
	v5 =	vsub.f32 v5, v1  }
0x155: {  	p0 =	sne.s32 s28, $0x32;
	[tilespmem:s0+$0xC0] =	vst v4;
	v4 =	vsub.f32 v6, v2  }
.Ltmp4:
0x156: {  	s1 =	sshll.u32 s30, $0xE;
	[tilespmem:s0+$0xD0] =	vst v5;
	v5 =	vsub.f32 v7, v3;
	(pc) =	sbr.rel @p0 .LBB2_2-.Ltmp4, $4  }
0x157: {  	s1 =	sadd.s32 s4, s1;
	v63 =	vsub.f32 v8, v3;
	[tilespmem:s0+$0xE0] =	vst v4  }
0x158: {  	s1 =	sshrl.u32 s1, $0x3;
	[tilespmem:s0+$0xF0] =	vst v5  }
0x159: {  	s31 =	sadd.s32 s6, s1;
	[tilespmem:s0+$0xFFFFFFF0] =	vst v63  }
0x15a: {  	[hbm4b:s31+s17] =	stream.strided.scatter [tilespmem:s18], [sflag:$0x8], $0x2000, s12, s17, $0x38;
	[tilespmem:$0xE440] =	vst v63  }
0x15b: {  	s26 =	sadd.s32 $0x1, s26  }
0x15c: {  	_ =	swait.ge [sflag:s24], $0x2000;
	p0 =	sne.s32 s26, s9  }
.Ltmp5:
0x15d: {  	[sflag:s24] =	ssyncset.done $0x0;
	(pc) =	sbr.rel @p0 .LBB2_1-.Ltmp5, $4  }
0x15e: {  	[sflag:s24] =	ssyncadd.s32 $0xFFFFE000  }
0x15f: {  	_ =	swait.ge [sflag:s25], $0x2000  }
0x160: {  	[sflag:s25] =	ssyncset.done $0x0  }
0x161: {  	[sflag:s25] =	ssyncadd.s32 $0xFFFFE000  }
0x162: {  	_ =	sfence.sel $0x180000  }
0x163: {  	[bflag:$0x0] =	sbarrier.arrive $0xFFFF  }
0x164: {  	_ =	strace $0x90000047  }
0x165: {  	s0 =	stileid.u32;
	[bflag:$0x2] =	sbarrier.arrive $0xFFFF  }
0x166: {  	p0 =	sne.s32 s0, $0x0;
	s0 =	rddreg [dreg:$0x2]  }
0x167: {  	s0 =	sadd.s32 @!p0 $0x100000, s0  }
0x168: {  	[sflag:s0] =	ssyncadd.tile.s32 @!p0 $0x1;
	_ =	shalt  }
.Lfunc_end2:
_tile_overlayer_lowered:
.L_overlay_start_2:
0x169: {  	(tag) =	ssettag $0x2  }
0x16a: {  	s0 =	rddreg [dreg:$0x0];
	s2 =	stileid.u32  }
0x16b: {  	s1 =	rddreg [dreg:$0x1];
	p0 =	sne.s32 s2, $0x0  }
0x16c: {  	s3 =	rddreg [dreg:$0x2];
	[bflag:$0x3] =	sbarrier.arrive $0xFFFF;
	s2 =	simm.s32 @!p0 $0x1C09  }
0x16d: {  	[timem:s3], [sflag:s2] =	dma.local @!p0 [hbm:s0], s1  }
0x16e: {  	s0 =	simm.s32 @!p0 $0x9  }
0x16f: {  	_ =	swait.ge @!p0 [sflag:s0], s1  }
0x170: {  	s1 =	ssub.s32 @!p0 $0x0, s1;
	[sflag:s0] =	ssyncset.done @!p0 $0x0  }
0x171: {  	[sflag:s0] =	ssyncadd.s32 @!p0 s1  }
0x172: {  	[bflag:$0x3] =	sbarrier.arrive $0xFFFF  }
0x173: {  	_ =	shalt  }

// kernel: sparse-core-data-format-call.cloned.1.call-start
scs
called_computation_lowered:
.L_overlay_start_0:
0x0: {  	s2 =	sld [smem:$0x3FD9]  }
0x1: {  	s3 =	sld [smem:$0x3FFE];
	_ =	sdelay $0x1  }
0x2: {  	s1 =	srdreg.scid  }
0x3: {  	s0 =	sand.u32 $0x1, s1  }
0x4: {  	s15 =	sshll.u32 s0, $0xA;
	s2 =	sadd.s32 s3, s2  }
0x5: {  	s2 =	sadd.s32 s2, s15  }
0x6: {  	[smem:$0x3FC3] =	sst s2  }
0x7: {  	_ = 	snop  }
0x8: {  	s2 =	sld [smem:$0x3FD0];
	_ =	sdelay $0x2  }
0x9: {  	s16 =	simm.s32 $0xA;
	s4 =	simm.s32 $0x10  }
0xa: {  	[smem:s4], [sflag:s16] =	dma.local [hbm:s2], $0x1  }
0xb: {  	_ =	swait.eq [sflag:s16], $0x1  }
0xc: {  	[sflag:s16] =	ssyncset.done $0x0  }
0xd: {  	[sflag:s16] =	ssyncadd.s32 $0xFFFFFFFF  }
0xe: {  	s17 =	sld [smem:$0x10];
	(tm) =	ssettm $0x1  }
0xf: {  	s18 =	sld [smem:$0x3FFB];
	_ =	sdelay $0x3  }
0x10: {  	_ =	strace s18  }
0x11: {  	s3 =	sld [smem:$0x3FFC];
	_ =	sdelay $0x3  }
0x12: {  	_ =	strace s3  }
0x13: {  	s3 =	sld [smem:$0x3FFD];
	_ =	sdelay $0x3  }
0x14: {  	_ =	strace s3  }
0x15: {  	_ =	strace $0x8FFFFFFF  }
0x16: {  	s19 =	sld [smem:$0x3FDB];
	_ =	sdelay $0x1  }
0x17: {  	s20 =	simm.s32 $_scs_section_size  }
0x18: {  	s5 =	simm.s32 $_size__tile_overlayer_lowered;
	s6 =	simm.s32 $_tile_overlayer_lowered  }
0x19: {  	s23 =	simm.s32 $0x1BFF;
	s22 =	sshll.u32 s6, $0x1;
	s3 =	sadd.s32 s20, s19  }
0x1a: {  	s7 =	simm.s32 $0x0;
	s21 =	sshll.u32 s5, $0x1;
	s5 =	sadd.s32 s22, s3  }
0x1b: {  	[timem:s7], [sflag:s23] =	dma.local [hbm:s5], s21  }
0x1c: {  	_ =	swait.ge [sflag:s23], s21  }
0x1d: {  	s4 =	ssub.s32 $0x0, s21;
	[sflag:s23] =	ssyncset.done $0x0  }
0x1e: {  	[sflag:s23] =	ssyncadd.s32 s4;
	_ =	sdelay $0x1  }
0x1f: {  	s24 =	simm.s32 $0x1B8B  }
0x20: {  	_ =	swait.ge [sflag:s24], $0x1  }
0x21: {  	[sflag:s24] =	ssyncset.done $0x0  }
0x22: {  	s26 =	simm.s32 $0x1B8E;
	s25 =	sld [smem:$0x3FFE];
	[sflag:s24] =	ssyncadd.s32 $0xFFFFFFFF  }
0x23: {  	s27 =	simm.s32 $execute0_lowered;
	[smem:$0x3FD2] =	sst s26  }
0x24: {  	s5 =	sshll.u32 s27, $0x1;
	_ =	strace $0x80000049;
	[dreg:$0x1] =	wrdreg $0xFFFFFFFF  }
0x25: {  	s28 =	simm.s32 $_size_execute0_lowered;
	s3 =	sadd.s32 s3, s5;
	[dreg:$0x0] =	wrdreg $0x0  }
0x26: {  	s5 =	sshll.u32 s28, $0x1;
	[dreg:$0x2] =	wrdreg s3  }
0x27: {  	[dreg:$0x3] =	wrdreg s5  }
0x28: {  	[dreg:$0x4] =	wrdreg $0xC0  }
0x29: {  	_ =	task [dreg:s7], $0x5FFFF  }
0x2a: {  	[dreg:$0x1] =	wrdreg $0xFFFFFFFF  }
0x2b: {  	[dreg:$0x0] =	wrdreg $0x60  }
0x2c: {  	[dreg:$0x2] =	wrdreg s25  }
0x2d: {  	[dreg:$0x3] =	wrdreg s17  }
0x2e: {  	[dreg:$0x4] =	wrdreg $0x9  }
0x2f: {  	_ =	task.clear_ibuf [dreg:s7], $0x5FFFF;
	_ =	strace $0x90000049  }
0x30: {  	s29 =	simm.s32 $0x9;
	_ =	strace $0x8000004B  }
0x31: {  	_ =	swait.ge [sflag:s29], $0x1  }
0x32: {  	[sflag:s29] =	ssyncadd.s32 $0xFFFFFFFF  }
0x33: {  	_ =	strace $0x9000004B  }
0x34: {  	_ =	sfence  }
0x35: {  	s30 =	sld [smem:$0x0];
	_ =	sdelay $0x2  }
0x36: {  	s31 =	sshll.u32 s1, $0xD;
	s1 =	sshrl.u32 s1, $0x2  }
0x37: {  	s3 =	sand.u32 $0x4000, s31;
	s1 =	sadd.s32 s1, s30  }
0x38: {  	s0 =	sor.u32 s3, s0;
	s1 =	sshll.u32 s1, $0x11  }
0x39: {  	s0 =	sor.u32 s1, s0  }
0x3a: {  	s0 =	sadd.s32 $0x8F2B, s0  }
0x3b: {  	[sflag:s0] =	ssyncadd.remote.s32 $0x1  }
0x3c: {  	_ =	sfence.sel $0xFFFF  }
0x3d: {  	[dreg:$0x0] =	wrdreg $0xFFFFFFFF;
	(pc) =	sbr.abs _section_cstart, $3  }
0x3e: {  	[dreg:$0x1] =	wrdreg $0xFFFFFFFF  }
0x3f: {  	_ =	task.clear_ibuf [dreg:s7], $0x2FFFF;
	_ =	strace $0x9FFFFFFF  }
0x40: {  	(tm) =	ssettm $0x7FFFFFFF  }
0x41: {  	_ =	shalt  }
tec
execute0_lowered:
.L_overlay_start_1:
0x0: {  	(tag) =	ssettag $0x1  }
0x1: {  	s0 =	srdreg.scid  }
0x2: {  	s1 =	sshll.u32 s0, $0x4  }
0x3: {  	s0 =	stileid.u32;
	s1 =	sand.u32 $0x10, s1  }
0x4: {  	s1 =	sor.u32 s0, s1  }
0x5: {  	s6 =	rddreg [dreg:$0x0];
	s4 =	simm.s32 $0x1;
	s2 =	sshll.u32 s1, $0x7  }
0x6: {  	s7 =	simm.s32 $0x2;
	s12 =	simm.s32 $0x0;
	s1 =	ssub.s32 $0x1000, s2  }
0x7: {  	s8 =	simm.s32 $0x8000;
	s13 =	simm.s32 $0x0;
	s3 =	sand.u32 $0xF80, s1  }
0x8: {  	s9 =	simm.s32 $0x0;
	s5 =	sshrl.u32 s1, $0xC;
	p0 =	sne.s32 s3, $0x0  }
.Ltmp0:
0x9: {  	s1 =	rddreg [dreg:$0x2];
	s4 =	simm.s32 @!p0 $0x0;
	(pc) =	sbr.rel .LBB1_1-.Ltmp0, $4  }
0xa: {  	s11 =	simm.s32 $0x0;
	s3 =	rddreg [dreg:$0x1];
	s5 =	sadd.s32 s4, s5  }
0xb: {  	_ =	strace $0x8000004A;
	s4 =	simm.s32 $0x1;
	s5 =	smul.u32 $0xC8, s5  }
0xc: {  	s6 =	sadd.s32 $0xF43200, s6;
	s10 =	smov.u32 s2;
	[sflag:s4] =	ssyncpa.u1 $0x0  }
0xd: {  	p0 =	por $0x0, $0x0;
	[sflag:s7] =	ssyncpa.u1 $0x0;
	s7 =	sor.u32 $0x1, s5  }
.LBB1_4:
0xe: {  	s16 =	sshll.u32 s13, $0x3;
	s17 =	sand.u32 $0x78, s13  }
0xf: {  	s30 =	sand.u32 $0x7E00, s13;
	s12 =	sshll.u32 s12, $0xF;
	s16 =	sand.u32 $0xC00, s16  }
0x10: {  	[tilespmem:s15+$0x810 ss:$0x81] =	vst.msk $0xffff, v2;
	s31 =	sand.u32 $0x7, s13;
	s16 =	sor.u32 s17, s16;
	s17 =	sadd.s32 s3, s30  }
0x11: {  	[tilespmem:s15+$0x1020 ss:$0x81] =	vst.msk $0xffff, v0;
	s13 =	sshll.u32 s31, $0x12;
	s12 =	sadd.s32 s12, s17;
	s16 =	sshrl.u32 s16, $0x3  }
0x12: {  	[tilespmem:s15+$0x0 ss:$0x81] =	vst.msk $0xffff, v1;
	s13 =	sor.u32 $0x400, s13;
	s12 =	sadd.s32 s16, s12  }
0x13: {  	[hbm4b:s12+s13] =	stream.strided.scatter [tilespmem:s14], [sflag:$0x2], $0x2000, s8, s13, $0x20;
	[tilespmem:$0x8080] =	vst v63  }
.LBB1_5:
0x14: {  	s14 =	sadd.s32 $0x1, s9  }
0x15: {  	s12 =	sadd.s32 $0x1000, s10;
	s16 =	smov.u32 s10;
	p2 =	sgt.s32 s14, $0xC7  }
0x16: {  	s16 =	smov.u32 @p2 s12  }
0x17: {  	s14 =	simm.s32 @p2 $0x0;
	p2 =	sgt.s32 s16, $0xFFF  }
0x18: {  	s16 =	smov.u32 @p2 s2;
	p2 =	sne.s32 s11, s7  }
.Ltmp1:
0x19: {  	p1 =	slt.u32 s11, $0x2;
	(pc) =	sbr.rel @!p2 .LBB1_6-.Ltmp1, $4  }
0x1a: {  	s15 =	simm.s32 @!p1 $0x2  }
0x1b: {  	s13 =	smov.u32 s10;
	p0 =	por !p0, !p0;
	_ =	swait.ge @!p1 [sflag:s15], $0x2000  }
0x1c: {  	s12 =	smov.u32 s9;
	[sflag:s15] =	ssyncset.done @!p1 $0x0;
	s9 =	smov.u32 s14  }
0x1d: {  	s11 =	sadd.s32 $0x1, s11;
	[sflag:s15] =	ssyncadd.s32 @!p1 $0xFFFFE000;
	s10 =	smov.u32 s16  }
.LBB1_1:
0x1e: {  	p1 =	sge.u32 s11, s5  }
0x1f: {  	s14 =	sand.u32 @!p1 $0x1FFFFFF, s9  }
0x20: {  	s15 =	smulhi.u32 @!p1 $0x147AE15, s14;
	_ =	sdelay $0x1  }
0x21: {  	s15 =	smul.u32 @!p1 $0xC8, s15  }
0x22: {  	s16 =	sxor.u32 @!p1 $0xFFFFFFFF, s11;
	s17 =	smul.u32 @!p1 $0xC80, s10  }
0x23: {  	s31 =	sadd.s32 $0xFFFFFFFF, s11;
	s16 =	sshll.u32 @!p1 s16, $0xD;
	s14 =	ssub.s32 @!p1 s14, s15  }
0x24: {  	s15 =	sand.u32 @!p1 $0x2000, s16;
	s16 =	sadd.s32 @!p1 s6, s17;
	s14 =	sshll.u32 @!p1 s14, $0x4  }
0x25: {  	s17 =	simm.s32 @!p1 $0x6400;
	s14 =	sadd.s32 @!p1 s14, s16;
	s16 =	simm.s32 @!p1 $0x40  }
0x26: {  	[tilespmem:s15], [sflag:$0x1] =	stream.strided.gather @!p1 [hbm4b:s14+s16], $0x2000, s17, s16, $0x38;
	[tilespmem:$0x8080] =	vst v63  }
0x27: {  	p1 =	sge.u32 s31, s5  }
.Ltmp2:
0x28: {  	_ = 	snop;
	(pc) =	sbr.rel @p1 .LBB1_5-.Ltmp2, $1  }
0x29: {  	_ =	sdelay $0x3  }
0x2a: {  	s14 =	simm.s32 $0x1  }
0x2b: {  	_ =	swait.ge [sflag:s4], $0x2000;
	s14 =	simm.s32 @!p0 $0x0  }
0x2c: {  	[sflag:s4] =	ssyncset.done $0x0;
	s15 =	sshll.u32 s14, $0xD  }
0x2d: {  	[sflag:s4] =	ssyncadd.s32 $0xFFFFE000;
	s18 =	sor.u32 $0x20, s15  }
0x2e: {  	s14 =	smul.u32 $0x8100, s14;
	v3 =	vld [tilespmem:s18+$0x10]  }
0x2f: {  	s30 =	sand.u32 $0x1, s11;
	v2 =	vld [tilespmem:s18+$0xFFFFFFF0]  }
0x30: {  	s15 =	smul.u32 $0x8100, s30;
	s14 =	sshrl.u32 s14, $0x2;
	v0 =	vld [tilespmem:s18+$0x0]  }
0x31: {  	v1 =	vld [tilespmem:s18+$0xFFFFFFE0];
	s16 =	sor.u32 $0x4000, s14  }
0x32: {  	s31 =	sshrl.u32 s15, $0x2;
	s15 =	sadd.s32 $0x0, s16  }
0x33: {  	s17 =	simm.s32 $0x4;
	s18 =	sadd.s32 $0x40, s18;
	s14 =	sor.u32 $0x4000, s31;
	[tilespmem:s15+$0x1830 ss:$0x81] =	vst.msk $0xffff, v3  }
.LBB1_3:
0x34: {  	v3 =	vld [tilespmem:s18+$0x10];
	p1 =	sne.s32 s17, $0x1FC;
	[tilespmem:s15+$0x810 ss:$0x81] =	vst.msk $0xffff, v2;
	s19 =	smov.u32 s17;
	s17 =	sadd.s32 $0x4, s17  }
.Ltmp3:
0x35: {  	v2 =	vld [tilespmem:s18+$0xFFFFFFF0];
	[tilespmem:s15+$0x1020 ss:$0x81] =	vst.msk $0xffff, v0;
	(pc) =	sbr.rel @p1 .LBB1_3-.Ltmp3, $4  }
0x36: {  	v0 =	vld [tilespmem:s18+$0x0];
	[tilespmem:s15+$0x0 ss:$0x81] =	vst.msk $0xffff, v1  }
0x37: {  	s15 =	sshra.s32 s19, $0x2;
	v1 =	vld [tilespmem:s18+$0xFFFFFFE0]  }
0x38: {  	s15 =	sadd.s32 s15, s16  }
0x39: {  	s18 =	sadd.s32 $0x40, s18;
	[tilespmem:s15+$0x1830 ss:$0x81] =	vst.msk $0xffff, v3  }
.Ltmp4:
0x3a: {  	_ = 	snop;
	(pc) =	sbr.rel .LBB1_4-.Ltmp4, $1  }
0x3b: {  	_ =	sdelay $0x3  }
.LBB1_6:
0x3c: {  	_ =	sfence.sel $0x180000  }
0x3d: {  	s2 =	simm.s32 $0x1;
	[bflag:$0x0] =	sbarrier.arrive $0xFFFF  }
0x3e: {  	s31 =	simm.s32 $0x2;
	[sflag:s2] =	ssyncpa.u1 $0x1  }
0x3f: {  	[sflag:s31] =	ssyncpa.u1 $0x1  }
0x40: {  	p0 =	sne.s32 s0, $0x0;
	_ =	strace $0x9000004A  }
0x41: {  	s0 =	sadd.s32 @!p0 $0x100000, s1;
	[bflag:$0x2] =	sbarrier.arrive $0xFFFF  }
0x42: {  	[sflag:s0] =	ssyncadd.tile.s32 @!p0 $0x1;
	_ =	shalt  }
.Lfunc_end1:
_tile_overlayer_lowered:
.L_overlay_start_2:
0x43: {  	(tag) =	ssettag $0x2  }
0x44: {  	s0 =	rddreg [dreg:$0x0];
	s2 =	stileid.u32  }
0x45: {  	s1 =	rddreg [dreg:$0x1];
	p0 =	sne.s32 s2, $0x0  }
0x46: {  	s3 =	rddreg [dreg:$0x2];
	[bflag:$0x3] =	sbarrier.arrive $0xFFFF;
	s2 =	simm.s32 @!p0 $0x1C01  }
0x47: {  	[timem:s3], [sflag:s2] =	dma.local @!p0 [hbm:s0], s1  }
0x48: {  	s0 =	simm.s32 @!p0 $0x1  }
0x49: {  	_ =	swait.ge @!p0 [sflag:s0], s1  }
0x4a: {  	s1 =	ssub.s32 @!p0 $0x0, s1;
	[sflag:s0] =	ssyncset.done @!p0 $0x0  }
0x4b: {  	[sflag:s0] =	ssyncadd.s32 @!p0 s1  }
0x4c: {  	[bflag:$0x3] =	sbarrier.arrive $0xFFFF  }
0x4d: {  	_ =	shalt  }

</sc_bundles>
